<compile_context>
chip_gen: v7x
topology: tpu7x:2x2x1
jax: 0.10.2.dev20260603
libtpu: 0.0.44.dev20260713+nightly
codegen_flags: <defaults>
</compile_context>

<pallas_src>
import functools

import jax
import jax.numpy as jnp
from jax import lax
from jax.experimental import pallas as pl
from jax.experimental.pallas import tpu as pltpu
from jax.experimental.pallas import tpu_sc as plsc

N = 10000
E = 320000
D = 128
DE = 16
H = 128
L = 3
G = 64

NC = 2
NS = 16
NW = NC * NS
CW = 128
CPW = 80
EP = NW * CPW * CW
NA = 10240
NPS = NA // NS
NCHK = NPS // CW

_mesh = plsc.VectorSubcoreMesh(core_axis_name="c", subcore_axis_name="s")


def _sc_body(h_hbm, src_hbm, dst_hbm, ep_hbm, out_hbm, srcv, dstv, gv, ev, agg):
    c = lax.axis_index("c")
    s = lax.axis_index("s")
    wid = c * NS + s

    def zrow(r, carry):
        for k in range(8):
            gv[r, pl.ds(k * 16, 16)] = jnp.zeros((16,), jnp.float32)
        return carry

    lax.fori_loop(0, CW, zrow, 0)

    def zchunk(t, carry):
        pltpu.sync_copy(gv, agg.at[pl.ds(s * NPS + t * CW, CW)])
        return carry

    lax.fori_loop(0, NCHK, zchunk, 0)
    plsc.subcore_barrier()

    def chunk(j, carry):
        base = (wid * CPW + j) * CW
        pltpu.sync_copy(src_hbm.at[pl.ds(base, CW)], srcv)
        pltpu.sync_copy(dst_hbm.at[pl.ds(base, CW)], dstv)
        pltpu.sync_copy(h_hbm.at[srcv], gv)
        pltpu.sync_copy(ep_hbm.at[pl.ds(base, CW)], ev)

        def crow(r, carry2):
            for k in range(8):
                sl = pl.ds(k * 16, 16)
                gv[r, sl] = jnp.maximum(gv[r, sl] + ev[r, sl], 0.0)
            return carry2

        lax.fori_loop(0, CW, crow, 0)
        pltpu.sync_copy(gv, agg.at[dstv], add=True)
        return carry

    lax.fori_loop(0, CPW, chunk, 0)
    plsc.subcore_barrier()

    def wchunk(t, carry):
        off = s * NPS + t * CW
        pltpu.sync_copy(agg.at[pl.ds(off, CW)], gv)
        pltpu.sync_copy(gv, out_hbm.at[c, pl.ds(off, CW)])
        return carry

    lax.fori_loop(0, NCHK, wchunk, 0)


_sc_gather_scatter = functools.partial(
    pl.kernel,
    out_type=jax.ShapeDtypeStruct((NC, NA, H), jnp.float32),
    mesh=_mesh,
    scratch_types=[
        pltpu.VMEM((CW,), jnp.int32),
        pltpu.VMEM((CW,), jnp.int32),
        pltpu.VMEM((CW, H), jnp.float32),
        pltpu.VMEM((CW, H), jnp.float32),
        pltpu.VMEM_SHARED((NA, H), jnp.float32),
    ],
)(_sc_body)


_BE = 2048


def _eproj_body(attr_ref, we_ref, be_ref, o0, o1, o2):
    a = attr_ref[...]
    for i, o in enumerate((o0, o1, o2)):
        w = we_ref[pl.ds(i * DE, DE), :]
        o[...] = (jnp.dot(a, w, preferred_element_type=jnp.float32)
                  + be_ref[pl.ds(i, 1), :])


def _eproj(edge_attr_pad, we_cat, be_pad):
    return pl.pallas_call(
        _eproj_body,
        grid=(EP // _BE,),
        in_specs=[
            pl.BlockSpec((_BE, DE), lambda i: (i, 0)),
            pl.BlockSpec((L * DE, H), lambda i: (0, 0)),
            pl.BlockSpec((8, H), lambda i: (0, 0)),
        ],
        out_specs=[pl.BlockSpec((_BE, H), lambda i: (i, 0))] * L,
        out_shape=[jax.ShapeDtypeStruct((EP, H), jnp.float32)] * L,
    )(edge_attr_pad, we_cat, be_pad)


_BN = 2000


def _node_body(h_ref, a0_ref, a1_ref, w1_ref, w2_ref, p_ref, o_ref):
    h = h_ref[...]
    z = h + a0_ref[0] + a1_ref[0]
    t = jnp.maximum(
        jnp.dot(z, w1_ref[...], preferred_element_type=jnp.float32)
        + p_ref[0:1, :], 0.0)
    z2 = (jnp.dot(t, w2_ref[...], preferred_element_type=jnp.float32)
          + p_ref[1:2, :])
    r = jnp.maximum(z2, 0.0) + h
    mu = jnp.mean(r, axis=1, keepdims=True)
    cv = r - mu
    var = jnp.mean(cv * cv, axis=1, keepdims=True)
    o_ref[...] = cv * lax.rsqrt(var + 1e-5) * p_ref[2:3, :] + p_ref[3:4, :]


def _node_update(h, aggpart, w1, w2, pvec):
    return pl.pallas_call(
        _node_body,
        grid=(N // _BN,),
        in_specs=[
            pl.BlockSpec((_BN, H), lambda i: (i, 0)),
            pl.BlockSpec((1, _BN, H), lambda i: (0, i, 0)),
            pl.BlockSpec((1, _BN, H), lambda i: (1, i, 0)),
            pl.BlockSpec((H, H), lambda i: (0, 0)),
            pl.BlockSpec((H, H), lambda i: (0, 0)),
            pl.BlockSpec((8, H), lambda i: (0, 0)),
        ],
        out_specs=pl.BlockSpec((_BN, H), lambda i: (i, 0)),
        out_shape=jax.ShapeDtypeStruct((N, H), jnp.float32),
    )(h, aggpart, aggpart, w1, w2, pvec)


_BP = 2000


def _pool_body(h_ref, b_ref, wr1_ref, wr2_ref, rv_ref, o_ref, acc, cnt):
    pid = pl.program_id(0)

    @pl.when(pid == 0)
    def _init():
        acc[...] = jnp.zeros((G, H), jnp.float32)
        cnt[...] = jnp.zeros((G, H), jnp.float32)

    ids = lax.broadcasted_iota(jnp.int32, (G, _BP), 0)
    b = jnp.reshape(b_ref[...], (1, _BP))
    onehot = (ids == b).astype(jnp.float32)
    acc[...] += jnp.dot(onehot, h_ref[...], preferred_element_type=jnp.float32)
    cnt[...] += jnp.sum(onehot, axis=1, keepdims=True)

    @pl.when(pid == pl.num_programs(0) - 1)
    def _fin():
        pooled = acc[...] / jnp.maximum(cnt[...], 1.0)
        t = jnp.maximum(
            jnp.dot(pooled, wr1_ref[...], preferred_element_type=jnp.float32)
            + rv_ref[0:1, :], 0.0)
        o2 = (jnp.dot(t, wr2_ref[...], preferred_element_type=jnp.float32)
              + rv_ref[1:2, :])
        o_ref[...] = o2[:, 0:1]


def _pool_readout(h, batch3d, wr1, wr2_pad, rvec):
    return pl.pallas_call(
        _pool_body,
        grid=(N // _BP,),
        in_specs=[
            pl.BlockSpec((_BP, H), lambda i: (i, 0)),
            pl.BlockSpec((1, 1, _BP), lambda i: (i, 0, 0)),
            pl.BlockSpec((H, H), lambda i: (0, 0)),
            pl.BlockSpec((H, H), lambda i: (0, 0)),
            pl.BlockSpec((8, H), lambda i: (0, 0)),
        ],
        out_specs=pl.BlockSpec((G, 1), lambda i: (0, 0)),
        out_shape=jax.ShapeDtypeStruct((G, 1), jnp.float32),
        scratch_shapes=[
            pltpu.VMEM((G, H), jnp.float32),
            pltpu.VMEM((G, H), jnp.float32),
        ],
    )(h, batch3d, wr1, wr2_pad, rvec)


def kernel(x, edge_index, edge_attr, batch, We, be, W1, b1, W2, b2,
           gamma, beta, Wr1, br1, Wr2, br2):
    pad = EP - E
    src_pad = jnp.concatenate([edge_index[0], jnp.zeros((pad,), jnp.int32)])
    dst_pad = jnp.concatenate([edge_index[1], jnp.full((pad,), N, jnp.int32)])
    attr_pad = jnp.concatenate(
        [edge_attr, jnp.zeros((pad, DE), jnp.float32)], axis=0)

    we_cat = We.reshape(L * DE, H)
    be_pad = jnp.zeros((8, H), jnp.float32).at[0:L].set(be)
    eps = _eproj(attr_pad, we_cat, be_pad)

    h = x
    for i in range(L):
        aggpart = _sc_gather_scatter(h, src_pad, dst_pad, eps[i])
        pvec = jnp.concatenate(
            [b1[i:i + 1], b2[i:i + 1], gamma[i:i + 1], beta[i:i + 1],
             jnp.zeros((4, H), jnp.float32)], axis=0)
        h = _node_update(h, aggpart, W1[i], W2[i], pvec)

    batch3d = batch.reshape(N // _BP, 1, _BP)
    wr2_pad = jnp.zeros((H, H), jnp.float32).at[:, 0:1].set(Wr2)
    rvec = (jnp.zeros((8, H), jnp.float32)
            .at[0].set(br1).at[1, 0].set(br2[0]))
    return _pool_readout(h, batch3d, Wr1, wr2_pad, rvec)

# --- scband reference (transcript-rebuilt; emitter-appended) ---
"""Pipeline reference for scband-mol-gcn-36644660969535 (READ-ONLY COPY).

The authoritative reference and input builder live on the scoring server;
editing this copy changes nothing except your own understanding.
"""

import jax, jax.numpy as jnp
import numpy as np

N = 10000
E = 320000
D = 128
DE = 16
H = 128
L = 3
G = 64


def setup_inputs(seed: int = 0) -> dict:
    key = jax.random.key(seed)
    ks = jax.random.split(key, 16)
    x = jax.random.normal(ks[0], (N, D), dtype=jnp.float32)
    edge_index = jax.random.randint(ks[1], (2, E), 0, N, dtype=jnp.int32)
    edge_attr = jax.random.normal(ks[2], (E, DE), dtype=jnp.float32)
    batch = jnp.sort(jax.random.randint(ks[3], (N,), 0, G, dtype=jnp.int32))
    We = jax.random.normal(ks[4], (L, DE, H), dtype=jnp.float32) * 0.05
    be = jnp.zeros((L, H), dtype=jnp.float32)
    W1 = jax.random.normal(ks[5], (L, H, H), dtype=jnp.float32) * 0.05
    b1 = jnp.zeros((L, H), dtype=jnp.float32)
    W2 = jax.random.normal(ks[6], (L, H, H), dtype=jnp.float32) * 0.05
    b2 = jnp.zeros((L, H), dtype=jnp.float32)
    gamma = jnp.ones((L, H), dtype=jnp.float32)
    beta = jnp.zeros((L, H), dtype=jnp.float32)
    Wr1 = jax.random.normal(ks[7], (H, H), dtype=jnp.float32) * 0.05
    br1 = jnp.zeros((H,), dtype=jnp.float32)
    Wr2 = jax.random.normal(ks[8], (H, 1), dtype=jnp.float32) * 0.05
    br2 = jnp.zeros((1,), dtype=jnp.float32)
    return {"x": x, "edge_index": edge_index, "edge_attr": edge_attr, "batch": batch,
            "We": We, "be": be, "W1": W1, "b1": b1, "W2": W2, "b2": b2,
            "gamma": gamma, "beta": beta, "Wr1": Wr1, "br1": br1, "Wr2": Wr2, "br2": br2}


def reference(x, edge_index, edge_attr, batch, We, be, W1, b1, W2, b2, gamma, beta, Wr1, br1, Wr2, br2):
    src = edge_index[0]
    dst = edge_index[1]
    h = x
    for i in range(L):
        # GINEConv with edge_dim: edge_attr projected to node dim
        e = edge_attr @ We[i] + be[i]
        m = jax.nn.relu(h[src] + e)
        agg = jax.ops.segment_sum(m, dst, num_segments=N)
        z = h + agg  # (1 + eps) * x_i + aggr, eps = 0
        z = jax.nn.relu(z @ W1[i] + b1[i]) @ W2[i] + b2[i]
        z = jax.nn.relu(z)  # post-conv ReLU (dropout is identity in eval)
        r = z + h  # residual (Identity since in_dim == hidden_dim)
        mu = jnp.mean(r, axis=-1, keepdims=True)
        var = jnp.var(r, axis=-1, keepdims=True)
        h = (r - mu) / jnp.sqrt(var + 1e-5) * gamma[i] + beta[i]
    # global mean pool over graphs
    ones = jnp.ones((h.shape[0],), dtype=h.dtype)
    cnt = jax.ops.segment_sum(ones, batch, num_segments=G)
    s = jax.ops.segment_sum(h, batch, num_segments=G)
    pooled = s / jnp.maximum(cnt, 1.0)[:, None]
    out = jax.nn.relu(pooled @ Wr1 + br1) @ Wr2 + br2
    return out

if __name__ == "__main__":
    import jax
    _d = setup_inputs()
    print(jax.jit(kernel)(*tuple(_d.values())))

</pallas_src>

<mosaic_0001>
#map = affine_map<(d0, d1) -> (0, 0)>
#map1 = affine_map<(d0, d1) -> (0)>
#map2 = affine_map<(d0, d1) -> (0, 0, 0)>
module attributes {stable_mosaic.version = 14 : i64} {
  func.func @_sc_body(%arg0: i32, %arg1: i32, %arg2: memref<10000x128xf32, #tpu.memory_space<hbm>>, %arg3: memref<327680xi32, #tpu.memory_space<hbm>>, %arg4: memref<327680xi32, #tpu.memory_space<hbm>>, %arg5: memref<327680x128xf32, #tpu.memory_space<hbm>>, %arg6: memref<2x10240x128xf32, #tpu.memory_space<hbm>>, %arg7: memref<128xi32, #tpu.memory_space<vmem>>, %arg8: memref<128xi32, #tpu.memory_space<vmem>>, %arg9: memref<128x128xf32, #tpu.memory_space<vmem>>, %arg10: memref<128x128xf32, #tpu.memory_space<vmem>>, %arg11: memref<10240x128xf32, #tpu.memory_space<vmem_shared>>) attributes {dimension_semantics = [#tpu.dimension_semantics<core_parallel>, #tpu.dimension_semantics<subcore_parallel>], iteration_bounds = array<i64: 2, 16>, scalar_prefetch = 0 : i64, scratch_operands = 5 : i64, tpu.core_type = #tpu.core_type<sc_vector_subcore>, window_params = [{transform_indices = #map}, {transform_indices = #map1}, {transform_indices = #map1}, {transform_indices = #map}, {transform_indices = #map2}]} {
    %mul3A = arith.constant 16 : i32
    %mul3A_0 = arith.muli %arg0, %mul3A : i32
    %add3A = arith.addi %mul3A_0, %arg1 : i32
    %scan3A = arith.constant 0 : i32
    %scan3A_1 = arith.constant 0 : i32
    %scan3A_2 = arith.constant 128 : i32
    %scan3A_3 = arith.addi %scan3A_1, %scan3A_2 : i32
    %scan3A_4 = arith.constant 1 : i32
    scf.for %scan3A_25 = %scan3A_1 to %scan3A_3 step %scan3A_4  : i32 {
      %broadcast_in_dim3A = arith.constant 0.000000e+00 : f32
      %broadcast_in_dim3A_26 = vector.broadcast %broadcast_in_dim3A : f32 to vector<16xf32>
      %swap3A = arith.index_cast %scan3A_25 : i32 to index
      %swap3A_27 = arith.constant 0 : index
      %swap3A_28 = tpu.vector_load %arg9[%swap3A, %swap3A_27] {strides = array<i32>} : memref<128x128xf32, #tpu.memory_space<vmem>>, vector<1x16xf32>,
      %swap3A_29 = vector.shape_cast %swap3A_28 : vector<1x16xf32> to vector<16xf32>
      %swap3A_30 = vector.shape_cast %broadcast_in_dim3A_26 : vector<16xf32> to vector<1x16xf32>
      tpu.vector_store %arg9[%swap3A, %swap3A_27], %swap3A_30 {strides = array<i32>} : memref<128x128xf32, #tpu.memory_space<vmem>>, vector<1x16xf32>,
      %broadcast_in_dim3A_31 = arith.constant 0.000000e+00 : f32
      %broadcast_in_dim3A_32 = vector.broadcast %broadcast_in_dim3A_31 : f32 to vector<16xf32>
      %swap3A_33 = arith.index_cast %scan3A_25 : i32 to index
      %swap3A_34 = arith.constant 16 : index
      %swap3A_35 = tpu.vector_load %arg9[%swap3A_33, %swap3A_34] {strides = array<i32>} : memref<128x128xf32, #tpu.memory_space<vmem>>, vector<1x16xf32>,
      %swap3A_36 = vector.shape_cast %swap3A_35 : vector<1x16xf32> to vector<16xf32>
      %swap3A_37 = vector.shape_cast %broadcast_in_dim3A_32 : vector<16xf32> to vector<1x16xf32>
      tpu.vector_store %arg9[%swap3A_33, %swap3A_34], %swap3A_37 {strides = array<i32>} : memref<128x128xf32, #tpu.memory_space<vmem>>, vector<1x16xf32>,
      %broadcast_in_dim3A_38 = arith.constant 0.000000e+00 : f32
      %broadcast_in_dim3A_39 = vector.broadcast %broadcast_in_dim3A_38 : f32 to vector<16xf32>
      %swap3A_40 = arith.index_cast %scan3A_25 : i32 to index
      %swap3A_41 = arith.constant 32 : index
      %swap3A_42 = tpu.vector_load %arg9[%swap3A_40, %swap3A_41] {strides = array<i32>} : memref<128x128xf32, #tpu.memory_space<vmem>>, vector<1x16xf32>,
      %swap3A_43 = vector.shape_cast %swap3A_42 : vector<1x16xf32> to vector<16xf32>
      %swap3A_44 = vector.shape_cast %broadcast_in_dim3A_39 : vector<16xf32> to vector<1x16xf32>
      tpu.vector_store %arg9[%swap3A_40, %swap3A_41], %swap3A_44 {strides = array<i32>} : memref<128x128xf32, #tpu.memory_space<vmem>>, vector<1x16xf32>,
      %broadcast_in_dim3A_45 = arith.constant 0.000000e+00 : f32
      %broadcast_in_dim3A_46 = vector.broadcast %broadcast_in_dim3A_45 : f32 to vector<16xf32>
      %swap3A_47 = arith.index_cast %scan3A_25 : i32 to index
      %swap3A_48 = arith.constant 48 : index
      %swap3A_49 = tpu.vector_load %arg9[%swap3A_47, %swap3A_48] {strides = array<i32>} : memref<128x128xf32, #tpu.memory_space<vmem>>, vector<1x16xf32>,
      %swap3A_50 = vector.shape_cast %swap3A_49 : vector<1x16xf32> to vector<16xf32>
      %swap3A_51 = vector.shape_cast %broadcast_in_dim3A_46 : vector<16xf32> to vector<1x16xf32>
      tpu.vector_store %arg9[%swap3A_47, %swap3A_48], %swap3A_51 {strides = array<i32>} : memref<128x128xf32, #tpu.memory_space<vmem>>, vector<1x16xf32>,
      %broadcast_in_dim3A_52 = arith.constant 0.000000e+00 : f32
      %broadcast_in_dim3A_53 = vector.broadcast %broadcast_in_dim3A_52 : f32 to vector<16xf32>
      %swap3A_54 = arith.index_cast %scan3A_25 : i32 to index
      %swap3A_55 = arith.constant 64 : index
      %swap3A_56 = tpu.vector_load %arg9[%swap3A_54, %swap3A_55] {strides = array<i32>} : memref<128x128xf32, #tpu.memory_space<vmem>>, vector<1x16xf32>,
      %swap3A_57 = vector.shape_cast %swap3A_56 : vector<1x16xf32> to vector<16xf32>
      %swap3A_58 = vector.shape_cast %broadcast_in_dim3A_53 : vector<16xf32> to vector<1x16xf32>
      tpu.vector_store %arg9[%swap3A_54, %swap3A_55], %swap3A_58 {strides = array<i32>} : memref<128x128xf32, #tpu.memory_space<vmem>>, vector<1x16xf32>,
      %broadcast_in_dim3A_59 = arith.constant 0.000000e+00 : f32
      %broadcast_in_dim3A_60 = vector.broadcast %broadcast_in_dim3A_59 : f32 to vector<16xf32>
      %swap3A_61 = arith.index_cast %scan3A_25 : i32 to index
      %swap3A_62 = arith.constant 80 : index
      %swap3A_63 = tpu.vector_load %arg9[%swap3A_61, %swap3A_62] {strides = array<i32>} : memref<128x128xf32, #tpu.memory_space<vmem>>, vector<1x16xf32>,
      %swap3A_64 = vector.shape_cast %swap3A_63 : vector<1x16xf32> to vector<16xf32>
      %swap3A_65 = vector.shape_cast %broadcast_in_dim3A_60 : vector<16xf32> to vector<1x16xf32>
      tpu.vector_store %arg9[%swap3A_61, %swap3A_62], %swap3A_65 {strides = array<i32>} : memref<128x128xf32, #tpu.memory_space<vmem>>, vector<1x16xf32>,
      %broadcast_in_dim3A_66 = arith.constant 0.000000e+00 : f32
      %broadcast_in_dim3A_67 = vector.broadcast %broadcast_in_dim3A_66 : f32 to vector<16xf32>
      %swap3A_68 = arith.index_cast %scan3A_25 : i32 to index
      %swap3A_69 = arith.constant 96 : index
      %swap3A_70 = tpu.vector_load %arg9[%swap3A_68, %swap3A_69] {strides = array<i32>} : memref<128x128xf32, #tpu.memory_space<vmem>>, vector<1x16xf32>,
      %swap3A_71 = vector.shape_cast %swap3A_70 : vector<1x16xf32> to vector<16xf32>
      %swap3A_72 = vector.shape_cast %broadcast_in_dim3A_67 : vector<16xf32> to vector<1x16xf32>
      tpu.vector_store %arg9[%swap3A_68, %swap3A_69], %swap3A_72 {strides = array<i32>} : memref<128x128xf32, #tpu.memory_space<vmem>>, vector<1x16xf32>,
      %broadcast_in_dim3A_73 = arith.constant 0.000000e+00 : f32
      %broadcast_in_dim3A_74 = vector.broadcast %broadcast_in_dim3A_73 : f32 to vector<16xf32>
      %swap3A_75 = arith.index_cast %scan3A_25 : i32 to index
      %swap3A_76 = arith.constant 112 : index
      %swap3A_77 = tpu.vector_load %arg9[%swap3A_75, %swap3A_76] {strides = array<i32>} : memref<128x128xf32, #tpu.memory_space<vmem>>, vector<1x16xf32>,
      %swap3A_78 = vector.shape_cast %swap3A_77 : vector<1x16xf32> to vector<16xf32>
      %swap3A_79 = vector.shape_cast %broadcast_in_dim3A_74 : vector<16xf32> to vector<1x16xf32>
      tpu.vector_store %arg9[%swap3A_75, %swap3A_76], %swap3A_79 {strides = array<i32>} : memref<128x128xf32, #tpu.memory_space<vmem>>, vector<1x16xf32>,
    }
    %scan3A_5 = arith.constant 128 : i32
    %scan3A_6 = arith.constant 0 : i32
    %scan3A_7 = arith.constant 0 : i32
    %scan3A_8 = arith.constant 5 : i32
    %scan3A_9 = arith.addi %scan3A_7, %scan3A_8 : i32
    %scan3A_10 = arith.constant 1 : i32
    scf.for %scan3A_25 = %scan3A_7 to %scan3A_9 step %scan3A_10  : i32 {
      %mul3A_26 = arith.constant 640 : i32
      %mul3A_27 = arith.muli %arg1, %mul3A_26 : i32
      %mul3A_28 = arith.constant 128 : i32
      %mul3A_29 = arith.muli %scan3A_25, %mul3A_28 : i32
      %add3A_30 = arith.addi %mul3A_27, %mul3A_29 : i32
      "tpu.region"() ({
        %run_scoped3A = tpu.sem_alloc : memref<!tpu.dma_semaphore, #tpu.memory_space<semaphore_mem>>
        %dma_start3A = arith.constant 0 : i32
        %dma_start3A_31 = tpu.memref_slice %arg11[%add3A_30, %dma_start3A] : memref<10240x128xf32, #tpu.memory_space<vmem_shared>> -> memref<128x128xf32, #tpu.memory_space<vmem_shared>>
        %dma_start3A_32 = arith.constant 0 : i32
        %dma_start3A_33 = tpu.memref_slice %arg11[%add3A_30, %dma_start3A_32] : memref<10240x128xf32, #tpu.memory_space<vmem_shared>> -> memref<128x128xf32, #tpu.memory_space<vmem_shared>>
        tpu.enqueue_dma source(%arg9 : memref<128x128xf32, #tpu.memory_space<vmem>>) target(%dma_start3A_33 : memref<128x128xf32, #tpu.memory_space<vmem_shared>>) target_semaphore(%run_scoped3A : memref<!tpu.dma_semaphore, #tpu.memory_space<semaphore_mem>>)
        %dma_wait3A = arith.constant 0 : i32
        %dma_wait3A_34 = tpu.memref_slice %arg11[%add3A_30, %dma_wait3A] : memref<10240x128xf32, #tpu.memory_space<vmem_shared>> -> memref<128x128xf32, #tpu.memory_space<vmem_shared>>
        %dma_wait3A_35 = arith.constant 0 : i32
        %dma_wait3A_36 = tpu.memref_slice %arg11[%add3A_30, %dma_wait3A_35] : memref<10240x128xf32, #tpu.memory_space<vmem_shared>> -> memref<128x128xf32, #tpu.memory_space<vmem_shared>>
        tpu.wait_dma2 semaphore(%run_scoped3A : memref<!tpu.dma_semaphore, #tpu.memory_space<semaphore_mem>>) src(%arg9 : memref<128x128xf32, #tpu.memory_space<vmem>>) dst(%dma_wait3A_36 : memref<128x128xf32, #tpu.memory_space<vmem_shared>>)
        tpu.yield
      }) : () -> ()
    }
    %scan3A_11 = arith.constant 5 : i32
    %barrier3A = arith.constant 0 : index
    tpu.barrier barrier_id(%barrier3A)
    %scan3A_12 = arith.constant 0 : i32
    %scan3A_13 = arith.constant 0 : i32
    %scan3A_14 = arith.constant 80 : i32
    %scan3A_15 = arith.addi %scan3A_13, %scan3A_14 : i32
    %scan3A_16 = arith.constant 1 : i32
    scf.for %scan3A_25 = %scan3A_13 to %scan3A_15 step %scan3A_16  : i32 {
      %mul3A_26 = arith.constant 80 : i32
      %mul3A_27 = arith.muli %add3A, %mul3A_26 : i32
      %add3A_28 = arith.addi %mul3A_27, %scan3A_25 : i32
      %mul3A_29 = arith.constant 128 : i32
      %mul3A_30 = arith.muli %add3A_28, %mul3A_29 : i32
      "tpu.region"() ({
        %run_scoped3A = tpu.sem_alloc : memref<!tpu.dma_semaphore, #tpu.memory_space<semaphore_mem>>
        %dma_start3A = tpu.memref_slice %arg3[%mul3A_30] : memref<327680xi32, #tpu.memory_space<hbm>> -> memref<128xi32, #tpu.memory_space<hbm>>
        %dma_start3A_37 = tpu.memref_slice %arg3[%mul3A_30] : memref<327680xi32, #tpu.memory_space<hbm>> -> memref<128xi32, #tpu.memory_space<hbm>>
        tpu.enqueue_dma source(%dma_start3A_37 : memref<128xi32, #tpu.memory_space<hbm>>) target(%arg7 : memref<128xi32, #tpu.memory_space<vmem>>) target_semaphore(%run_scoped3A : memref<!tpu.dma_semaphore, #tpu.memory_space<semaphore_mem>>)
        %dma_wait3A = tpu.memref_slice %arg3[%mul3A_30] : memref<327680xi32, #tpu.memory_space<hbm>> -> memref<128xi32, #tpu.memory_space<hbm>>
        %dma_wait3A_38 = tpu.memref_slice %arg3[%mul3A_30] : memref<327680xi32, #tpu.memory_space<hbm>> -> memref<128xi32, #tpu.memory_space<hbm>>
        tpu.wait_dma2 semaphore(%run_scoped3A : memref<!tpu.dma_semaphore, #tpu.memory_space<semaphore_mem>>) src(%dma_wait3A_38 : memref<128xi32, #tpu.memory_space<hbm>>) dst(%arg7 : memref<128xi32, #tpu.memory_space<vmem>>)
        tpu.yield
      }) : () -> ()
      "tpu.region"() ({
        %run_scoped3A = tpu.sem_alloc : memref<!tpu.dma_semaphore, #tpu.memory_space<semaphore_mem>>
        %dma_start3A = tpu.memref_slice %arg4[%mul3A_30] : memref<327680xi32, #tpu.memory_space<hbm>> -> memref<128xi32, #tpu.memory_space<hbm>>
        %dma_start3A_37 = tpu.memref_slice %arg4[%mul3A_30] : memref<327680xi32, #tpu.memory_space<hbm>> -> memref<128xi32, #tpu.memory_space<hbm>>
        tpu.enqueue_dma source(%dma_start3A_37 : memref<128xi32, #tpu.memory_space<hbm>>) target(%arg8 : memref<128xi32, #tpu.memory_space<vmem>>) target_semaphore(%run_scoped3A : memref<!tpu.dma_semaphore, #tpu.memory_space<semaphore_mem>>)
        %dma_wait3A = tpu.memref_slice %arg4[%mul3A_30] : memref<327680xi32, #tpu.memory_space<hbm>> -> memref<128xi32, #tpu.memory_space<hbm>>
        %dma_wait3A_38 = tpu.memref_slice %arg4[%mul3A_30] : memref<327680xi32, #tpu.memory_space<hbm>> -> memref<128xi32, #tpu.memory_space<hbm>>
        tpu.wait_dma2 semaphore(%run_scoped3A : memref<!tpu.dma_semaphore, #tpu.memory_space<semaphore_mem>>) src(%dma_wait3A_38 : memref<128xi32, #tpu.memory_space<hbm>>) dst(%arg8 : memref<128xi32, #tpu.memory_space<vmem>>)
        tpu.yield
      }) : () -> ()
      "tpu.region"() ({
        %run_scoped3A = tpu.sem_alloc : memref<!tpu.dma_semaphore, #tpu.memory_space<semaphore_mem>>
        %dma_start3A = arith.constant 0 : i32
        %dma_start3A_37 = arith.constant 0 : i32
        %dma_start3A_38 = tpu.memref_slice %arg2[%dma_start3A, %dma_start3A_37] : memref<10000x128xf32, #tpu.memory_space<hbm>> -> memref<10000x128xf32, #tpu.memory_space<hbm>>
        tpu.enqueue_indirect_dma source(%dma_start3A_38 : memref<10000x128xf32, #tpu.memory_space<hbm>>) target(%arg9 : memref<128x128xf32, #tpu.memory_space<vmem>>) offsets(%arg7 : memref<128xi32, #tpu.memory_space<vmem>>) semaphore(%run_scoped3A : memref<!tpu.dma_semaphore, #tpu.memory_space<semaphore_mem>>)
        %dma_wait3A = arith.constant 0 : i32
        %dma_wait3A_39 = arith.constant 0 : i32
        %dma_wait3A_40 = tpu.memref_slice %arg2[%dma_wait3A, %dma_wait3A_39] : memref<10000x128xf32, #tpu.memory_space<hbm>> -> memref<10000x128xf32, #tpu.memory_space<hbm>>
        tpu.wait_indirect_dma semaphore(%run_scoped3A : memref<!tpu.dma_semaphore, #tpu.memory_space<semaphore_mem>>) src(%dma_wait3A_40 : memref<10000x128xf32, #tpu.memory_space<hbm>>) dst(%arg9 : memref<128x128xf32, #tpu.memory_space<vmem>>)
        tpu.yield
      }) : () -> ()
      "tpu.region"() ({
        %run_scoped3A = tpu.sem_alloc : memref<!tpu.dma_semaphore, #tpu.memory_space<semaphore_mem>>
        %dma_start3A = arith.constant 0 : i32
        %dma_start3A_37 = tpu.memref_slice %arg5[%mul3A_30, %dma_start3A] : memref<327680x128xf32, #tpu.memory_space<hbm>> -> memref<128x128xf32, #tpu.memory_space<hbm>>
        %dma_start3A_38 = arith.constant 0 : i32
        %dma_start3A_39 = tpu.memref_slice %arg5[%mul3A_30, %dma_start3A_38] : memref<327680x128xf32, #tpu.memory_space<hbm>> -> memref<128x128xf32, #tpu.memory_space<hbm>>
        tpu.enqueue_dma source(%dma_start3A_39 : memref<128x128xf32, #tpu.memory_space<hbm>>) target(%arg10 : memref<128x128xf32, #tpu.memory_space<vmem>>) target_semaphore(%run_scoped3A : memref<!tpu.dma_semaphore, #tpu.memory_space<semaphore_mem>>)
        %dma_wait3A = arith.constant 0 : i32
        %dma_wait3A_40 = tpu.memref_slice %arg5[%mul3A_30, %dma_wait3A] : memref<327680x128xf32, #tpu.memory_space<hbm>> -> memref<128x128xf32, #tpu.memory_space<hbm>>
        %dma_wait3A_41 = arith.constant 0 : i32
        %dma_wait3A_42 = tpu.memref_slice %arg5[%mul3A_30, %dma_wait3A_41] : memref<327680x128xf32, #tpu.memory_space<hbm>> -> memref<128x128xf32, #tpu.memory_space<hbm>>
        tpu.wait_dma2 semaphore(%run_scoped3A : memref<!tpu.dma_semaphore, #tpu.memory_space<semaphore_mem>>) src(%dma_wait3A_42 : memref<128x128xf32, #tpu.memory_space<hbm>>) dst(%arg10 : memref<128x128xf32, #tpu.memory_space<vmem>>)
        tpu.yield
      }) : () -> ()
      %scan3A_31 = arith.constant 0 : i32
      %scan3A_32 = arith.constant 0 : i32
      %scan3A_33 = arith.constant 128 : i32
      %scan3A_34 = arith.addi %scan3A_32, %scan3A_33 : i32
      %scan3A_35 = arith.constant 1 : i32
      scf.for %scan3A_37 = %scan3A_32 to %scan3A_34 step %scan3A_35  : i32 {
        %get3A = arith.index_cast %scan3A_37 : i32 to index
        %get3A_38 = arith.constant 0 : index
        %get3A_39 = tpu.vector_load %arg9[%get3A, %get3A_38] {strides = array<i32>} : memref<128x128xf32, #tpu.memory_space<vmem>>, vector<1x16xf32>,
        %get3A_40 = vector.shape_cast %get3A_39 : vector<1x16xf32> to vector<16xf32>
        %get3A_41 = arith.index_cast %scan3A_37 : i32 to index
        %get3A_42 = arith.constant 0 : index
        %get3A_43 = tpu.vector_load %arg10[%get3A_41, %get3A_42] {strides = array<i32>} : memref<128x128xf32, #tpu.memory_space<vmem>>, vector<1x16xf32>,
        %get3A_44 = vector.shape_cast %get3A_43 : vector<1x16xf32> to vector<16xf32>
        %add3A_45 = arith.addf %get3A_40, %get3A_44 : vector<16xf32>
        %max3A = arith.constant 0.000000e+00 : f32
        %max3A_46 = vector.broadcast %max3A : f32 to vector<16xf32>
        %max3A_47 = arith.maximumf %add3A_45, %max3A_46 : vector<16xf32>
        %swap3A = arith.index_cast %scan3A_37 : i32 to index
        %swap3A_48 = arith.constant 0 : index
        %swap3A_49 = tpu.vector_load %arg9[%swap3A, %swap3A_48] {strides = array<i32>} : memref<128x128xf32, #tpu.memory_space<vmem>>, vector<1x16xf32>,
        %swap3A_50 = vector.shape_cast %swap3A_49 : vector<1x16xf32> to vector<16xf32>
        %swap3A_51 = vector.shape_cast %max3A_47 : vector<16xf32> to vector<1x16xf32>
        tpu.vector_store %arg9[%swap3A, %swap3A_48], %swap3A_51 {strides = array<i32>} : memref<128x128xf32, #tpu.memory_space<vmem>>, vector<1x16xf32>,
        %get3A_52 = arith.index_cast %scan3A_37 : i32 to index
        %get3A_53 = arith.constant 16 : index
        %get3A_54 = tpu.vector_load %arg9[%get3A_52, %get3A_53] {strides = array<i32>} : memref<128x128xf32, #tpu.memory_space<vmem>>, vector<1x16xf32>,
        %get3A_55 = vector.shape_cast %get3A_54 : vector<1x16xf32> to vector<16xf32>
        %get3A_56 = arith.index_cast %scan3A_37 : i32 to index
        %get3A_57 = arith.constant 16 : index
        %get3A_58 = tpu.vector_load %arg10[%get3A_56, %get3A_57] {strides = array<i32>} : memref<128x128xf32, #tpu.memory_space<vmem>>, vector<1x16xf32>,
        %get3A_59 = vector.shape_cast %get3A_58 : vector<1x16xf32> to vector<16xf32>
        %add3A_60 = arith.addf %get3A_55, %get3A_59 : vector<16xf32>
        %max3A_61 = arith.constant 0.000000e+00 : f32
        %max3A_62 = vector.broadcast %max3A_61 : f32 to vector<16xf32>
        %max3A_63 = arith.maximumf %add3A_60, %max3A_62 : vector<16xf32>
        %swap3A_64 = arith.index_cast %scan3A_37 : i32 to index
        %swap3A_65 = arith.constant 16 : index
        %swap3A_66 = tpu.vector_load %arg9[%swap3A_64, %swap3A_65] {strides = array<i32>} : memref<128x128xf32, #tpu.memory_space<vmem>>, vector<1x16xf32>,
        %swap3A_67 = vector.shape_cast %swap3A_66 : vector<1x16xf32> to vector<16xf32>
        %swap3A_68 = vector.shape_cast %max3A_63 : vector<16xf32> to vector<1x16xf32>
        tpu.vector_store %arg9[%swap3A_64, %swap3A_65], %swap3A_68 {strides = array<i32>} : memref<128x128xf32, #tpu.memory_space<vmem>>, vector<1x16xf32>,
        %get3A_69 = arith.index_cast %scan3A_37 : i32 to index
        %get3A_70 = arith.constant 32 : index
        %get3A_71 = tpu.vector_load %arg9[%get3A_69, %get3A_70] {strides = array<i32>} : memref<128x128xf32, #tpu.memory_space<vmem>>, vector<1x16xf32>,
        %get3A_72 = vector.shape_cast %get3A_71 : vector<1x16xf32> to vector<16xf32>
        %get3A_73 = arith.index_cast %scan3A_37 : i32 to index
        %get3A_74 = arith.constant 32 : index
        %get3A_75 = tpu.vector_load %arg10[%get3A_73, %get3A_74] {strides = array<i32>} : memref<128x128xf32, #tpu.memory_space<vmem>>, vector<1x16xf32>,
        %get3A_76 = vector.shape_cast %get3A_75 : vector<1x16xf32> to vector<16xf32>
        %add3A_77 = arith.addf %get3A_72, %get3A_76 : vector<16xf32>
        %max3A_78 = arith.constant 0.000000e+00 : f32
        %max3A_79 = vector.broadcast %max3A_78 : f32 to vector<16xf32>
        %max3A_80 = arith.maximumf %add3A_77, %max3A_79 : vector<16xf32>
        %swap3A_81 = arith.index_cast %scan3A_37 : i32 to index
        %swap3A_82 = arith.constant 32 : index
        %swap3A_83 = tpu.vector_load %arg9[%swap3A_81, %swap3A_82] {strides = array<i32>} : memref<128x128xf32, #tpu.memory_space<vmem>>, vector<1x16xf32>,
        %swap3A_84 = vector.shape_cast %swap3A_83 : vector<1x16xf32> to vector<16xf32>
        %swap3A_85 = vector.shape_cast %max3A_80 : vector<16xf32> to vector<1x16xf32>
        tpu.vector_store %arg9[%swap3A_81, %swap3A_82], %swap3A_85 {strides = array<i32>} : memref<128x128xf32, #tpu.memory_space<vmem>>, vector<1x16xf32>,
        %get3A_86 = arith.index_cast %scan3A_37 : i32 to index
        %get3A_87 = arith.constant 48 : index
        %get3A_88 = tpu.vector_load %arg9[%get3A_86, %get3A_87] {strides = array<i32>} : memref<128x128xf32, #tpu.memory_space<vmem>>, vector<1x16xf32>,
        %get3A_89 = vector.shape_cast %get3A_88 : vector<1x16xf32> to vector<16xf32>
        %get3A_90 = arith.index_cast %scan3A_37 : i32 to index
        %get3A_91 = arith.constant 48 : index
        %get3A_92 = tpu.vector_load %arg10[%get3A_90, %get3A_91] {strides = array<i32>} : memref<128x128xf32, #tpu.memory_space<vmem>>, vector<1x16xf32>,
        %get3A_93 = vector.shape_cast %get3A_92 : vector<1x16xf32> to vector<16xf32>
        %add3A_94 = arith.addf %get3A_89, %get3A_93 : vector<16xf32>
        %max3A_95 = arith.constant 0.000000e+00 : f32
        %max3A_96 = vector.broadcast %max3A_95 : f32 to vector<16xf32>
        %max3A_97 = arith.maximumf %add3A_94, %max3A_96 : vector<16xf32>
        %swap3A_98 = arith.index_cast %scan3A_37 : i32 to index
        %swap3A_99 = arith.constant 48 : index
        %swap3A_100 = tpu.vector_load %arg9[%swap3A_98, %swap3A_99] {strides = array<i32>} : memref<128x128xf32, #tpu.memory_space<vmem>>, vector<1x16xf32>,
        %swap3A_101 = vector.shape_cast %swap3A_100 : vector<1x16xf32> to vector<16xf32>
        %swap3A_102 = vector.shape_cast %max3A_97 : vector<16xf32> to vector<1x16xf32>
        tpu.vector_store %arg9[%swap3A_98, %swap3A_99], %swap3A_102 {strides = array<i32>} : memref<128x128xf32, #tpu.memory_space<vmem>>, vector<1x16xf32>,
        %get3A_103 = arith.index_cast %scan3A_37 : i32 to index
        %get3A_104 = arith.constant 64 : index
        %get3A_105 = tpu.vector_load %arg9[%get3A_103, %get3A_104] {strides = array<i32>} : memref<128x128xf32, #tpu.memory_space<vmem>>, vector<1x16xf32>,
        %get3A_106 = vector.shape_cast %get3A_105 : vector<1x16xf32> to vector<16xf32>
        %get3A_107 = arith.index_cast %scan3A_37 : i32 to index
        %get3A_108 = arith.constant 64 : index
        %get3A_109 = tpu.vector_load %arg10[%get3A_107, %get3A_108] {strides = array<i32>} : memref<128x128xf32, #tpu.memory_space<vmem>>, vector<1x16xf32>,
        %get3A_110 = vector.shape_cast %get3A_109 : vector<1x16xf32> to vector<16xf32>
        %add3A_111 = arith.addf %get3A_106, %get3A_110 : vector<16xf32>
        %max3A_112 = arith.constant 0.000000e+00 : f32
        %max3A_113 = vector.broadcast %max3A_112 : f32 to vector<16xf32>
        %max3A_114 = arith.maximumf %add3A_111, %max3A_113 : vector<16xf32>
        %swap3A_115 = arith.index_cast %scan3A_37 : i32 to index
        %swap3A_116 = arith.constant 64 : index
        %swap3A_117 = tpu.vector_load %arg9[%swap3A_115, %swap3A_116] {strides = array<i32>} : memref<128x128xf32, #tpu.memory_space<vmem>>, vector<1x16xf32>,
        %swap3A_118 = vector.shape_cast %swap3A_117 : vector<1x16xf32> to vector<16xf32>
        %swap3A_119 = vector.shape_cast %max3A_114 : vector<16xf32> to vector<1x16xf32>
        tpu.vector_store %arg9[%swap3A_115, %swap3A_116], %swap3A_119 {strides = array<i32>} : memref<128x128xf32, #tpu.memory_space<vmem>>, vector<1x16xf32>,
        %get3A_120 = arith.index_cast %scan3A_37 : i32 to index
        %get3A_121 = arith.constant 80 : index
        %get3A_122 = tpu.vector_load %arg9[%get3A_120, %get3A_121] {strides = array<i32>} : memref<128x128xf32, #tpu.memory_space<vmem>>, vector<1x16xf32>,
        %get3A_123 = vector.shape_cast %get3A_122 : vector<1x16xf32> to vector<16xf32>
        %get3A_124 = arith.index_cast %scan3A_37 : i32 to index
        %get3A_125 = arith.constant 80 : index
        %get3A_126 = tpu.vector_load %arg10[%get3A_124, %get3A_125] {strides = array<i32>} : memref<128x128xf32, #tpu.memory_space<vmem>>, vector<1x16xf32>,
        %get3A_127 = vector.shape_cast %get3A_126 : vector<1x16xf32> to vector<16xf32>
        %add3A_128 = arith.addf %get3A_123, %get3A_127 : vector<16xf32>
        %max3A_129 = arith.constant 0.000000e+00 : f32
        %max3A_130 = vector.broadcast %max3A_129 : f32 to vector<16xf32>
        %max3A_131 = arith.maximumf %add3A_128, %max3A_130 : vector<16xf32>
        %swap3A_132 = arith.index_cast %scan3A_37 : i32 to index
        %swap3A_133 = arith.constant 80 : index
        %swap3A_134 = tpu.vector_load %arg9[%swap3A_132, %swap3A_133] {strides = array<i32>} : memref<128x128xf32, #tpu.memory_space<vmem>>, vector<1x16xf32>,
        %swap3A_135 = vector.shape_cast %swap3A_134 : vector<1x16xf32> to vector<16xf32>
        %swap3A_136 = vector.shape_cast %max3A_131 : vector<16xf32> to vector<1x16xf32>
        tpu.vector_store %arg9[%swap3A_132, %swap3A_133], %swap3A_136 {strides = array<i32>} : memref<128x128xf32, #tpu.memory_space<vmem>>, vector<1x16xf32>,
        %get3A_137 = arith.index_cast %scan3A_37 : i32 to index
        %get3A_138 = arith.constant 96 : index
        %get3A_139 = tpu.vector_load %arg9[%get3A_137, %get3A_138] {strides = array<i32>} : memref<128x128xf32, #tpu.memory_space<vmem>>, vector<1x16xf32>,
        %get3A_140 = vector.shape_cast %get3A_139 : vector<1x16xf32> to vector<16xf32>
        %get3A_141 = arith.index_cast %scan3A_37 : i32 to index
        %get3A_142 = arith.constant 96 : index
        %get3A_143 = tpu.vector_load %arg10[%get3A_141, %get3A_142] {strides = array<i32>} : memref<128x128xf32, #tpu.memory_space<vmem>>, vector<1x16xf32>,
        %get3A_144 = vector.shape_cast %get3A_143 : vector<1x16xf32> to vector<16xf32>
        %add3A_145 = arith.addf %get3A_140, %get3A_144 : vector<16xf32>
        %max3A_146 = arith.constant 0.000000e+00 : f32
        %max3A_147 = vector.broadcast %max3A_146 : f32 to vector<16xf32>
        %max3A_148 = arith.maximumf %add3A_145, %max3A_147 : vector<16xf32>
        %swap3A_149 = arith.index_cast %scan3A_37 : i32 to index
        %swap3A_150 = arith.constant 96 : index
        %swap3A_151 = tpu.vector_load %arg9[%swap3A_149, %swap3A_150] {strides = array<i32>} : memref<128x128xf32, #tpu.memory_space<vmem>>, vector<1x16xf32>,
        %swap3A_152 = vector.shape_cast %swap3A_151 : vector<1x16xf32> to vector<16xf32>
        %swap3A_153 = vector.shape_cast %max3A_148 : vector<16xf32> to vector<1x16xf32>
        tpu.vector_store %arg9[%swap3A_149, %swap3A_150], %swap3A_153 {strides = array<i32>} : memref<128x128xf32, #tpu.memory_space<vmem>>, vector<1x16xf32>,
        %get3A_154 = arith.index_cast %scan3A_37 : i32 to index
        %get3A_155 = arith.constant 112 : index
        %get3A_156 = tpu.vector_load %arg9[%get3A_154, %get3A_155] {strides = array<i32>} : memref<128x128xf32, #tpu.memory_space<vmem>>, vector<1x16xf32>,
        %get3A_157 = vector.shape_cast %get3A_156 : vector<1x16xf32> to vector<16xf32>
        %get3A_158 = arith.index_cast %scan3A_37 : i32 to index
        %get3A_159 = arith.constant 112 : index
        %get3A_160 = tpu.vector_load %arg10[%get3A_158, %get3A_159] {strides = array<i32>} : memref<128x128xf32, #tpu.memory_space<vmem>>, vector<1x16xf32>,
        %get3A_161 = vector.shape_cast %get3A_160 : vector<1x16xf32> to vector<16xf32>
        %add3A_162 = arith.addf %get3A_157, %get3A_161 : vector<16xf32>
        %max3A_163 = arith.constant 0.000000e+00 : f32
        %max3A_164 = vector.broadcast %max3A_163 : f32 to vector<16xf32>
        %max3A_165 = arith.maximumf %add3A_162, %max3A_164 : vector<16xf32>
        %swap3A_166 = arith.index_cast %scan3A_37 : i32 to index
        %swap3A_167 = arith.constant 112 : index
        %swap3A_168 = tpu.vector_load %arg9[%swap3A_166, %swap3A_167] {strides = array<i32>} : memref<128x128xf32, #tpu.memory_space<vmem>>, vector<1x16xf32>,
        %swap3A_169 = vector.shape_cast %swap3A_168 : vector<1x16xf32> to vector<16xf32>
        %swap3A_170 = vector.shape_cast %max3A_165 : vector<16xf32> to vector<1x16xf32>
        tpu.vector_store %arg9[%swap3A_166, %swap3A_167], %swap3A_170 {strides = array<i32>} : memref<128x128xf32, #tpu.memory_space<vmem>>, vector<1x16xf32>,
      }
      %scan3A_36 = arith.constant 128 : i32
      "tpu.region"() ({
        %run_scoped3A = tpu.sem_alloc : memref<!tpu.dma_semaphore, #tpu.memory_space<semaphore_mem>>
        %dma_start3A = arith.constant 0 : i32
        %dma_start3A_37 = arith.constant 0 : i32
        %dma_start3A_38 = tpu.memref_slice %arg11[%dma_start3A, %dma_start3A_37] : memref<10240x128xf32, #tpu.memory_space<vmem_shared>> -> memref<10240x128xf32, #tpu.memory_space<vmem_shared>>
        tpu.enqueue_indirect_dma source(%arg9 : memref<128x128xf32, #tpu.memory_space<vmem>>) target(%dma_start3A_38 : memref<10240x128xf32, #tpu.memory_space<vmem_shared>>) offsets(%arg8 : memref<128xi32, #tpu.memory_space<vmem>>) semaphore(%run_scoped3A : memref<!tpu.dma_semaphore, #tpu.memory_space<semaphore_mem>>) {add = true}
        %dma_wait3A = arith.constant 0 : i32
        %dma_wait3A_39 = arith.constant 0 : i32
        %dma_wait3A_40 = tpu.memref_slice %arg11[%dma_wait3A, %dma_wait3A_39] : memref<10240x128xf32, #tpu.memory_space<vmem_shared>> -> memref<10240x128xf32, #tpu.memory_space<vmem_shared>>
        tpu.wait_indirect_dma semaphore(%run_scoped3A : memref<!tpu.dma_semaphore, #tpu.memory_space<semaphore_mem>>) src(%arg9 : memref<128x128xf32, #tpu.memory_space<vmem>>) dst(%dma_wait3A_40 : memref<10240x128xf32, #tpu.memory_space<vmem_shared>>)
        tpu.yield
      }) : () -> ()
    }
    %scan3A_17 = arith.constant 80 : i32
    %barrier3A_18 = arith.constant 0 : index
    tpu.barrier barrier_id(%barrier3A_18)
    %scan3A_19 = arith.constant 0 : i32
    %scan3A_20 = arith.constant 0 : i32
    %scan3A_21 = arith.constant 5 : i32
    %scan3A_22 = arith.addi %scan3A_20, %scan3A_21 : i32
    %scan3A_23 = arith.constant 1 : i32
    scf.for %scan3A_25 = %scan3A_20 to %scan3A_22 step %scan3A_23  : i32 {
      %mul3A_26 = arith.constant 640 : i32
      %mul3A_27 = arith.muli %arg1, %mul3A_26 : i32
      %mul3A_28 = arith.constant 128 : i32
      %mul3A_29 = arith.muli %scan3A_25, %mul3A_28 : i32
      %add3A_30 = arith.addi %mul3A_27, %mul3A_29 : i32
      "tpu.region"() ({
        %run_scoped3A = tpu.sem_alloc : memref<!tpu.dma_semaphore, #tpu.memory_space<semaphore_mem>>
        %dma_start3A = arith.constant 0 : i32
        %dma_start3A_31 = tpu.memref_slice %arg11[%add3A_30, %dma_start3A] : memref<10240x128xf32, #tpu.memory_space<vmem_shared>> -> memref<128x128xf32, #tpu.memory_space<vmem_shared>>
        %dma_start3A_32 = arith.constant 0 : i32
        %dma_start3A_33 = tpu.memref_slice %arg11[%add3A_30, %dma_start3A_32] : memref<10240x128xf32, #tpu.memory_space<vmem_shared>> -> memref<128x128xf32, #tpu.memory_space<vmem_shared>>
        tpu.enqueue_dma source(%dma_start3A_33 : memref<128x128xf32, #tpu.memory_space<vmem_shared>>) target(%arg9 : memref<128x128xf32, #tpu.memory_space<vmem>>) target_semaphore(%run_scoped3A : memref<!tpu.dma_semaphore, #tpu.memory_space<semaphore_mem>>)
        %dma_wait3A = arith.constant 0 : i32
        %dma_wait3A_34 = tpu.memref_slice %arg11[%add3A_30, %dma_wait3A] : memref<10240x128xf32, #tpu.memory_space<vmem_shared>> -> memref<128x128xf32, #tpu.memory_space<vmem_shared>>
        %dma_wait3A_35 = arith.constant 0 : i32
        %dma_wait3A_36 = tpu.memref_slice %arg11[%add3A_30, %dma_wait3A_35] : memref<10240x128xf32, #tpu.memory_space<vmem_shared>> -> memref<128x128xf32, #tpu.memory_space<vmem_shared>>
        tpu.wait_dma2 semaphore(%run_scoped3A : memref<!tpu.dma_semaphore, #tpu.memory_space<semaphore_mem>>) src(%dma_wait3A_36 : memref<128x128xf32, #tpu.memory_space<vmem_shared>>) dst(%arg9 : memref<128x128xf32, #tpu.memory_space<vmem>>)
        tpu.yield
      }) : () -> ()
      "tpu.region"() ({
        %run_scoped3A = tpu.sem_alloc : memref<!tpu.dma_semaphore, #tpu.memory_space<semaphore_mem>>
        %dma_start3A = arith.constant 0 : i32
        %dma_start3A_31 = tpu.memref_slice %arg6[%arg0, %add3A_30, %dma_start3A] : memref<2x10240x128xf32, #tpu.memory_space<hbm>> -> memref<1x128x128xf32, #tpu.memory_space<hbm>>
        %dma_start3A_32 = tpu.memref_squeeze %dma_start3A_31 : memref<1x128x128xf32, #tpu.memory_space<hbm>> -> memref<128x128xf32, #tpu.memory_space<hbm>>
        %dma_start3A_33 = arith.constant 0 : i32
        %dma_start3A_34 = tpu.memref_slice %arg6[%arg0, %add3A_30, %dma_start3A_33] : memref<2x10240x128xf32, #tpu.memory_space<hbm>> -> memref<1x128x128xf32, #tpu.memory_space<hbm>>
        %dma_start3A_35 = tpu.memref_squeeze %dma_start3A_34 : memref<1x128x128xf32, #tpu.memory_space<hbm>> -> memref<128x128xf32, #tpu.memory_space<hbm>>
        tpu.enqueue_dma source(%arg9 : memref<128x128xf32, #tpu.memory_space<vmem>>) target(%dma_start3A_35 : memref<128x128xf32, #tpu.memory_space<hbm>>) target_semaphore(%run_scoped3A : memref<!tpu.dma_semaphore, #tpu.memory_space<semaphore_mem>>)
        %dma_wait3A = arith.constant 0 : i32
        %dma_wait3A_36 = tpu.memref_slice %arg6[%arg0, %add3A_30, %dma_wait3A] : memref<2x10240x128xf32, #tpu.memory_space<hbm>> -> memref<1x128x128xf32, #tpu.memory_space<hbm>>
        %dma_wait3A_37 = tpu.memref_squeeze %dma_wait3A_36 : memref<1x128x128xf32, #tpu.memory_space<hbm>> -> memref<128x128xf32, #tpu.memory_space<hbm>>
        %dma_wait3A_38 = arith.constant 0 : i32
        %dma_wait3A_39 = tpu.memref_slice %arg6[%arg0, %add3A_30, %dma_wait3A_38] : memref<2x10240x128xf32, #tpu.memory_space<hbm>> -> memref<1x128x128xf32, #tpu.memory_space<hbm>>
        %dma_wait3A_40 = tpu.memref_squeeze %dma_wait3A_39 : memref<1x128x128xf32, #tpu.memory_space<hbm>> -> memref<128x128xf32, #tpu.memory_space<hbm>>
        tpu.wait_dma2 semaphore(%run_scoped3A : memref<!tpu.dma_semaphore, #tpu.memory_space<semaphore_mem>>) src(%arg9 : memref<128x128xf32, #tpu.memory_space<vmem>>) dst(%dma_wait3A_40 : memref<128x128xf32, #tpu.memory_space<hbm>>)
        tpu.yield
      }) : () -> ()
    }
    %scan3A_24 = arith.constant 5 : i32
    return
  }
}

#map = affine_map<(d0, d1) -> (0, 0)>
#map1 = affine_map<(d0, d1) -> (0)>
#map2 = affine_map<(d0, d1) -> (0, 0, 0)>
module attributes {stable_mosaic.version = 14 : i64} {
  func.func @_sc_body(%arg0: i32, %arg1: i32, %arg2: memref<10000x128xf32, #tpu.memory_space<hbm>>, %arg3: memref<327680xi32, #tpu.memory_space<hbm>>, %arg4: memref<327680xi32, #tpu.memory_space<hbm>>, %arg5: memref<327680x128xf32, #tpu.memory_space<hbm>>, %arg6: memref<2x10240x128xf32, #tpu.memory_space<hbm>>, %arg7: memref<128xi32, #tpu.memory_space<vmem>>, %arg8: memref<128xi32, #tpu.memory_space<vmem>>, %arg9: memref<128x128xf32, #tpu.memory_space<vmem>>, %arg10: memref<128x128xf32, #tpu.memory_space<vmem>>, %arg11: memref<10240x128xf32, #tpu.memory_space<vmem_shared>>) attributes {dimension_semantics = [#tpu.dimension_semantics<core_parallel>, #tpu.dimension_semantics<subcore_parallel>], iteration_bounds = array<i64: 2, 16>, scalar_prefetch = 0 : i64, scratch_operands = 5 : i64, tpu.core_type = #tpu.core_type<sc_vector_subcore>, window_params = [{transform_indices = #map}, {transform_indices = #map1}, {transform_indices = #map1}, {transform_indices = #map}, {transform_indices = #map2}]} {
    %mul3A = arith.constant 16 : i32
    %mul3A_0 = arith.muli %arg0, %mul3A : i32
    %add3A = arith.addi %mul3A_0, %arg1 : i32
    %scan3A = arith.constant 0 : i32
    %scan3A_1 = arith.constant 0 : i32
    %scan3A_2 = arith.constant 128 : i32
    %scan3A_3 = arith.addi %scan3A_1, %scan3A_2 : i32
    %scan3A_4 = arith.constant 1 : i32
    scf.for %scan3A_25 = %scan3A_1 to %scan3A_3 step %scan3A_4  : i32 {
      %broadcast_in_dim3A = arith.constant 0.000000e+00 : f32
      %broadcast_in_dim3A_26 = vector.broadcast %broadcast_in_dim3A : f32 to vector<16xf32>
      %swap3A = arith.index_cast %scan3A_25 : i32 to index
      %swap3A_27 = arith.constant 0 : index
      %swap3A_28 = tpu.vector_load %arg9[%swap3A, %swap3A_27] {strides = array<i32>} : memref<128x128xf32, #tpu.memory_space<vmem>>, vector<1x16xf32>,
      %swap3A_29 = vector.shape_cast %swap3A_28 : vector<1x16xf32> to vector<16xf32>
      %swap3A_30 = vector.shape_cast %broadcast_in_dim3A_26 : vector<16xf32> to vector<1x16xf32>
      tpu.vector_store %arg9[%swap3A, %swap3A_27], %swap3A_30 {strides = array<i32>} : memref<128x128xf32, #tpu.memory_space<vmem>>, vector<1x16xf32>,
      %broadcast_in_dim3A_31 = arith.constant 0.000000e+00 : f32
      %broadcast_in_dim3A_32 = vector.broadcast %broadcast_in_dim3A_31 : f32 to vector<16xf32>
      %swap3A_33 = arith.index_cast %scan3A_25 : i32 to index
      %swap3A_34 = arith.constant 16 : index
      %swap3A_35 = tpu.vector_load %arg9[%swap3A_33, %swap3A_34] {strides = array<i32>} : memref<128x128xf32, #tpu.memory_space<vmem>>, vector<1x16xf32>,
      %swap3A_36 = vector.shape_cast %swap3A_35 : vector<1x16xf32> to vector<16xf32>
      %swap3A_37 = vector.shape_cast %broadcast_in_dim3A_32 : vector<16xf32> to vector<1x16xf32>
      tpu.vector_store %arg9[%swap3A_33, %swap3A_34], %swap3A_37 {strides = array<i32>} : memref<128x128xf32, #tpu.memory_space<vmem>>, vector<1x16xf32>,
      %broadcast_in_dim3A_38 = arith.constant 0.000000e+00 : f32
      %broadcast_in_dim3A_39 = vector.broadcast %broadcast_in_dim3A_38 : f32 to vector<16xf32>
      %swap3A_40 = arith.index_cast %scan3A_25 : i32 to index
      %swap3A_41 = arith.constant 32 : index
      %swap3A_42 = tpu.vector_load %arg9[%swap3A_40, %swap3A_41] {strides = array<i32>} : memref<128x128xf32, #tpu.memory_space<vmem>>, vector<1x16xf32>,
      %swap3A_43 = vector.shape_cast %swap3A_42 : vector<1x16xf32> to vector<16xf32>
      %swap3A_44 = vector.shape_cast %broadcast_in_dim3A_39 : vector<16xf32> to vector<1x16xf32>
      tpu.vector_store %arg9[%swap3A_40, %swap3A_41], %swap3A_44 {strides = array<i32>} : memref<128x128xf32, #tpu.memory_space<vmem>>, vector<1x16xf32>,
      %broadcast_in_dim3A_45 = arith.constant 0.000000e+00 : f32
      %broadcast_in_dim3A_46 = vector.broadcast %broadcast_in_dim3A_45 : f32 to vector<16xf32>
      %swap3A_47 = arith.index_cast %scan3A_25 : i32 to index
      %swap3A_48 = arith.constant 48 : index
      %swap3A_49 = tpu.vector_load %arg9[%swap3A_47, %swap3A_48] {strides = array<i32>} : memref<128x128xf32, #tpu.memory_space<vmem>>, vector<1x16xf32>,
      %swap3A_50 = vector.shape_cast %swap3A_49 : vector<1x16xf32> to vector<16xf32>
      %swap3A_51 = vector.shape_cast %broadcast_in_dim3A_46 : vector<16xf32> to vector<1x16xf32>
      tpu.vector_store %arg9[%swap3A_47, %swap3A_48], %swap3A_51 {strides = array<i32>} : memref<128x128xf32, #tpu.memory_space<vmem>>, vector<1x16xf32>,
      %broadcast_in_dim3A_52 = arith.constant 0.000000e+00 : f32
      %broadcast_in_dim3A_53 = vector.broadcast %broadcast_in_dim3A_52 : f32 to vector<16xf32>
      %swap3A_54 = arith.index_cast %scan3A_25 : i32 to index
      %swap3A_55 = arith.constant 64 : index
      %swap3A_56 = tpu.vector_load %arg9[%swap3A_54, %swap3A_55] {strides = array<i32>} : memref<128x128xf32, #tpu.memory_space<vmem>>, vector<1x16xf32>,
      %swap3A_57 = vector.shape_cast %swap3A_56 : vector<1x16xf32> to vector<16xf32>
      %swap3A_58 = vector.shape_cast %broadcast_in_dim3A_53 : vector<16xf32> to vector<1x16xf32>
      tpu.vector_store %arg9[%swap3A_54, %swap3A_55], %swap3A_58 {strides = array<i32>} : memref<128x128xf32, #tpu.memory_space<vmem>>, vector<1x16xf32>,
      %broadcast_in_dim3A_59 = arith.constant 0.000000e+00 : f32
      %broadcast_in_dim3A_60 = vector.broadcast %broadcast_in_dim3A_59 : f32 to vector<16xf32>
      %swap3A_61 = arith.index_cast %scan3A_25 : i32 to index
      %swap3A_62 = arith.constant 80 : index
      %swap3A_63 = tpu.vector_load %arg9[%swap3A_61, %swap3A_62] {strides = array<i32>} : memref<128x128xf32, #tpu.memory_space<vmem>>, vector<1x16xf32>,
      %swap3A_64 = vector.shape_cast %swap3A_63 : vector<1x16xf32> to vector<16xf32>
      %swap3A_65 = vector.shape_cast %broadcast_in_dim3A_60 : vector<16xf32> to vector<1x16xf32>
      tpu.vector_store %arg9[%swap3A_61, %swap3A_62], %swap3A_65 {strides = array<i32>} : memref<128x128xf32, #tpu.memory_space<vmem>>, vector<1x16xf32>,
      %broadcast_in_dim3A_66 = arith.constant 0.000000e+00 : f32
      %broadcast_in_dim3A_67 = vector.broadcast %broadcast_in_dim3A_66 : f32 to vector<16xf32>
      %swap3A_68 = arith.index_cast %scan3A_25 : i32 to index
      %swap3A_69 = arith.constant 96 : index
      %swap3A_70 = tpu.vector_load %arg9[%swap3A_68, %swap3A_69] {strides = array<i32>} : memref<128x128xf32, #tpu.memory_space<vmem>>, vector<1x16xf32>,
      %swap3A_71 = vector.shape_cast %swap3A_70 : vector<1x16xf32> to vector<16xf32>
      %swap3A_72 = vector.shape_cast %broadcast_in_dim3A_67 : vector<16xf32> to vector<1x16xf32>
      tpu.vector_store %arg9[%swap3A_68, %swap3A_69], %swap3A_72 {strides = array<i32>} : memref<128x128xf32, #tpu.memory_space<vmem>>, vector<1x16xf32>,
      %broadcast_in_dim3A_73 = arith.constant 0.000000e+00 : f32
      %broadcast_in_dim3A_74 = vector.broadcast %broadcast_in_dim3A_73 : f32 to vector<16xf32>
      %swap3A_75 = arith.index_cast %scan3A_25 : i32 to index
      %swap3A_76 = arith.constant 112 : index
      %swap3A_77 = tpu.vector_load %arg9[%swap3A_75, %swap3A_76] {strides = array<i32>} : memref<128x128xf32, #tpu.memory_space<vmem>>, vector<1x16xf32>,
      %swap3A_78 = vector.shape_cast %swap3A_77 : vector<1x16xf32> to vector<16xf32>
      %swap3A_79 = vector.shape_cast %broadcast_in_dim3A_74 : vector<16xf32> to vector<1x16xf32>
      tpu.vector_store %arg9[%swap3A_75, %swap3A_76], %swap3A_79 {strides = array<i32>} : memref<128x128xf32, #tpu.memory_space<vmem>>, vector<1x16xf32>,
    }
    %scan3A_5 = arith.constant 128 : i32
    %scan3A_6 = arith.constant 0 : i32
    %scan3A_7 = arith.constant 0 : i32
    %scan3A_8 = arith.constant 5 : i32
    %scan3A_9 = arith.addi %scan3A_7, %scan3A_8 : i32
    %scan3A_10 = arith.constant 1 : i32
    scf.for %scan3A_25 = %scan3A_7 to %scan3A_9 step %scan3A_10  : i32 {
      %mul3A_26 = arith.constant 640 : i32
      %mul3A_27 = arith.muli %arg1, %mul3A_26 : i32
      %mul3A_28 = arith.constant 128 : i32
      %mul3A_29 = arith.muli %scan3A_25, %mul3A_28 : i32
      %add3A_30 = arith.addi %mul3A_27, %mul3A_29 : i32
      "tpu.region"() ({
        %run_scoped3A = tpu.sem_alloc : memref<!tpu.dma_semaphore, #tpu.memory_space<semaphore_mem>>
        %dma_start3A = arith.constant 0 : i32
        %dma_start3A_31 = tpu.memref_slice %arg11[%add3A_30, %dma_start3A] : memref<10240x128xf32, #tpu.memory_space<vmem_shared>> -> memref<128x128xf32, #tpu.memory_space<vmem_shared>>
        %dma_start3A_32 = arith.constant 0 : i32
        %dma_start3A_33 = tpu.memref_slice %arg11[%add3A_30, %dma_start3A_32] : memref<10240x128xf32, #tpu.memory_space<vmem_shared>> -> memref<128x128xf32, #tpu.memory_space<vmem_shared>>
        tpu.enqueue_dma source(%arg9 : memref<128x128xf32, #tpu.memory_space<vmem>>) target(%dma_start3A_33 : memref<128x128xf32, #tpu.memory_space<vmem_shared>>) target_semaphore(%run_scoped3A : memref<!tpu.dma_semaphore, #tpu.memory_space<semaphore_mem>>)
        %dma_wait3A = arith.constant 0 : i32
        %dma_wait3A_34 = tpu.memref_slice %arg11[%add3A_30, %dma_wait3A] : memref<10240x128xf32, #tpu.memory_space<vmem_shared>> -> memref<128x128xf32, #tpu.memory_space<vmem_shared>>
        %dma_wait3A_35 = arith.constant 0 : i32
        %dma_wait3A_36 = tpu.memref_slice %arg11[%add3A_30, %dma_wait3A_35] : memref<10240x128xf32, #tpu.memory_space<vmem_shared>> -> memref<128x128xf32, #tpu.memory_space<vmem_shared>>
        tpu.wait_dma2 semaphore(%run_scoped3A : memref<!tpu.dma_semaphore, #tpu.memory_space<semaphore_mem>>) src(%arg9 : memref<128x128xf32, #tpu.memory_space<vmem>>) dst(%dma_wait3A_36 : memref<128x128xf32, #tpu.memory_space<vmem_shared>>)
        tpu.yield
      }) : () -> ()
    }
    %scan3A_11 = arith.constant 5 : i32
    %barrier3A = arith.constant 0 : index
    tpu.barrier barrier_id(%barrier3A)
    %scan3A_12 = arith.constant 0 : i32
    %scan3A_13 = arith.constant 0 : i32
    %scan3A_14 = arith.constant 80 : i32
    %scan3A_15 = arith.addi %scan3A_13, %scan3A_14 : i32
    %scan3A_16 = arith.constant 1 : i32
    scf.for %scan3A_25 = %scan3A_13 to %scan3A_15 step %scan3A_16  : i32 {
      %mul3A_26 = arith.constant 80 : i32
      %mul3A_27 = arith.muli %add3A, %mul3A_26 : i32
      %add3A_28 = arith.addi %mul3A_27, %scan3A_25 : i32
      %mul3A_29 = arith.constant 128 : i32
      %mul3A_30 = arith.muli %add3A_28, %mul3A_29 : i32
      "tpu.region"() ({
        %run_scoped3A = tpu.sem_alloc : memref<!tpu.dma_semaphore, #tpu.memory_space<semaphore_mem>>
        %dma_start3A = tpu.memref_slice %arg3[%mul3A_30] : memref<327680xi32, #tpu.memory_space<hbm>> -> memref<128xi32, #tpu.memory_space<hbm>>
        %dma_start3A_37 = tpu.memref_slice %arg3[%mul3A_30] : memref<327680xi32, #tpu.memory_space<hbm>> -> memref<128xi32, #tpu.memory_space<hbm>>
        tpu.enqueue_dma source(%dma_start3A_37 : memref<128xi32, #tpu.memory_space<hbm>>) target(%arg7 : memref<128xi32, #tpu.memory_space<vmem>>) target_semaphore(%run_scoped3A : memref<!tpu.dma_semaphore, #tpu.memory_space<semaphore_mem>>)
        %dma_wait3A = tpu.memref_slice %arg3[%mul3A_30] : memref<327680xi32, #tpu.memory_space<hbm>> -> memref<128xi32, #tpu.memory_space<hbm>>
        %dma_wait3A_38 = tpu.memref_slice %arg3[%mul3A_30] : memref<327680xi32, #tpu.memory_space<hbm>> -> memref<128xi32, #tpu.memory_space<hbm>>
        tpu.wait_dma2 semaphore(%run_scoped3A : memref<!tpu.dma_semaphore, #tpu.memory_space<semaphore_mem>>) src(%dma_wait3A_38 : memref<128xi32, #tpu.memory_space<hbm>>) dst(%arg7 : memref<128xi32, #tpu.memory_space<vmem>>)
        tpu.yield
      }) : () -> ()
      "tpu.region"() ({
        %run_scoped3A = tpu.sem_alloc : memref<!tpu.dma_semaphore, #tpu.memory_space<semaphore_mem>>
        %dma_start3A = tpu.memref_slice %arg4[%mul3A_30] : memref<327680xi32, #tpu.memory_space<hbm>> -> memref<128xi32, #tpu.memory_space<hbm>>
        %dma_start3A_37 = tpu.memref_slice %arg4[%mul3A_30] : memref<327680xi32, #tpu.memory_space<hbm>> -> memref<128xi32, #tpu.memory_space<hbm>>
        tpu.enqueue_dma source(%dma_start3A_37 : memref<128xi32, #tpu.memory_space<hbm>>) target(%arg8 : memref<128xi32, #tpu.memory_space<vmem>>) target_semaphore(%run_scoped3A : memref<!tpu.dma_semaphore, #tpu.memory_space<semaphore_mem>>)
        %dma_wait3A = tpu.memref_slice %arg4[%mul3A_30] : memref<327680xi32, #tpu.memory_space<hbm>> -> memref<128xi32, #tpu.memory_space<hbm>>
        %dma_wait3A_38 = tpu.memref_slice %arg4[%mul3A_30] : memref<327680xi32, #tpu.memory_space<hbm>> -> memref<128xi32, #tpu.memory_space<hbm>>
        tpu.wait_dma2 semaphore(%run_scoped3A : memref<!tpu.dma_semaphore, #tpu.memory_space<semaphore_mem>>) src(%dma_wait3A_38 : memref<128xi32, #tpu.memory_space<hbm>>) dst(%arg8 : memref<128xi32, #tpu.memory_space<vmem>>)
        tpu.yield
      }) : () -> ()
      "tpu.region"() ({
        %run_scoped3A = tpu.sem_alloc : memref<!tpu.dma_semaphore, #tpu.memory_space<semaphore_mem>>
        %dma_start3A = arith.constant 0 : i32
        %dma_start3A_37 = arith.constant 0 : i32
        %dma_start3A_38 = tpu.memref_slice %arg2[%dma_start3A, %dma_start3A_37] : memref<10000x128xf32, #tpu.memory_space<hbm>> -> memref<10000x128xf32, #tpu.memory_space<hbm>>
        tpu.enqueue_indirect_dma source(%dma_start3A_38 : memref<10000x128xf32, #tpu.memory_space<hbm>>) target(%arg9 : memref<128x128xf32, #tpu.memory_space<vmem>>) offsets(%arg7 : memref<128xi32, #tpu.memory_space<vmem>>) semaphore(%run_scoped3A : memref<!tpu.dma_semaphore, #tpu.memory_space<semaphore_mem>>)
        %dma_wait3A = arith.constant 0 : i32
        %dma_wait3A_39 = arith.constant 0 : i32
        %dma_wait3A_40 = tpu.memref_slice %arg2[%dma_wait3A, %dma_wait3A_39] : memref<10000x128xf32, #tpu.memory_space<hbm>> -> memref<10000x128xf32, #tpu.memory_space<hbm>>
        tpu.wait_indirect_dma semaphore(%run_scoped3A : memref<!tpu.dma_semaphore, #tpu.memory_space<semaphore_mem>>) src(%dma_wait3A_40 : memref<10000x128xf32, #tpu.memory_space<hbm>>) dst(%arg9 : memref<128x128xf32, #tpu.memory_space<vmem>>)
        tpu.yield
      }) : () -> ()
      "tpu.region"() ({
        %run_scoped3A = tpu.sem_alloc : memref<!tpu.dma_semaphore, #tpu.memory_space<semaphore_mem>>
        %dma_start3A = arith.constant 0 : i32
        %dma_start3A_37 = tpu.memref_slice %arg5[%mul3A_30, %dma_start3A] : memref<327680x128xf32, #tpu.memory_space<hbm>> -> memref<128x128xf32, #tpu.memory_space<hbm>>
        %dma_start3A_38 = arith.constant 0 : i32
        %dma_start3A_39 = tpu.memref_slice %arg5[%mul3A_30, %dma_start3A_38] : memref<327680x128xf32, #tpu.memory_space<hbm>> -> memref<128x128xf32, #tpu.memory_space<hbm>>
        tpu.enqueue_dma source(%dma_start3A_39 : memref<128x128xf32, #tpu.memory_space<hbm>>) target(%arg10 : memref<128x128xf32, #tpu.memory_space<vmem>>) target_semaphore(%run_scoped3A : memref<!tpu.dma_semaphore, #tpu.memory_space<semaphore_mem>>)
        %dma_wait3A = arith.constant 0 : i32
        %dma_wait3A_40 = tpu.memref_slice %arg5[%mul3A_30, %dma_wait3A] : memref<327680x128xf32, #tpu.memory_space<hbm>> -> memref<128x128xf32, #tpu.memory_space<hbm>>
        %dma_wait3A_41 = arith.constant 0 : i32
        %dma_wait3A_42 = tpu.memref_slice %arg5[%mul3A_30, %dma_wait3A_41] : memref<327680x128xf32, #tpu.memory_space<hbm>> -> memref<128x128xf32, #tpu.memory_space<hbm>>
        tpu.wait_dma2 semaphore(%run_scoped3A : memref<!tpu.dma_semaphore, #tpu.memory_space<semaphore_mem>>) src(%dma_wait3A_42 : memref<128x128xf32, #tpu.memory_space<hbm>>) dst(%arg10 : memref<128x128xf32, #tpu.memory_space<vmem>>)
        tpu.yield
      }) : () -> ()
      %scan3A_31 = arith.constant 0 : i32
      %scan3A_32 = arith.constant 0 : i32
      %scan3A_33 = arith.constant 128 : i32
      %scan3A_34 = arith.addi %scan3A_32, %scan3A_33 : i32
      %scan3A_35 = arith.constant 1 : i32
      scf.for %scan3A_37 = %scan3A_32 to %scan3A_34 step %scan3A_35  : i32 {
        %get3A = arith.index_cast %scan3A_37 : i32 to index
        %get3A_38 = arith.constant 0 : index
        %get3A_39 = tpu.vector_load %arg9[%get3A, %get3A_38] {strides = array<i32>} : memref<128x128xf32, #tpu.memory_space<vmem>>, vector<1x16xf32>,
        %get3A_40 = vector.shape_cast %get3A_39 : vector<1x16xf32> to vector<16xf32>
        %get3A_41 = arith.index_cast %scan3A_37 : i32 to index
        %get3A_42 = arith.constant 0 : index
        %get3A_43 = tpu.vector_load %arg10[%get3A_41, %get3A_42] {strides = array<i32>} : memref<128x128xf32, #tpu.memory_space<vmem>>, vector<1x16xf32>,
        %get3A_44 = vector.shape_cast %get3A_43 : vector<1x16xf32> to vector<16xf32>
        %add3A_45 = arith.addf %get3A_40, %get3A_44 : vector<16xf32>
        %max3A = arith.constant 0.000000e+00 : f32
        %max3A_46 = vector.broadcast %max3A : f32 to vector<16xf32>
        %max3A_47 = arith.maximumf %add3A_45, %max3A_46 : vector<16xf32>
        %swap3A = arith.index_cast %scan3A_37 : i32 to index
        %swap3A_48 = arith.constant 0 : index
        %swap3A_49 = tpu.vector_load %arg9[%swap3A, %swap3A_48] {strides = array<i32>} : memref<128x128xf32, #tpu.memory_space<vmem>>, vector<1x16xf32>,
        %swap3A_50 = vector.shape_cast %swap3A_49 : vector<1x16xf32> to vector<16xf32>
        %swap3A_51 = vector.shape_cast %max3A_47 : vector<16xf32> to vector<1x16xf32>
        tpu.vector_store %arg9[%swap3A, %swap3A_48], %swap3A_51 {strides = array<i32>} : memref<128x128xf32, #tpu.memory_space<vmem>>, vector<1x16xf32>,
        %get3A_52 = arith.index_cast %scan3A_37 : i32 to index
        %get3A_53 = arith.constant 16 : index
        %get3A_54 = tpu.vector_load %arg9[%get3A_52, %get3A_53] {strides = array<i32>} : memref<128x128xf32, #tpu.memory_space<vmem>>, vector<1x16xf32>,
        %get3A_55 = vector.shape_cast %get3A_54 : vector<1x16xf32> to vector<16xf32>
        %get3A_56 = arith.index_cast %scan3A_37 : i32 to index
        %get3A_57 = arith.constant 16 : index
        %get3A_58 = tpu.vector_load %arg10[%get3A_56, %get3A_57] {strides = array<i32>} : memref<128x128xf32, #tpu.memory_space<vmem>>, vector<1x16xf32>,
        %get3A_59 = vector.shape_cast %get3A_58 : vector<1x16xf32> to vector<16xf32>
        %add3A_60 = arith.addf %get3A_55, %get3A_59 : vector<16xf32>
        %max3A_61 = arith.constant 0.000000e+00 : f32
        %max3A_62 = vector.broadcast %max3A_61 : f32 to vector<16xf32>
        %max3A_63 = arith.maximumf %add3A_60, %max3A_62 : vector<16xf32>
        %swap3A_64 = arith.index_cast %scan3A_37 : i32 to index
        %swap3A_65 = arith.constant 16 : index
        %swap3A_66 = tpu.vector_load %arg9[%swap3A_64, %swap3A_65] {strides = array<i32>} : memref<128x128xf32, #tpu.memory_space<vmem>>, vector<1x16xf32>,
        %swap3A_67 = vector.shape_cast %swap3A_66 : vector<1x16xf32> to vector<16xf32>
        %swap3A_68 = vector.shape_cast %max3A_63 : vector<16xf32> to vector<1x16xf32>
        tpu.vector_store %arg9[%swap3A_64, %swap3A_65], %swap3A_68 {strides = array<i32>} : memref<128x128xf32, #tpu.memory_space<vmem>>, vector<1x16xf32>,
        %get3A_69 = arith.index_cast %scan3A_37 : i32 to index
        %get3A_70 = arith.constant 32 : index
        %get3A_71 = tpu.vector_load %arg9[%get3A_69, %get3A_70] {strides = array<i32>} : memref<128x128xf32, #tpu.memory_space<vmem>>, vector<1x16xf32>,
        %get3A_72 = vector.shape_cast %get3A_71 : vector<1x16xf32> to vector<16xf32>
        %get3A_73 = arith.index_cast %scan3A_37 : i32 to index
        %get3A_74 = arith.constant 32 : index
        %get3A_75 = tpu.vector_load %arg10[%get3A_73, %get3A_74] {strides = array<i32>} : memref<128x128xf32, #tpu.memory_space<vmem>>, vector<1x16xf32>,
        %get3A_76 = vector.shape_cast %get3A_75 : vector<1x16xf32> to vector<16xf32>
        %add3A_77 = arith.addf %get3A_72, %get3A_76 : vector<16xf32>
        %max3A_78 = arith.constant 0.000000e+00 : f32
        %max3A_79 = vector.broadcast %max3A_78 : f32 to vector<16xf32>
        %max3A_80 = arith.maximumf %add3A_77, %max3A_79 : vector<16xf32>
        %swap3A_81 = arith.index_cast %scan3A_37 : i32 to index
        %swap3A_82 = arith.constant 32 : index
        %swap3A_83 = tpu.vector_load %arg9[%swap3A_81, %swap3A_82] {strides = array<i32>} : memref<128x128xf32, #tpu.memory_space<vmem>>, vector<1x16xf32>,
        %swap3A_84 = vector.shape_cast %swap3A_83 : vector<1x16xf32> to vector<16xf32>
        %swap3A_85 = vector.shape_cast %max3A_80 : vector<16xf32> to vector<1x16xf32>
        tpu.vector_store %arg9[%swap3A_81, %swap3A_82], %swap3A_85 {strides = array<i32>} : memref<128x128xf32, #tpu.memory_space<vmem>>, vector<1x16xf32>,
        %get3A_86 = arith.index_cast %scan3A_37 : i32 to index
        %get3A_87 = arith.constant 48 : index
        %get3A_88 = tpu.vector_load %arg9[%get3A_86, %get3A_87] {strides = array<i32>} : memref<128x128xf32, #tpu.memory_space<vmem>>, vector<1x16xf32>,
        %get3A_89 = vector.shape_cast %get3A_88 : vector<1x16xf32> to vector<16xf32>
        %get3A_90 = arith.index_cast %scan3A_37 : i32 to index
        %get3A_91 = arith.constant 48 : index
        %get3A_92 = tpu.vector_load %arg10[%get3A_90, %get3A_91] {strides = array<i32>} : memref<128x128xf32, #tpu.memory_space<vmem>>, vector<1x16xf32>,
        %get3A_93 = vector.shape_cast %get3A_92 : vector<1x16xf32> to vector<16xf32>
        %add3A_94 = arith.addf %get3A_89, %get3A_93 : vector<16xf32>
        %max3A_95 = arith.constant 0.000000e+00 : f32
        %max3A_96 = vector.broadcast %max3A_95 : f32 to vector<16xf32>
        %max3A_97 = arith.maximumf %add3A_94, %max3A_96 : vector<16xf32>
        %swap3A_98 = arith.index_cast %scan3A_37 : i32 to index
        %swap3A_99 = arith.constant 48 : index
        %swap3A_100 = tpu.vector_load %arg9[%swap3A_98, %swap3A_99] {strides = array<i32>} : memref<128x128xf32, #tpu.memory_space<vmem>>, vector<1x16xf32>,
        %swap3A_101 = vector.shape_cast %swap3A_100 : vector<1x16xf32> to vector<16xf32>
        %swap3A_102 = vector.shape_cast %max3A_97 : vector<16xf32> to vector<1x16xf32>
        tpu.vector_store %arg9[%swap3A_98, %swap3A_99], %swap3A_102 {strides = array<i32>} : memref<128x128xf32, #tpu.memory_space<vmem>>, vector<1x16xf32>,
        %get3A_103 = arith.index_cast %scan3A_37 : i32 to index
        %get3A_104 = arith.constant 64 : index
        %get3A_105 = tpu.vector_load %arg9[%get3A_103, %get3A_104] {strides = array<i32>} : memref<128x128xf32, #tpu.memory_space<vmem>>, vector<1x16xf32>,
        %get3A_106 = vector.shape_cast %get3A_105 : vector<1x16xf32> to vector<16xf32>
        %get3A_107 = arith.index_cast %scan3A_37 : i32 to index
        %get3A_108 = arith.constant 64 : index
        %get3A_109 = tpu.vector_load %arg10[%get3A_107, %get3A_108] {strides = array<i32>} : memref<128x128xf32, #tpu.memory_space<vmem>>, vector<1x16xf32>,
        %get3A_110 = vector.shape_cast %get3A_109 : vector<1x16xf32> to vector<16xf32>
        %add3A_111 = arith.addf %get3A_106, %get3A_110 : vector<16xf32>
        %max3A_112 = arith.constant 0.000000e+00 : f32
        %max3A_113 = vector.broadcast %max3A_112 : f32 to vector<16xf32>
        %max3A_114 = arith.maximumf %add3A_111, %max3A_113 : vector<16xf32>
        %swap3A_115 = arith.index_cast %scan3A_37 : i32 to index
        %swap3A_116 = arith.constant 64 : index
        %swap3A_117 = tpu.vector_load %arg9[%swap3A_115, %swap3A_116] {strides = array<i32>} : memref<128x128xf32, #tpu.memory_space<vmem>>, vector<1x16xf32>,
        %swap3A_118 = vector.shape_cast %swap3A_117 : vector<1x16xf32> to vector<16xf32>
        %swap3A_119 = vector.shape_cast %max3A_114 : vector<16xf32> to vector<1x16xf32>
        tpu.vector_store %arg9[%swap3A_115, %swap3A_116], %swap3A_119 {strides = array<i32>} : memref<128x128xf32, #tpu.memory_space<vmem>>, vector<1x16xf32>,
        %get3A_120 = arith.index_cast %scan3A_37 : i32 to index
        %get3A_121 = arith.constant 80 : index
        %get3A_122 = tpu.vector_load %arg9[%get3A_120, %get3A_121] {strides = array<i32>} : memref<128x128xf32, #tpu.memory_space<vmem>>, vector<1x16xf32>,
        %get3A_123 = vector.shape_cast %get3A_122 : vector<1x16xf32> to vector<16xf32>
        %get3A_124 = arith.index_cast %scan3A_37 : i32 to index
        %get3A_125 = arith.constant 80 : index
        %get3A_126 = tpu.vector_load %arg10[%get3A_124, %get3A_125] {strides = array<i32>} : memref<128x128xf32, #tpu.memory_space<vmem>>, vector<1x16xf32>,
        %get3A_127 = vector.shape_cast %get3A_126 : vector<1x16xf32> to vector<16xf32>
        %add3A_128 = arith.addf %get3A_123, %get3A_127 : vector<16xf32>
        %max3A_129 = arith.constant 0.000000e+00 : f32
        %max3A_130 = vector.broadcast %max3A_129 : f32 to vector<16xf32>
        %max3A_131 = arith.maximumf %add3A_128, %max3A_130 : vector<16xf32>
        %swap3A_132 = arith.index_cast %scan3A_37 : i32 to index
        %swap3A_133 = arith.constant 80 : index
        %swap3A_134 = tpu.vector_load %arg9[%swap3A_132, %swap3A_133] {strides = array<i32>} : memref<128x128xf32, #tpu.memory_space<vmem>>, vector<1x16xf32>,
        %swap3A_135 = vector.shape_cast %swap3A_134 : vector<1x16xf32> to vector<16xf32>
        %swap3A_136 = vector.shape_cast %max3A_131 : vector<16xf32> to vector<1x16xf32>
        tpu.vector_store %arg9[%swap3A_132, %swap3A_133], %swap3A_136 {strides = array<i32>} : memref<128x128xf32, #tpu.memory_space<vmem>>, vector<1x16xf32>,
        %get3A_137 = arith.index_cast %scan3A_37 : i32 to index
        %get3A_138 = arith.constant 96 : index
        %get3A_139 = tpu.vector_load %arg9[%get3A_137, %get3A_138] {strides = array<i32>} : memref<128x128xf32, #tpu.memory_space<vmem>>, vector<1x16xf32>,
        %get3A_140 = vector.shape_cast %get3A_139 : vector<1x16xf32> to vector<16xf32>
        %get3A_141 = arith.index_cast %scan3A_37 : i32 to index
        %get3A_142 = arith.constant 96 : index
        %get3A_143 = tpu.vector_load %arg10[%get3A_141, %get3A_142] {strides = array<i32>} : memref<128x128xf32, #tpu.memory_space<vmem>>, vector<1x16xf32>,
        %get3A_144 = vector.shape_cast %get3A_143 : vector<1x16xf32> to vector<16xf32>
        %add3A_145 = arith.addf %get3A_140, %get3A_144 : vector<16xf32>
        %max3A_146 = arith.constant 0.000000e+00 : f32
        %max3A_147 = vector.broadcast %max3A_146 : f32 to vector<16xf32>
        %max3A_148 = arith.maximumf %add3A_145, %max3A_147 : vector<16xf32>
        %swap3A_149 = arith.index_cast %scan3A_37 : i32 to index
        %swap3A_150 = arith.constant 96 : index
        %swap3A_151 = tpu.vector_load %arg9[%swap3A_149, %swap3A_150] {strides = array<i32>} : memref<128x128xf32, #tpu.memory_space<vmem>>, vector<1x16xf32>,
        %swap3A_152 = vector.shape_cast %swap3A_151 : vector<1x16xf32> to vector<16xf32>
        %swap3A_153 = vector.shape_cast %max3A_148 : vector<16xf32> to vector<1x16xf32>
        tpu.vector_store %arg9[%swap3A_149, %swap3A_150], %swap3A_153 {strides = array<i32>} : memref<128x128xf32, #tpu.memory_space<vmem>>, vector<1x16xf32>,
        %get3A_154 = arith.index_cast %scan3A_37 : i32 to index
        %get3A_155 = arith.constant 112 : index
        %get3A_156 = tpu.vector_load %arg9[%get3A_154, %get3A_155] {strides = array<i32>} : memref<128x128xf32, #tpu.memory_space<vmem>>, vector<1x16xf32>,
        %get3A_157 = vector.shape_cast %get3A_156 : vector<1x16xf32> to vector<16xf32>
        %get3A_158 = arith.index_cast %scan3A_37 : i32 to index
        %get3A_159 = arith.constant 112 : index
        %get3A_160 = tpu.vector_load %arg10[%get3A_158, %get3A_159] {strides = array<i32>} : memref<128x128xf32, #tpu.memory_space<vmem>>, vector<1x16xf32>,
        %get3A_161 = vector.shape_cast %get3A_160 : vector<1x16xf32> to vector<16xf32>
        %add3A_162 = arith.addf %get3A_157, %get3A_161 : vector<16xf32>
        %max3A_163 = arith.constant 0.000000e+00 : f32
        %max3A_164 = vector.broadcast %max3A_163 : f32 to vector<16xf32>
        %max3A_165 = arith.maximumf %add3A_162, %max3A_164 : vector<16xf32>
        %swap3A_166 = arith.index_cast %scan3A_37 : i32 to index
        %swap3A_167 = arith.constant 112 : index
        %swap3A_168 = tpu.vector_load %arg9[%swap3A_166, %swap3A_167] {strides = array<i32>} : memref<128x128xf32, #tpu.memory_space<vmem>>, vector<1x16xf32>,
        %swap3A_169 = vector.shape_cast %swap3A_168 : vector<1x16xf32> to vector<16xf32>
        %swap3A_170 = vector.shape_cast %max3A_165 : vector<16xf32> to vector<1x16xf32>
        tpu.vector_store %arg9[%swap3A_166, %swap3A_167], %swap3A_170 {strides = array<i32>} : memref<128x128xf32, #tpu.memory_space<vmem>>, vector<1x16xf32>,
      }
      %scan3A_36 = arith.constant 128 : i32
      "tpu.region"() ({
        %run_scoped3A = tpu.sem_alloc : memref<!tpu.dma_semaphore, #tpu.memory_space<semaphore_mem>>
        %dma_start3A = arith.constant 0 : i32
        %dma_start3A_37 = arith.constant 0 : i32
        %dma_start3A_38 = tpu.memref_slice %arg11[%dma_start3A, %dma_start3A_37] : memref<10240x128xf32, #tpu.memory_space<vmem_shared>> -> memref<10240x128xf32, #tpu.memory_space<vmem_shared>>
        tpu.enqueue_indirect_dma source(%arg9 : memref<128x128xf32, #tpu.memory_space<vmem>>) target(%dma_start3A_38 : memref<10240x128xf32, #tpu.memory_space<vmem_shared>>) offsets(%arg8 : memref<128xi32, #tpu.memory_space<vmem>>) semaphore(%run_scoped3A : memref<!tpu.dma_semaphore, #tpu.memory_space<semaphore_mem>>) {add = true}
        %dma_wait3A = arith.constant 0 : i32
        %dma_wait3A_39 = arith.constant 0 : i32
        %dma_wait3A_40 = tpu.memref_slice %arg11[%dma_wait3A, %dma_wait3A_39] : memref<10240x128xf32, #tpu.memory_space<vmem_shared>> -> memref<10240x128xf32, #tpu.memory_space<vmem_shared>>
        tpu.wait_indirect_dma semaphore(%run_scoped3A : memref<!tpu.dma_semaphore, #tpu.memory_space<semaphore_mem>>) src(%arg9 : memref<128x128xf32, #tpu.memory_space<vmem>>) dst(%dma_wait3A_40 : memref<10240x128xf32, #tpu.memory_space<vmem_shared>>)
        tpu.yield
      }) : () -> ()
    }
    %scan3A_17 = arith.constant 80 : i32
    %barrier3A_18 = arith.constant 0 : index
    tpu.barrier barrier_id(%barrier3A_18)
    %scan3A_19 = arith.constant 0 : i32
    %scan3A_20 = arith.constant 0 : i32
    %scan3A_21 = arith.constant 5 : i32
    %scan3A_22 = arith.addi %scan3A_20, %scan3A_21 : i32
    %scan3A_23 = arith.constant 1 : i32
    scf.for %scan3A_25 = %scan3A_20 to %scan3A_22 step %scan3A_23  : i32 {
      %mul3A_26 = arith.constant 640 : i32
      %mul3A_27 = arith.muli %arg1, %mul3A_26 : i32
      %mul3A_28 = arith.constant 128 : i32
      %mul3A_29 = arith.muli %scan3A_25, %mul3A_28 : i32
      %add3A_30 = arith.addi %mul3A_27, %mul3A_29 : i32
      "tpu.region"() ({
        %run_scoped3A = tpu.sem_alloc : memref<!tpu.dma_semaphore, #tpu.memory_space<semaphore_mem>>
        %dma_start3A = arith.constant 0 : i32
        %dma_start3A_31 = tpu.memref_slice %arg11[%add3A_30, %dma_start3A] : memref<10240x128xf32, #tpu.memory_space<vmem_shared>> -> memref<128x128xf32, #tpu.memory_space<vmem_shared>>
        %dma_start3A_32 = arith.constant 0 : i32
        %dma_start3A_33 = tpu.memref_slice %arg11[%add3A_30, %dma_start3A_32] : memref<10240x128xf32, #tpu.memory_space<vmem_shared>> -> memref<128x128xf32, #tpu.memory_space<vmem_shared>>
        tpu.enqueue_dma source(%dma_start3A_33 : memref<128x128xf32, #tpu.memory_space<vmem_shared>>) target(%arg9 : memref<128x128xf32, #tpu.memory_space<vmem>>) target_semaphore(%run_scoped3A : memref<!tpu.dma_semaphore, #tpu.memory_space<semaphore_mem>>)
        %dma_wait3A = arith.constant 0 : i32
        %dma_wait3A_34 = tpu.memref_slice %arg11[%add3A_30, %dma_wait3A] : memref<10240x128xf32, #tpu.memory_space<vmem_shared>> -> memref<128x128xf32, #tpu.memory_space<vmem_shared>>
        %dma_wait3A_35 = arith.constant 0 : i32
        %dma_wait3A_36 = tpu.memref_slice %arg11[%add3A_30, %dma_wait3A_35] : memref<10240x128xf32, #tpu.memory_space<vmem_shared>> -> memref<128x128xf32, #tpu.memory_space<vmem_shared>>
        tpu.wait_dma2 semaphore(%run_scoped3A : memref<!tpu.dma_semaphore, #tpu.memory_space<semaphore_mem>>) src(%dma_wait3A_36 : memref<128x128xf32, #tpu.memory_space<vmem_shared>>) dst(%arg9 : memref<128x128xf32, #tpu.memory_space<vmem>>)
        tpu.yield
      }) : () -> ()
      "tpu.region"() ({
        %run_scoped3A = tpu.sem_alloc : memref<!tpu.dma_semaphore, #tpu.memory_space<semaphore_mem>>
        %dma_start3A = arith.constant 0 : i32
        %dma_start3A_31 = tpu.memref_slice %arg6[%arg0, %add3A_30, %dma_start3A] : memref<2x10240x128xf32, #tpu.memory_space<hbm>> -> memref<1x128x128xf32, #tpu.memory_space<hbm>>
        %dma_start3A_32 = tpu.memref_squeeze %dma_start3A_31 : memref<1x128x128xf32, #tpu.memory_space<hbm>> -> memref<128x128xf32, #tpu.memory_space<hbm>>
        %dma_start3A_33 = arith.constant 0 : i32
        %dma_start3A_34 = tpu.memref_slice %arg6[%arg0, %add3A_30, %dma_start3A_33] : memref<2x10240x128xf32, #tpu.memory_space<hbm>> -> memref<1x128x128xf32, #tpu.memory_space<hbm>>
        %dma_start3A_35 = tpu.memref_squeeze %dma_start3A_34 : memref<1x128x128xf32, #tpu.memory_space<hbm>> -> memref<128x128xf32, #tpu.memory_space<hbm>>
        tpu.enqueue_dma source(%arg9 : memref<128x128xf32, #tpu.memory_space<vmem>>) target(%dma_start3A_35 : memref<128x128xf32, #tpu.memory_space<hbm>>) target_semaphore(%run_scoped3A : memref<!tpu.dma_semaphore, #tpu.memory_space<semaphore_mem>>)
        %dma_wait3A = arith.constant 0 : i32
        %dma_wait3A_36 = tpu.memref_slice %arg6[%arg0, %add3A_30, %dma_wait3A] : memref<2x10240x128xf32, #tpu.memory_space<hbm>> -> memref<1x128x128xf32, #tpu.memory_space<hbm>>
        %dma_wait3A_37 = tpu.memref_squeeze %dma_wait3A_36 : memref<1x128x128xf32, #tpu.memory_space<hbm>> -> memref<128x128xf32, #tpu.memory_space<hbm>>
        %dma_wait3A_38 = arith.constant 0 : i32
        %dma_wait3A_39 = tpu.memref_slice %arg6[%arg0, %add3A_30, %dma_wait3A_38] : memref<2x10240x128xf32, #tpu.memory_space<hbm>> -> memref<1x128x128xf32, #tpu.memory_space<hbm>>
        %dma_wait3A_40 = tpu.memref_squeeze %dma_wait3A_39 : memref<1x128x128xf32, #tpu.memory_space<hbm>> -> memref<128x128xf32, #tpu.memory_space<hbm>>
        tpu.wait_dma2 semaphore(%run_scoped3A : memref<!tpu.dma_semaphore, #tpu.memory_space<semaphore_mem>>) src(%arg9 : memref<128x128xf32, #tpu.memory_space<vmem>>) dst(%dma_wait3A_40 : memref<128x128xf32, #tpu.memory_space<hbm>>)
        tpu.yield
      }) : () -> ()
    }
    %scan3A_24 = arith.constant 5 : i32
    return
  }
}

#map = affine_map<(d0, d1) -> (0, 0)>
#map1 = affine_map<(d0, d1) -> (0)>
#map2 = affine_map<(d0, d1) -> (0, 0, 0)>
module attributes {stable_mosaic.version = 14 : i64} {
  func.func @_sc_body(%arg0: i32, %arg1: i32, %arg2: memref<10000x128xf32, #tpu.memory_space<hbm>>, %arg3: memref<327680xi32, #tpu.memory_space<hbm>>, %arg4: memref<327680xi32, #tpu.memory_space<hbm>>, %arg5: memref<327680x128xf32, #tpu.memory_space<hbm>>, %arg6: memref<2x10240x128xf32, #tpu.memory_space<hbm>>, %arg7: memref<128xi32, #tpu.memory_space<vmem>>, %arg8: memref<128xi32, #tpu.memory_space<vmem>>, %arg9: memref<128x128xf32, #tpu.memory_space<vmem>>, %arg10: memref<128x128xf32, #tpu.memory_space<vmem>>, %arg11: memref<10240x128xf32, #tpu.memory_space<vmem_shared>>) attributes {dimension_semantics = [#tpu.dimension_semantics<core_parallel>, #tpu.dimension_semantics<subcore_parallel>], iteration_bounds = array<i64: 2, 16>, scalar_prefetch = 0 : i64, scratch_operands = 5 : i64, tpu.core_type = #tpu.core_type<sc_vector_subcore>, window_params = [{transform_indices = #map}, {transform_indices = #map1}, {transform_indices = #map1}, {transform_indices = #map}, {transform_indices = #map2}]} {
    %mul3A = arith.constant 16 : i32
    %mul3A_0 = arith.muli %arg0, %mul3A : i32
    %add3A = arith.addi %mul3A_0, %arg1 : i32
    %scan3A = arith.constant 0 : i32
    %scan3A_1 = arith.constant 0 : i32
    %scan3A_2 = arith.constant 128 : i32
    %scan3A_3 = arith.addi %scan3A_1, %scan3A_2 : i32
    %scan3A_4 = arith.constant 1 : i32
    scf.for %scan3A_25 = %scan3A_1 to %scan3A_3 step %scan3A_4  : i32 {
      %broadcast_in_dim3A = arith.constant 0.000000e+00 : f32
      %broadcast_in_dim3A_26 = vector.broadcast %broadcast_in_dim3A : f32 to vector<16xf32>
      %swap3A = arith.index_cast %scan3A_25 : i32 to index
      %swap3A_27 = arith.constant 0 : index
      %swap3A_28 = tpu.vector_load %arg9[%swap3A, %swap3A_27] {strides = array<i32>} : memref<128x128xf32, #tpu.memory_space<vmem>>, vector<1x16xf32>,
      %swap3A_29 = vector.shape_cast %swap3A_28 : vector<1x16xf32> to vector<16xf32>
      %swap3A_30 = vector.shape_cast %broadcast_in_dim3A_26 : vector<16xf32> to vector<1x16xf32>
      tpu.vector_store %arg9[%swap3A, %swap3A_27], %swap3A_30 {strides = array<i32>} : memref<128x128xf32, #tpu.memory_space<vmem>>, vector<1x16xf32>,
      %broadcast_in_dim3A_31 = arith.constant 0.000000e+00 : f32
      %broadcast_in_dim3A_32 = vector.broadcast %broadcast_in_dim3A_31 : f32 to vector<16xf32>
      %swap3A_33 = arith.index_cast %scan3A_25 : i32 to index
      %swap3A_34 = arith.constant 16 : index
      %swap3A_35 = tpu.vector_load %arg9[%swap3A_33, %swap3A_34] {strides = array<i32>} : memref<128x128xf32, #tpu.memory_space<vmem>>, vector<1x16xf32>,
      %swap3A_36 = vector.shape_cast %swap3A_35 : vector<1x16xf32> to vector<16xf32>
      %swap3A_37 = vector.shape_cast %broadcast_in_dim3A_32 : vector<16xf32> to vector<1x16xf32>
      tpu.vector_store %arg9[%swap3A_33, %swap3A_34], %swap3A_37 {strides = array<i32>} : memref<128x128xf32, #tpu.memory_space<vmem>>, vector<1x16xf32>,
      %broadcast_in_dim3A_38 = arith.constant 0.000000e+00 : f32
      %broadcast_in_dim3A_39 = vector.broadcast %broadcast_in_dim3A_38 : f32 to vector<16xf32>
      %swap3A_40 = arith.index_cast %scan3A_25 : i32 to index
      %swap3A_41 = arith.constant 32 : index
      %swap3A_42 = tpu.vector_load %arg9[%swap3A_40, %swap3A_41] {strides = array<i32>} : memref<128x128xf32, #tpu.memory_space<vmem>>, vector<1x16xf32>,
      %swap3A_43 = vector.shape_cast %swap3A_42 : vector<1x16xf32> to vector<16xf32>
      %swap3A_44 = vector.shape_cast %broadcast_in_dim3A_39 : vector<16xf32> to vector<1x16xf32>
      tpu.vector_store %arg9[%swap3A_40, %swap3A_41], %swap3A_44 {strides = array<i32>} : memref<128x128xf32, #tpu.memory_space<vmem>>, vector<1x16xf32>,
      %broadcast_in_dim3A_45 = arith.constant 0.000000e+00 : f32
      %broadcast_in_dim3A_46 = vector.broadcast %broadcast_in_dim3A_45 : f32 to vector<16xf32>
      %swap3A_47 = arith.index_cast %scan3A_25 : i32 to index
      %swap3A_48 = arith.constant 48 : index
      %swap3A_49 = tpu.vector_load %arg9[%swap3A_47, %swap3A_48] {strides = array<i32>} : memref<128x128xf32, #tpu.memory_space<vmem>>, vector<1x16xf32>,
      %swap3A_50 = vector.shape_cast %swap3A_49 : vector<1x16xf32> to vector<16xf32>
      %swap3A_51 = vector.shape_cast %broadcast_in_dim3A_46 : vector<16xf32> to vector<1x16xf32>
      tpu.vector_store %arg9[%swap3A_47, %swap3A_48], %swap3A_51 {strides = array<i32>} : memref<128x128xf32, #tpu.memory_space<vmem>>, vector<1x16xf32>,
      %broadcast_in_dim3A_52 = arith.constant 0.000000e+00 : f32
      %broadcast_in_dim3A_53 = vector.broadcast %broadcast_in_dim3A_52 : f32 to vector<16xf32>
      %swap3A_54 = arith.index_cast %scan3A_25 : i32 to index
      %swap3A_55 = arith.constant 64 : index
      %swap3A_56 = tpu.vector_load %arg9[%swap3A_54, %swap3A_55] {strides = array<i32>} : memref<128x128xf32, #tpu.memory_space<vmem>>, vector<1x16xf32>,
      %swap3A_57 = vector.shape_cast %swap3A_56 : vector<1x16xf32> to vector<16xf32>
      %swap3A_58 = vector.shape_cast %broadcast_in_dim3A_53 : vector<16xf32> to vector<1x16xf32>
      tpu.vector_store %arg9[%swap3A_54, %swap3A_55], %swap3A_58 {strides = array<i32>} : memref<128x128xf32, #tpu.memory_space<vmem>>, vector<1x16xf32>,
      %broadcast_in_dim3A_59 = arith.constant 0.000000e+00 : f32
      %broadcast_in_dim3A_60 = vector.broadcast %broadcast_in_dim3A_59 : f32 to vector<16xf32>
      %swap3A_61 = arith.index_cast %scan3A_25 : i32 to index
      %swap3A_62 = arith.constant 80 : index
      %swap3A_63 = tpu.vector_load %arg9[%swap3A_61, %swap3A_62] {strides = array<i32>} : memref<128x128xf32, #tpu.memory_space<vmem>>, vector<1x16xf32>,
      %swap3A_64 = vector.shape_cast %swap3A_63 : vector<1x16xf32> to vector<16xf32>
      %swap3A_65 = vector.shape_cast %broadcast_in_dim3A_60 : vector<16xf32> to vector<1x16xf32>
      tpu.vector_store %arg9[%swap3A_61, %swap3A_62], %swap3A_65 {strides = array<i32>} : memref<128x128xf32, #tpu.memory_space<vmem>>, vector<1x16xf32>,
      %broadcast_in_dim3A_66 = arith.constant 0.000000e+00 : f32
      %broadcast_in_dim3A_67 = vector.broadcast %broadcast_in_dim3A_66 : f32 to vector<16xf32>
      %swap3A_68 = arith.index_cast %scan3A_25 : i32 to index
      %swap3A_69 = arith.constant 96 : index
      %swap3A_70 = tpu.vector_load %arg9[%swap3A_68, %swap3A_69] {strides = array<i32>} : memref<128x128xf32, #tpu.memory_space<vmem>>, vector<1x16xf32>,
      %swap3A_71 = vector.shape_cast %swap3A_70 : vector<1x16xf32> to vector<16xf32>
      %swap3A_72 = vector.shape_cast %broadcast_in_dim3A_67 : vector<16xf32> to vector<1x16xf32>
      tpu.vector_store %arg9[%swap3A_68, %swap3A_69], %swap3A_72 {strides = array<i32>} : memref<128x128xf32, #tpu.memory_space<vmem>>, vector<1x16xf32>,
      %broadcast_in_dim3A_73 = arith.constant 0.000000e+00 : f32
      %broadcast_in_dim3A_74 = vector.broadcast %broadcast_in_dim3A_73 : f32 to vector<16xf32>
      %swap3A_75 = arith.index_cast %scan3A_25 : i32 to index
      %swap3A_76 = arith.constant 112 : index
      %swap3A_77 = tpu.vector_load %arg9[%swap3A_75, %swap3A_76] {strides = array<i32>} : memref<128x128xf32, #tpu.memory_space<vmem>>, vector<1x16xf32>,
      %swap3A_78 = vector.shape_cast %swap3A_77 : vector<1x16xf32> to vector<16xf32>
      %swap3A_79 = vector.shape_cast %broadcast_in_dim3A_74 : vector<16xf32> to vector<1x16xf32>
      tpu.vector_store %arg9[%swap3A_75, %swap3A_76], %swap3A_79 {strides = array<i32>} : memref<128x128xf32, #tpu.memory_space<vmem>>, vector<1x16xf32>,
    }
    %scan3A_5 = arith.constant 128 : i32
    %scan3A_6 = arith.constant 0 : i32
    %scan3A_7 = arith.constant 0 : i32
    %scan3A_8 = arith.constant 5 : i32
    %scan3A_9 = arith.addi %scan3A_7, %scan3A_8 : i32
    %scan3A_10 = arith.constant 1 : i32
    scf.for %scan3A_25 = %scan3A_7 to %scan3A_9 step %scan3A_10  : i32 {
      %mul3A_26 = arith.constant 640 : i32
      %mul3A_27 = arith.muli %arg1, %mul3A_26 : i32
      %mul3A_28 = arith.constant 128 : i32
      %mul3A_29 = arith.muli %scan3A_25, %mul3A_28 : i32
      %add3A_30 = arith.addi %mul3A_27, %mul3A_29 : i32
      "tpu.region"() ({
        %run_scoped3A = tpu.sem_alloc : memref<!tpu.dma_semaphore, #tpu.memory_space<semaphore_mem>>
        %dma_start3A = arith.constant 0 : i32
        %dma_start3A_31 = tpu.memref_slice %arg11[%add3A_30, %dma_start3A] : memref<10240x128xf32, #tpu.memory_space<vmem_shared>> -> memref<128x128xf32, #tpu.memory_space<vmem_shared>>
        %dma_start3A_32 = arith.constant 0 : i32
        %dma_start3A_33 = tpu.memref_slice %arg11[%add3A_30, %dma_start3A_32] : memref<10240x128xf32, #tpu.memory_space<vmem_shared>> -> memref<128x128xf32, #tpu.memory_space<vmem_shared>>
        tpu.enqueue_dma source(%arg9 : memref<128x128xf32, #tpu.memory_space<vmem>>) target(%dma_start3A_33 : memref<128x128xf32, #tpu.memory_space<vmem_shared>>) target_semaphore(%run_scoped3A : memref<!tpu.dma_semaphore, #tpu.memory_space<semaphore_mem>>)
        %dma_wait3A = arith.constant 0 : i32
        %dma_wait3A_34 = tpu.memref_slice %arg11[%add3A_30, %dma_wait3A] : memref<10240x128xf32, #tpu.memory_space<vmem_shared>> -> memref<128x128xf32, #tpu.memory_space<vmem_shared>>
        %dma_wait3A_35 = arith.constant 0 : i32
        %dma_wait3A_36 = tpu.memref_slice %arg11[%add3A_30, %dma_wait3A_35] : memref<10240x128xf32, #tpu.memory_space<vmem_shared>> -> memref<128x128xf32, #tpu.memory_space<vmem_shared>>
        tpu.wait_dma2 semaphore(%run_scoped3A : memref<!tpu.dma_semaphore, #tpu.memory_space<semaphore_mem>>) src(%arg9 : memref<128x128xf32, #tpu.memory_space<vmem>>) dst(%dma_wait3A_36 : memref<128x128xf32, #tpu.memory_space<vmem_shared>>)
        tpu.yield
      }) : () -> ()
    }
    %scan3A_11 = arith.constant 5 : i32
    %barrier3A = arith.constant 0 : index
    tpu.barrier barrier_id(%barrier3A)
    %scan3A_12 = arith.constant 0 : i32
    %scan3A_13 = arith.constant 0 : i32
    %scan3A_14 = arith.constant 80 : i32
    %scan3A_15 = arith.addi %scan3A_13, %scan3A_14 : i32
    %scan3A_16 = arith.constant 1 : i32
    scf.for %scan3A_25 = %scan3A_13 to %scan3A_15 step %scan3A_16  : i32 {
      %mul3A_26 = arith.constant 80 : i32
      %mul3A_27 = arith.muli %add3A, %mul3A_26 : i32
      %add3A_28 = arith.addi %mul3A_27, %scan3A_25 : i32
      %mul3A_29 = arith.constant 128 : i32
      %mul3A_30 = arith.muli %add3A_28, %mul3A_29 : i32
      "tpu.region"() ({
        %run_scoped3A = tpu.sem_alloc : memref<!tpu.dma_semaphore, #tpu.memory_space<semaphore_mem>>
        %dma_start3A = tpu.memref_slice %arg3[%mul3A_30] : memref<327680xi32, #tpu.memory_space<hbm>> -> memref<128xi32, #tpu.memory_space<hbm>>
        %dma_start3A_37 = tpu.memref_slice %arg3[%mul3A_30] : memref<327680xi32, #tpu.memory_space<hbm>> -> memref<128xi32, #tpu.memory_space<hbm>>
        tpu.enqueue_dma source(%dma_start3A_37 : memref<128xi32, #tpu.memory_space<hbm>>) target(%arg7 : memref<128xi32, #tpu.memory_space<vmem>>) target_semaphore(%run_scoped3A : memref<!tpu.dma_semaphore, #tpu.memory_space<semaphore_mem>>)
        %dma_wait3A = tpu.memref_slice %arg3[%mul3A_30] : memref<327680xi32, #tpu.memory_space<hbm>> -> memref<128xi32, #tpu.memory_space<hbm>>
        %dma_wait3A_38 = tpu.memref_slice %arg3[%mul3A_30] : memref<327680xi32, #tpu.memory_space<hbm>> -> memref<128xi32, #tpu.memory_space<hbm>>
        tpu.wait_dma2 semaphore(%run_scoped3A : memref<!tpu.dma_semaphore, #tpu.memory_space<semaphore_mem>>) src(%dma_wait3A_38 : memref<128xi32, #tpu.memory_space<hbm>>) dst(%arg7 : memref<128xi32, #tpu.memory_space<vmem>>)
        tpu.yield
      }) : () -> ()
      "tpu.region"() ({
        %run_scoped3A = tpu.sem_alloc : memref<!tpu.dma_semaphore, #tpu.memory_space<semaphore_mem>>
        %dma_start3A = tpu.memref_slice %arg4[%mul3A_30] : memref<327680xi32, #tpu.memory_space<hbm>> -> memref<128xi32, #tpu.memory_space<hbm>>
        %dma_start3A_37 = tpu.memref_slice %arg4[%mul3A_30] : memref<327680xi32, #tpu.memory_space<hbm>> -> memref<128xi32, #tpu.memory_space<hbm>>
        tpu.enqueue_dma source(%dma_start3A_37 : memref<128xi32, #tpu.memory_space<hbm>>) target(%arg8 : memref<128xi32, #tpu.memory_space<vmem>>) target_semaphore(%run_scoped3A : memref<!tpu.dma_semaphore, #tpu.memory_space<semaphore_mem>>)
        %dma_wait3A = tpu.memref_slice %arg4[%mul3A_30] : memref<327680xi32, #tpu.memory_space<hbm>> -> memref<128xi32, #tpu.memory_space<hbm>>
        %dma_wait3A_38 = tpu.memref_slice %arg4[%mul3A_30] : memref<327680xi32, #tpu.memory_space<hbm>> -> memref<128xi32, #tpu.memory_space<hbm>>
        tpu.wait_dma2 semaphore(%run_scoped3A : memref<!tpu.dma_semaphore, #tpu.memory_space<semaphore_mem>>) src(%dma_wait3A_38 : memref<128xi32, #tpu.memory_space<hbm>>) dst(%arg8 : memref<128xi32, #tpu.memory_space<vmem>>)
        tpu.yield
      }) : () -> ()
      "tpu.region"() ({
        %run_scoped3A = tpu.sem_alloc : memref<!tpu.dma_semaphore, #tpu.memory_space<semaphore_mem>>
        %dma_start3A = arith.constant 0 : i32
        %dma_start3A_37 = arith.constant 0 : i32
        %dma_start3A_38 = tpu.memref_slice %arg2[%dma_start3A, %dma_start3A_37] : memref<10000x128xf32, #tpu.memory_space<hbm>> -> memref<10000x128xf32, #tpu.memory_space<hbm>>
        tpu.enqueue_indirect_dma source(%dma_start3A_38 : memref<10000x128xf32, #tpu.memory_space<hbm>>) target(%arg9 : memref<128x128xf32, #tpu.memory_space<vmem>>) offsets(%arg7 : memref<128xi32, #tpu.memory_space<vmem>>) semaphore(%run_scoped3A : memref<!tpu.dma_semaphore, #tpu.memory_space<semaphore_mem>>)
        %dma_wait3A = arith.constant 0 : i32
        %dma_wait3A_39 = arith.constant 0 : i32
        %dma_wait3A_40 = tpu.memref_slice %arg2[%dma_wait3A, %dma_wait3A_39] : memref<10000x128xf32, #tpu.memory_space<hbm>> -> memref<10000x128xf32, #tpu.memory_space<hbm>>
        tpu.wait_indirect_dma semaphore(%run_scoped3A : memref<!tpu.dma_semaphore, #tpu.memory_space<semaphore_mem>>) src(%dma_wait3A_40 : memref<10000x128xf32, #tpu.memory_space<hbm>>) dst(%arg9 : memref<128x128xf32, #tpu.memory_space<vmem>>)
        tpu.yield
      }) : () -> ()
      "tpu.region"() ({
        %run_scoped3A = tpu.sem_alloc : memref<!tpu.dma_semaphore, #tpu.memory_space<semaphore_mem>>
        %dma_start3A = arith.constant 0 : i32
        %dma_start3A_37 = tpu.memref_slice %arg5[%mul3A_30, %dma_start3A] : memref<327680x128xf32, #tpu.memory_space<hbm>> -> memref<128x128xf32, #tpu.memory_space<hbm>>
        %dma_start3A_38 = arith.constant 0 : i32
        %dma_start3A_39 = tpu.memref_slice %arg5[%mul3A_30, %dma_start3A_38] : memref<327680x128xf32, #tpu.memory_space<hbm>> -> memref<128x128xf32, #tpu.memory_space<hbm>>
        tpu.enqueue_dma source(%dma_start3A_39 : memref<128x128xf32, #tpu.memory_space<hbm>>) target(%arg10 : memref<128x128xf32, #tpu.memory_space<vmem>>) target_semaphore(%run_scoped3A : memref<!tpu.dma_semaphore, #tpu.memory_space<semaphore_mem>>)
        %dma_wait3A = arith.constant 0 : i32
        %dma_wait3A_40 = tpu.memref_slice %arg5[%mul3A_30, %dma_wait3A] : memref<327680x128xf32, #tpu.memory_space<hbm>> -> memref<128x128xf32, #tpu.memory_space<hbm>>
        %dma_wait3A_41 = arith.constant 0 : i32
        %dma_wait3A_42 = tpu.memref_slice %arg5[%mul3A_30, %dma_wait3A_41] : memref<327680x128xf32, #tpu.memory_space<hbm>> -> memref<128x128xf32, #tpu.memory_space<hbm>>
        tpu.wait_dma2 semaphore(%run_scoped3A : memref<!tpu.dma_semaphore, #tpu.memory_space<semaphore_mem>>) src(%dma_wait3A_42 : memref<128x128xf32, #tpu.memory_space<hbm>>) dst(%arg10 : memref<128x128xf32, #tpu.memory_space<vmem>>)
        tpu.yield
      }) : () -> ()
      %scan3A_31 = arith.constant 0 : i32
      %scan3A_32 = arith.constant 0 : i32
      %scan3A_33 = arith.constant 128 : i32
      %scan3A_34 = arith.addi %scan3A_32, %scan3A_33 : i32
      %scan3A_35 = arith.constant 1 : i32
      scf.for %scan3A_37 = %scan3A_32 to %scan3A_34 step %scan3A_35  : i32 {
        %get3A = arith.index_cast %scan3A_37 : i32 to index
        %get3A_38 = arith.constant 0 : index
        %get3A_39 = tpu.vector_load %arg9[%get3A, %get3A_38] {strides = array<i32>} : memref<128x128xf32, #tpu.memory_space<vmem>>, vector<1x16xf32>,
        %get3A_40 = vector.shape_cast %get3A_39 : vector<1x16xf32> to vector<16xf32>
        %get3A_41 = arith.index_cast %scan3A_37 : i32 to index
        %get3A_42 = arith.constant 0 : index
        %get3A_43 = tpu.vector_load %arg10[%get3A_41, %get3A_42] {strides = array<i32>} : memref<128x128xf32, #tpu.memory_space<vmem>>, vector<1x16xf32>,
        %get3A_44 = vector.shape_cast %get3A_43 : vector<1x16xf32> to vector<16xf32>
        %add3A_45 = arith.addf %get3A_40, %get3A_44 : vector<16xf32>
        %max3A = arith.constant 0.000000e+00 : f32
        %max3A_46 = vector.broadcast %max3A : f32 to vector<16xf32>
        %max3A_47 = arith.maximumf %add3A_45, %max3A_46 : vector<16xf32>
        %swap3A = arith.index_cast %scan3A_37 : i32 to index
        %swap3A_48 = arith.constant 0 : index
        %swap3A_49 = tpu.vector_load %arg9[%swap3A, %swap3A_48] {strides = array<i32>} : memref<128x128xf32, #tpu.memory_space<vmem>>, vector<1x16xf32>,
        %swap3A_50 = vector.shape_cast %swap3A_49 : vector<1x16xf32> to vector<16xf32>
        %swap3A_51 = vector.shape_cast %max3A_47 : vector<16xf32> to vector<1x16xf32>
        tpu.vector_store %arg9[%swap3A, %swap3A_48], %swap3A_51 {strides = array<i32>} : memref<128x128xf32, #tpu.memory_space<vmem>>, vector<1x16xf32>,
        %get3A_52 = arith.index_cast %scan3A_37 : i32 to index
        %get3A_53 = arith.constant 16 : index
        %get3A_54 = tpu.vector_load %arg9[%get3A_52, %get3A_53] {strides = array<i32>} : memref<128x128xf32, #tpu.memory_space<vmem>>, vector<1x16xf32>,
        %get3A_55 = vector.shape_cast %get3A_54 : vector<1x16xf32> to vector<16xf32>
        %get3A_56 = arith.index_cast %scan3A_37 : i32 to index
        %get3A_57 = arith.constant 16 : index
        %get3A_58 = tpu.vector_load %arg10[%get3A_56, %get3A_57] {strides = array<i32>} : memref<128x128xf32, #tpu.memory_space<vmem>>, vector<1x16xf32>,
        %get3A_59 = vector.shape_cast %get3A_58 : vector<1x16xf32> to vector<16xf32>
        %add3A_60 = arith.addf %get3A_55, %get3A_59 : vector<16xf32>
        %max3A_61 = arith.constant 0.000000e+00 : f32
        %max3A_62 = vector.broadcast %max3A_61 : f32 to vector<16xf32>
        %max3A_63 = arith.maximumf %add3A_60, %max3A_62 : vector<16xf32>
        %swap3A_64 = arith.index_cast %scan3A_37 : i32 to index
        %swap3A_65 = arith.constant 16 : index
        %swap3A_66 = tpu.vector_load %arg9[%swap3A_64, %swap3A_65] {strides = array<i32>} : memref<128x128xf32, #tpu.memory_space<vmem>>, vector<1x16xf32>,
        %swap3A_67 = vector.shape_cast %swap3A_66 : vector<1x16xf32> to vector<16xf32>
        %swap3A_68 = vector.shape_cast %max3A_63 : vector<16xf32> to vector<1x16xf32>
        tpu.vector_store %arg9[%swap3A_64, %swap3A_65], %swap3A_68 {strides = array<i32>} : memref<128x128xf32, #tpu.memory_space<vmem>>, vector<1x16xf32>,
        %get3A_69 = arith.index_cast %scan3A_37 : i32 to index
        %get3A_70 = arith.constant 32 : index
        %get3A_71 = tpu.vector_load %arg9[%get3A_69, %get3A_70] {strides = array<i32>} : memref<128x128xf32, #tpu.memory_space<vmem>>, vector<1x16xf32>,
        %get3A_72 = vector.shape_cast %get3A_71 : vector<1x16xf32> to vector<16xf32>
        %get3A_73 = arith.index_cast %scan3A_37 : i32 to index
        %get3A_74 = arith.constant 32 : index
        %get3A_75 = tpu.vector_load %arg10[%get3A_73, %get3A_74] {strides = array<i32>} : memref<128x128xf32, #tpu.memory_space<vmem>>, vector<1x16xf32>,
        %get3A_76 = vector.shape_cast %get3A_75 : vector<1x16xf32> to vector<16xf32>
        %add3A_77 = arith.addf %get3A_72, %get3A_76 : vector<16xf32>
        %max3A_78 = arith.constant 0.000000e+00 : f32
        %max3A_79 = vector.broadcast %max3A_78 : f32 to vector<16xf32>
        %max3A_80 = arith.maximumf %add3A_77, %max3A_79 : vector<16xf32>
        %swap3A_81 = arith.index_cast %scan3A_37 : i32 to index
        %swap3A_82 = arith.constant 32 : index
        %swap3A_83 = tpu.vector_load %arg9[%swap3A_81, %swap3A_82] {strides = array<i32>} : memref<128x128xf32, #tpu.memory_space<vmem>>, vector<1x16xf32>,
        %swap3A_84 = vector.shape_cast %swap3A_83 : vector<1x16xf32> to vector<16xf32>
        %swap3A_85 = vector.shape_cast %max3A_80 : vector<16xf32> to vector<1x16xf32>
        tpu.vector_store %arg9[%swap3A_81, %swap3A_82], %swap3A_85 {strides = array<i32>} : memref<128x128xf32, #tpu.memory_space<vmem>>, vector<1x16xf32>,
        %get3A_86 = arith.index_cast %scan3A_37 : i32 to index
        %get3A_87 = arith.constant 48 : index
        %get3A_88 = tpu.vector_load %arg9[%get3A_86, %get3A_87] {strides = array<i32>} : memref<128x128xf32, #tpu.memory_space<vmem>>, vector<1x16xf32>,
        %get3A_89 = vector.shape_cast %get3A_88 : vector<1x16xf32> to vector<16xf32>
        %get3A_90 = arith.index_cast %scan3A_37 : i32 to index
        %get3A_91 = arith.constant 48 : index
        %get3A_92 = tpu.vector_load %arg10[%get3A_90, %get3A_91] {strides = array<i32>} : memref<128x128xf32, #tpu.memory_space<vmem>>, vector<1x16xf32>,
        %get3A_93 = vector.shape_cast %get3A_92 : vector<1x16xf32> to vector<16xf32>
        %add3A_94 = arith.addf %get3A_89, %get3A_93 : vector<16xf32>
        %max3A_95 = arith.constant 0.000000e+00 : f32
        %max3A_96 = vector.broadcast %max3A_95 : f32 to vector<16xf32>
        %max3A_97 = arith.maximumf %add3A_94, %max3A_96 : vector<16xf32>
        %swap3A_98 = arith.index_cast %scan3A_37 : i32 to index
        %swap3A_99 = arith.constant 48 : index
        %swap3A_100 = tpu.vector_load %arg9[%swap3A_98, %swap3A_99] {strides = array<i32>} : memref<128x128xf32, #tpu.memory_space<vmem>>, vector<1x16xf32>,
        %swap3A_101 = vector.shape_cast %swap3A_100 : vector<1x16xf32> to vector<16xf32>
        %swap3A_102 = vector.shape_cast %max3A_97 : vector<16xf32> to vector<1x16xf32>
        tpu.vector_store %arg9[%swap3A_98, %swap3A_99], %swap3A_102 {strides = array<i32>} : memref<128x128xf32, #tpu.memory_space<vmem>>, vector<1x16xf32>,
        %get3A_103 = arith.index_cast %scan3A_37 : i32 to index
        %get3A_104 = arith.constant 64 : index
        %get3A_105 = tpu.vector_load %arg9[%get3A_103, %get3A_104] {strides = array<i32>} : memref<128x128xf32, #tpu.memory_space<vmem>>, vector<1x16xf32>,
        %get3A_106 = vector.shape_cast %get3A_105 : vector<1x16xf32> to vector<16xf32>
        %get3A_107 = arith.index_cast %scan3A_37 : i32 to index
        %get3A_108 = arith.constant 64 : index
        %get3A_109 = tpu.vector_load %arg10[%get3A_107, %get3A_108] {strides = array<i32>} : memref<128x128xf32, #tpu.memory_space<vmem>>, vector<1x16xf32>,
        %get3A_110 = vector.shape_cast %get3A_109 : vector<1x16xf32> to vector<16xf32>
        %add3A_111 = arith.addf %get3A_106, %get3A_110 : vector<16xf32>
        %max3A_112 = arith.constant 0.000000e+00 : f32
        %max3A_113 = vector.broadcast %max3A_112 : f32 to vector<16xf32>
        %max3A_114 = arith.maximumf %add3A_111, %max3A_113 : vector<16xf32>
        %swap3A_115 = arith.index_cast %scan3A_37 : i32 to index
        %swap3A_116 = arith.constant 64 : index
        %swap3A_117 = tpu.vector_load %arg9[%swap3A_115, %swap3A_116] {strides = array<i32>} : memref<128x128xf32, #tpu.memory_space<vmem>>, vector<1x16xf32>,
        %swap3A_118 = vector.shape_cast %swap3A_117 : vector<1x16xf32> to vector<16xf32>
        %swap3A_119 = vector.shape_cast %max3A_114 : vector<16xf32> to vector<1x16xf32>
        tpu.vector_store %arg9[%swap3A_115, %swap3A_116], %swap3A_119 {strides = array<i32>} : memref<128x128xf32, #tpu.memory_space<vmem>>, vector<1x16xf32>,
        %get3A_120 = arith.index_cast %scan3A_37 : i32 to index
        %get3A_121 = arith.constant 80 : index
        %get3A_122 = tpu.vector_load %arg9[%get3A_120, %get3A_121] {strides = array<i32>} : memref<128x128xf32, #tpu.memory_space<vmem>>, vector<1x16xf32>,
        %get3A_123 = vector.shape_cast %get3A_122 : vector<1x16xf32> to vector<16xf32>
        %get3A_124 = arith.index_cast %scan3A_37 : i32 to index
        %get3A_125 = arith.constant 80 : index
        %get3A_126 = tpu.vector_load %arg10[%get3A_124, %get3A_125] {strides = array<i32>} : memref<128x128xf32, #tpu.memory_space<vmem>>, vector<1x16xf32>,
        %get3A_127 = vector.shape_cast %get3A_126 : vector<1x16xf32> to vector<16xf32>
        %add3A_128 = arith.addf %get3A_123, %get3A_127 : vector<16xf32>
        %max3A_129 = arith.constant 0.000000e+00 : f32
        %max3A_130 = vector.broadcast %max3A_129 : f32 to vector<16xf32>
        %max3A_131 = arith.maximumf %add3A_128, %max3A_130 : vector<16xf32>
        %swap3A_132 = arith.index_cast %scan3A_37 : i32 to index
        %swap3A_133 = arith.constant 80 : index
        %swap3A_134 = tpu.vector_load %arg9[%swap3A_132, %swap3A_133] {strides = array<i32>} : memref<128x128xf32, #tpu.memory_space<vmem>>, vector<1x16xf32>,
        %swap3A_135 = vector.shape_cast %swap3A_134 : vector<1x16xf32> to vector<16xf32>
        %swap3A_136 = vector.shape_cast %max3A_131 : vector<16xf32> to vector<1x16xf32>
        tpu.vector_store %arg9[%swap3A_132, %swap3A_133], %swap3A_136 {strides = array<i32>} : memref<128x128xf32, #tpu.memory_space<vmem>>, vector<1x16xf32>,
        %get3A_137 = arith.index_cast %scan3A_37 : i32 to index
        %get3A_138 = arith.constant 96 : index
        %get3A_139 = tpu.vector_load %arg9[%get3A_137, %get3A_138] {strides = array<i32>} : memref<128x128xf32, #tpu.memory_space<vmem>>, vector<1x16xf32>,
        %get3A_140 = vector.shape_cast %get3A_139 : vector<1x16xf32> to vector<16xf32>
        %get3A_141 = arith.index_cast %scan3A_37 : i32 to index
        %get3A_142 = arith.constant 96 : index
        %get3A_143 = tpu.vector_load %arg10[%get3A_141, %get3A_142] {strides = array<i32>} : memref<128x128xf32, #tpu.memory_space<vmem>>, vector<1x16xf32>,
        %get3A_144 = vector.shape_cast %get3A_143 : vector<1x16xf32> to vector<16xf32>
        %add3A_145 = arith.addf %get3A_140, %get3A_144 : vector<16xf32>
        %max3A_146 = arith.constant 0.000000e+00 : f32
        %max3A_147 = vector.broadcast %max3A_146 : f32 to vector<16xf32>
        %max3A_148 = arith.maximumf %add3A_145, %max3A_147 : vector<16xf32>
        %swap3A_149 = arith.index_cast %scan3A_37 : i32 to index
        %swap3A_150 = arith.constant 96 : index
        %swap3A_151 = tpu.vector_load %arg9[%swap3A_149, %swap3A_150] {strides = array<i32>} : memref<128x128xf32, #tpu.memory_space<vmem>>, vector<1x16xf32>,
        %swap3A_152 = vector.shape_cast %swap3A_151 : vector<1x16xf32> to vector<16xf32>
        %swap3A_153 = vector.shape_cast %max3A_148 : vector<16xf32> to vector<1x16xf32>
        tpu.vector_store %arg9[%swap3A_149, %swap3A_150], %swap3A_153 {strides = array<i32>} : memref<128x128xf32, #tpu.memory_space<vmem>>, vector<1x16xf32>,
        %get3A_154 = arith.index_cast %scan3A_37 : i32 to index
        %get3A_155 = arith.constant 112 : index
        %get3A_156 = tpu.vector_load %arg9[%get3A_154, %get3A_155] {strides = array<i32>} : memref<128x128xf32, #tpu.memory_space<vmem>>, vector<1x16xf32>,
        %get3A_157 = vector.shape_cast %get3A_156 : vector<1x16xf32> to vector<16xf32>
        %get3A_158 = arith.index_cast %scan3A_37 : i32 to index
        %get3A_159 = arith.constant 112 : index
        %get3A_160 = tpu.vector_load %arg10[%get3A_158, %get3A_159] {strides = array<i32>} : memref<128x128xf32, #tpu.memory_space<vmem>>, vector<1x16xf32>,
        %get3A_161 = vector.shape_cast %get3A_160 : vector<1x16xf32> to vector<16xf32>
        %add3A_162 = arith.addf %get3A_157, %get3A_161 : vector<16xf32>
        %max3A_163 = arith.constant 0.000000e+00 : f32
        %max3A_164 = vector.broadcast %max3A_163 : f32 to vector<16xf32>
        %max3A_165 = arith.maximumf %add3A_162, %max3A_164 : vector<16xf32>
        %swap3A_166 = arith.index_cast %scan3A_37 : i32 to index
        %swap3A_167 = arith.constant 112 : index
        %swap3A_168 = tpu.vector_load %arg9[%swap3A_166, %swap3A_167] {strides = array<i32>} : memref<128x128xf32, #tpu.memory_space<vmem>>, vector<1x16xf32>,
        %swap3A_169 = vector.shape_cast %swap3A_168 : vector<1x16xf32> to vector<16xf32>
        %swap3A_170 = vector.shape_cast %max3A_165 : vector<16xf32> to vector<1x16xf32>
        tpu.vector_store %arg9[%swap3A_166, %swap3A_167], %swap3A_170 {strides = array<i32>} : memref<128x128xf32, #tpu.memory_space<vmem>>, vector<1x16xf32>,
      }
      %scan3A_36 = arith.constant 128 : i32
      "tpu.region"() ({
        %run_scoped3A = tpu.sem_alloc : memref<!tpu.dma_semaphore, #tpu.memory_space<semaphore_mem>>
        %dma_start3A = arith.constant 0 : i32
        %dma_start3A_37 = arith.constant 0 : i32
        %dma_start3A_38 = tpu.memref_slice %arg11[%dma_start3A, %dma_start3A_37] : memref<10240x128xf32, #tpu.memory_space<vmem_shared>> -> memref<10240x128xf32, #tpu.memory_space<vmem_shared>>
        tpu.enqueue_indirect_dma source(%arg9 : memref<128x128xf32, #tpu.memory_space<vmem>>) target(%dma_start3A_38 : memref<10240x128xf32, #tpu.memory_space<vmem_shared>>) offsets(%arg8 : memref<128xi32, #tpu.memory_space<vmem>>) semaphore(%run_scoped3A : memref<!tpu.dma_semaphore, #tpu.memory_space<semaphore_mem>>) {add = true}
        %dma_wait3A = arith.constant 0 : i32
        %dma_wait3A_39 = arith.constant 0 : i32
        %dma_wait3A_40 = tpu.memref_slice %arg11[%dma_wait3A, %dma_wait3A_39] : memref<10240x128xf32, #tpu.memory_space<vmem_shared>> -> memref<10240x128xf32, #tpu.memory_space<vmem_shared>>
        tpu.wait_indirect_dma semaphore(%run_scoped3A : memref<!tpu.dma_semaphore, #tpu.memory_space<semaphore_mem>>) src(%arg9 : memref<128x128xf32, #tpu.memory_space<vmem>>) dst(%dma_wait3A_40 : memref<10240x128xf32, #tpu.memory_space<vmem_shared>>)
        tpu.yield
      }) : () -> ()
    }
    %scan3A_17 = arith.constant 80 : i32
    %barrier3A_18 = arith.constant 0 : index
    tpu.barrier barrier_id(%barrier3A_18)
    %scan3A_19 = arith.constant 0 : i32
    %scan3A_20 = arith.constant 0 : i32
    %scan3A_21 = arith.constant 5 : i32
    %scan3A_22 = arith.addi %scan3A_20, %scan3A_21 : i32
    %scan3A_23 = arith.constant 1 : i32
    scf.for %scan3A_25 = %scan3A_20 to %scan3A_22 step %scan3A_23  : i32 {
      %mul3A_26 = arith.constant 640 : i32
      %mul3A_27 = arith.muli %arg1, %mul3A_26 : i32
      %mul3A_28 = arith.constant 128 : i32
      %mul3A_29 = arith.muli %scan3A_25, %mul3A_28 : i32
      %add3A_30 = arith.addi %mul3A_27, %mul3A_29 : i32
      "tpu.region"() ({
        %run_scoped3A = tpu.sem_alloc : memref<!tpu.dma_semaphore, #tpu.memory_space<semaphore_mem>>
        %dma_start3A = arith.constant 0 : i32
        %dma_start3A_31 = tpu.memref_slice %arg11[%add3A_30, %dma_start3A] : memref<10240x128xf32, #tpu.memory_space<vmem_shared>> -> memref<128x128xf32, #tpu.memory_space<vmem_shared>>
        %dma_start3A_32 = arith.constant 0 : i32
        %dma_start3A_33 = tpu.memref_slice %arg11[%add3A_30, %dma_start3A_32] : memref<10240x128xf32, #tpu.memory_space<vmem_shared>> -> memref<128x128xf32, #tpu.memory_space<vmem_shared>>
        tpu.enqueue_dma source(%dma_start3A_33 : memref<128x128xf32, #tpu.memory_space<vmem_shared>>) target(%arg9 : memref<128x128xf32, #tpu.memory_space<vmem>>) target_semaphore(%run_scoped3A : memref<!tpu.dma_semaphore, #tpu.memory_space<semaphore_mem>>)
        %dma_wait3A = arith.constant 0 : i32
        %dma_wait3A_34 = tpu.memref_slice %arg11[%add3A_30, %dma_wait3A] : memref<10240x128xf32, #tpu.memory_space<vmem_shared>> -> memref<128x128xf32, #tpu.memory_space<vmem_shared>>
        %dma_wait3A_35 = arith.constant 0 : i32
        %dma_wait3A_36 = tpu.memref_slice %arg11[%add3A_30, %dma_wait3A_35] : memref<10240x128xf32, #tpu.memory_space<vmem_shared>> -> memref<128x128xf32, #tpu.memory_space<vmem_shared>>
        tpu.wait_dma2 semaphore(%run_scoped3A : memref<!tpu.dma_semaphore, #tpu.memory_space<semaphore_mem>>) src(%dma_wait3A_36 : memref<128x128xf32, #tpu.memory_space<vmem_shared>>) dst(%arg9 : memref<128x128xf32, #tpu.memory_space<vmem>>)
        tpu.yield
      }) : () -> ()
      "tpu.region"() ({
        %run_scoped3A = tpu.sem_alloc : memref<!tpu.dma_semaphore, #tpu.memory_space<semaphore_mem>>
        %dma_start3A = arith.constant 0 : i32
        %dma_start3A_31 = tpu.memref_slice %arg6[%arg0, %add3A_30, %dma_start3A] : memref<2x10240x128xf32, #tpu.memory_space<hbm>> -> memref<1x128x128xf32, #tpu.memory_space<hbm>>
        %dma_start3A_32 = tpu.memref_squeeze %dma_start3A_31 : memref<1x128x128xf32, #tpu.memory_space<hbm>> -> memref<128x128xf32, #tpu.memory_space<hbm>>
        %dma_start3A_33 = arith.constant 0 : i32
        %dma_start3A_34 = tpu.memref_slice %arg6[%arg0, %add3A_30, %dma_start3A_33] : memref<2x10240x128xf32, #tpu.memory_space<hbm>> -> memref<1x128x128xf32, #tpu.memory_space<hbm>>
        %dma_start3A_35 = tpu.memref_squeeze %dma_start3A_34 : memref<1x128x128xf32, #tpu.memory_space<hbm>> -> memref<128x128xf32, #tpu.memory_space<hbm>>
        tpu.enqueue_dma source(%arg9 : memref<128x128xf32, #tpu.memory_space<vmem>>) target(%dma_start3A_35 : memref<128x128xf32, #tpu.memory_space<hbm>>) target_semaphore(%run_scoped3A : memref<!tpu.dma_semaphore, #tpu.memory_space<semaphore_mem>>)
        %dma_wait3A = arith.constant 0 : i32
        %dma_wait3A_36 = tpu.memref_slice %arg6[%arg0, %add3A_30, %dma_wait3A] : memref<2x10240x128xf32, #tpu.memory_space<hbm>> -> memref<1x128x128xf32, #tpu.memory_space<hbm>>
        %dma_wait3A_37 = tpu.memref_squeeze %dma_wait3A_36 : memref<1x128x128xf32, #tpu.memory_space<hbm>> -> memref<128x128xf32, #tpu.memory_space<hbm>>
        %dma_wait3A_38 = arith.constant 0 : i32
        %dma_wait3A_39 = tpu.memref_slice %arg6[%arg0, %add3A_30, %dma_wait3A_38] : memref<2x10240x128xf32, #tpu.memory_space<hbm>> -> memref<1x128x128xf32, #tpu.memory_space<hbm>>
        %dma_wait3A_40 = tpu.memref_squeeze %dma_wait3A_39 : memref<1x128x128xf32, #tpu.memory_space<hbm>> -> memref<128x128xf32, #tpu.memory_space<hbm>>
        tpu.wait_dma2 semaphore(%run_scoped3A : memref<!tpu.dma_semaphore, #tpu.memory_space<semaphore_mem>>) src(%arg9 : memref<128x128xf32, #tpu.memory_space<vmem>>) dst(%dma_wait3A_40 : memref<128x128xf32, #tpu.memory_space<hbm>>)
        tpu.yield
      }) : () -> ()
    }
    %scan3A_24 = arith.constant 5 : i32
    return
  }
}

module attributes {stable_mosaic.version = 14 : i64} {
  func.func @_eproj_body(%arg0: i32, %arg1: memref<2048x16xf32, #tpu.memory_space<vmem>>, %arg2: memref<48x128xf32, #tpu.memory_space<vmem>>, %arg3: memref<8x128xf32, #tpu.memory_space<vmem>>, %arg4: memref<2048x128xf32, #tpu.memory_space<vmem>>, %arg5: memref<2048x128xf32, #tpu.memory_space<vmem>>, %arg6: memref<2048x128xf32, #tpu.memory_space<vmem>>) attributes {dimension_semantics = [#tpu.dimension_semantics<arbitrary>], iteration_bounds = array<i64: 160>, scalar_prefetch = 0 : i64, scratch_operands = 0 : i64, tpu.core_type = #tpu.core_type<tc>, window_params = [{transform_indices = @transform_0, window_bounds = array<i64: 2048, 16>}, {pipeline_mode = #tpu.pipeline_mode<synchronous>, transform_indices = @transform_1, window_bounds = array<i64: 48, 128>}, {pipeline_mode = #tpu.pipeline_mode<synchronous>, transform_indices = @transform_2, window_bounds = array<i64: 8, 128>}, {transform_indices = @transform_3, window_bounds = array<i64: 2048, 128>}, {transform_indices = @transform_4, window_bounds = array<i64: 2048, 128>}, {transform_indices = @transform_5, window_bounds = array<i64: 2048, 128>}]} {
    %get3A = arith.constant 0 : index
    %get3A_0 = arith.constant 0 : index
    %get3A_1 = vector.load %arg1[%get3A, %get3A_0] : memref<2048x16xf32, #tpu.memory_space<vmem>>, vector<2048x16xf32>
    %get3A_2 = arith.constant 0 : index
    %get3A_3 = arith.constant 0 : index
    %get3A_4 = vector.load %arg2[%get3A_2, %get3A_3] : memref<48x128xf32, #tpu.memory_space<vmem>>, vector<16x128xf32>
    %dot_general3A = arith.constant dense<0.000000e+00> : vector<2048x128xf32>
    %dot_general3A_5 = tpu.matmul %get3A_1, %get3A_4, %dot_general3A {dimension_numbers = #tpu.dot_dimension_numbers<[1], [0], [0], [1], [0, 0, 1, 1], [], []>, transpose_lhs_hint = false} : vector<2048x16xf32>, vector<16x128xf32>, vector<2048x128xf32> -> vector<2048x128xf32>
    %get3A_6 = arith.constant 0 : index
    %get3A_7 = arith.constant 0 : index
    %get3A_8 = vector.load %arg3[%get3A_6, %get3A_7] : memref<8x128xf32, #tpu.memory_space<vmem>>, vector<1x128xf32>
    %add3A = vector.broadcast %get3A_8 : vector<1x128xf32> to vector<2048x128xf32>
    %add3A_9 = arith.addf %dot_general3A_5, %add3A : vector<2048x128xf32>
    %swap3A = arith.constant 0 : index
    %swap3A_10 = arith.constant 0 : index
    %swap3A_11 = vector.load %arg4[%swap3A, %swap3A_10] : memref<2048x128xf32, #tpu.memory_space<vmem>>, vector<2048x128xf32>
    tpu.vector_store %arg4[%swap3A, %swap3A_10], %add3A_9 {strides = array<i32>} : memref<2048x128xf32, #tpu.memory_space<vmem>>, vector<2048x128xf32>,
    %get3A_12 = arith.constant 16 : index
    %get3A_13 = arith.constant 0 : index
    %get3A_14 = vector.load %arg2[%get3A_12, %get3A_13] : memref<48x128xf32, #tpu.memory_space<vmem>>, vector<16x128xf32>
    %dot_general3A_15 = arith.constant dense<0.000000e+00> : vector<2048x128xf32>
    %dot_general3A_16 = tpu.matmul %get3A_1, %get3A_14, %dot_general3A_15 {dimension_numbers = #tpu.dot_dimension_numbers<[1], [0], [0], [1], [0, 0, 1, 1], [], []>, transpose_lhs_hint = false} : vector<2048x16xf32>, vector<16x128xf32>, vector<2048x128xf32> -> vector<2048x128xf32>
    %get3A_17 = arith.constant 1 : index
    %get3A_18 = arith.constant 0 : index
    %get3A_19 = vector.load %arg3[%get3A_17, %get3A_18] : memref<8x128xf32, #tpu.memory_space<vmem>>, vector<1x128xf32>
    %add3A_20 = vector.broadcast %get3A_19 : vector<1x128xf32> to vector<2048x128xf32>
    %add3A_21 = arith.addf %dot_general3A_16, %add3A_20 : vector<2048x128xf32>
    %swap3A_22 = arith.constant 0 : index
    %swap3A_23 = arith.constant 0 : index
    %swap3A_24 = vector.load %arg5[%swap3A_22, %swap3A_23] : memref<2048x128xf32, #tpu.memory_space<vmem>>, vector<2048x128xf32>
    tpu.vector_store %arg5[%swap3A_22, %swap3A_23], %add3A_21 {strides = array<i32>} : memref<2048x128xf32, #tpu.memory_space<vmem>>, vector<2048x128xf32>,
    %get3A_25 = arith.constant 32 : index
    %get3A_26 = arith.constant 0 : index
    %get3A_27 = vector.load %arg2[%get3A_25, %get3A_26] : memref<48x128xf32, #tpu.memory_space<vmem>>, vector<16x128xf32>
    %dot_general3A_28 = arith.constant dense<0.000000e+00> : vector<2048x128xf32>
    %dot_general3A_29 = tpu.matmul %get3A_1, %get3A_27, %dot_general3A_28 {dimension_numbers = #tpu.dot_dimension_numbers<[1], [0], [0], [1], [0, 0, 1, 1], [], []>, transpose_lhs_hint = false} : vector<2048x16xf32>, vector<16x128xf32>, vector<2048x128xf32> -> vector<2048x128xf32>
    %get3A_30 = arith.constant 2 : index
    %get3A_31 = arith.constant 0 : index
    %get3A_32 = vector.load %arg3[%get3A_30, %get3A_31] : memref<8x128xf32, #tpu.memory_space<vmem>>, vector<1x128xf32>
    %add3A_33 = vector.broadcast %get3A_32 : vector<1x128xf32> to vector<2048x128xf32>
    %add3A_34 = arith.addf %dot_general3A_29, %add3A_33 : vector<2048x128xf32>
    %swap3A_35 = arith.constant 0 : index
    %swap3A_36 = arith.constant 0 : index
    %swap3A_37 = vector.load %arg6[%swap3A_35, %swap3A_36] : memref<2048x128xf32, #tpu.memory_space<vmem>>, vector<2048x128xf32>
    tpu.vector_store %arg6[%swap3A_35, %swap3A_36], %add3A_34 {strides = array<i32>} : memref<2048x128xf32, #tpu.memory_space<vmem>>, vector<2048x128xf32>,
    return
  }
  func.func @transform_0(%arg0: i32) -> (i32, i32) {
    %c0_i32 = arith.constant 0 : i32
    %c0_i32_0 = arith.constant 0 : i32
    return %arg0, %c0_i32 : i32, i32
  }
  func.func @transform_1(%arg0: i32) -> (i32, i32) {
    %c0_i32 = arith.constant 0 : i32
    %c0_i32_0 = arith.constant 0 : i32
    %c0_i32_1 = arith.constant 0 : i32
    return %c0_i32, %c0_i32_0 : i32, i32
  }
  func.func @transform_2(%arg0: i32) -> (i32, i32) {
    %c0_i32 = arith.constant 0 : i32
    %c0_i32_0 = arith.constant 0 : i32
    %c0_i32_1 = arith.constant 0 : i32
    return %c0_i32, %c0_i32_0 : i32, i32
  }
  func.func @transform_3(%arg0: i32) -> (i32, i32) {
    %c0_i32 = arith.constant 0 : i32
    %c0_i32_0 = arith.constant 0 : i32
    return %arg0, %c0_i32 : i32, i32
  }
  func.func @transform_4(%arg0: i32) -> (i32, i32) {
    %c0_i32 = arith.constant 0 : i32
    %c0_i32_0 = arith.constant 0 : i32
    return %arg0, %c0_i32 : i32, i32
  }
  func.func @transform_5(%arg0: i32) -> (i32, i32) {
    %c0_i32 = arith.constant 0 : i32
    %c0_i32_0 = arith.constant 0 : i32
    return %arg0, %c0_i32 : i32, i32
  }
}

module attributes {stable_mosaic.version = 14 : i64} {
  func.func @_node_body(%arg0: i32, %arg1: memref<2000x128xf32, #tpu.memory_space<vmem>>, %arg2: memref<1x2000x128xf32, #tpu.memory_space<vmem>>, %arg3: memref<1x2000x128xf32, #tpu.memory_space<vmem>>, %arg4: memref<128x128xf32, #tpu.memory_space<vmem>>, %arg5: memref<128x128xf32, #tpu.memory_space<vmem>>, %arg6: memref<8x128xf32, #tpu.memory_space<vmem>>, %arg7: memref<2000x128xf32, #tpu.memory_space<vmem>>) attributes {dimension_semantics = [#tpu.dimension_semantics<arbitrary>], iteration_bounds = array<i64: 5>, scalar_prefetch = 0 : i64, scratch_operands = 0 : i64, tpu.core_type = #tpu.core_type<tc>, window_params = [{transform_indices = @transform_0, window_bounds = array<i64: 2000, 128>}, {transform_indices = @transform_1, window_bounds = array<i64: 1, 2000, 128>}, {transform_indices = @transform_2, window_bounds = array<i64: 1, 2000, 128>}, {pipeline_mode = #tpu.pipeline_mode<synchronous>, transform_indices = @transform_3, window_bounds = array<i64: 128, 128>}, {pipeline_mode = #tpu.pipeline_mode<synchronous>, transform_indices = @transform_4, window_bounds = array<i64: 128, 128>}, {pipeline_mode = #tpu.pipeline_mode<synchronous>, transform_indices = @transform_5, window_bounds = array<i64: 8, 128>}, {transform_indices = @transform_6, window_bounds = array<i64: 2000, 128>}]} {
    %get3A = arith.constant 0 : index
    %get3A_0 = arith.constant 0 : index
    %get3A_1 = vector.load %arg1[%get3A, %get3A_0] : memref<2000x128xf32, #tpu.memory_space<vmem>>, vector<2000x128xf32>
    %get3A_2 = arith.constant 0 : index
    %get3A_3 = arith.constant 0 : index
    %get3A_4 = arith.constant 0 : index
    %get3A_5 = vector.load %arg2[%get3A_2, %get3A_3, %get3A_4] : memref<1x2000x128xf32, #tpu.memory_space<vmem>>, vector<1x2000x128xf32>
    %get3A_6 = vector.shape_cast %get3A_5 : vector<1x2000x128xf32> to vector<2000x128xf32>
    %add3A = arith.addf %get3A_1, %get3A_6 : vector<2000x128xf32>
    %get3A_7 = arith.constant 0 : index
    %get3A_8 = arith.constant 0 : index
    %get3A_9 = arith.constant 0 : index
    %get3A_10 = vector.load %arg3[%get3A_7, %get3A_8, %get3A_9] : memref<1x2000x128xf32, #tpu.memory_space<vmem>>, vector<1x2000x128xf32>
    %get3A_11 = vector.shape_cast %get3A_10 : vector<1x2000x128xf32> to vector<2000x128xf32>
    %add3A_12 = arith.addf %add3A, %get3A_11 : vector<2000x128xf32>
    %get3A_13 = arith.constant 0 : index
    %get3A_14 = arith.constant 0 : index
    %get3A_15 = vector.load %arg4[%get3A_13, %get3A_14] : memref<128x128xf32, #tpu.memory_space<vmem>>, vector<128x128xf32>
    %dot_general3A = arith.constant dense<0.000000e+00> : vector<2000x128xf32>
    %dot_general3A_16 = tpu.matmul %add3A_12, %get3A_15, %dot_general3A {dimension_numbers = #tpu.dot_dimension_numbers<[1], [0], [0], [1], [0, 0, 1, 1], [], []>, transpose_lhs_hint = false} : vector<2000x128xf32>, vector<128x128xf32>, vector<2000x128xf32> -> vector<2000x128xf32>
    %get3A_17 = arith.constant 0 : index
    %get3A_18 = arith.constant 0 : index
    %get3A_19 = vector.load %arg6[%get3A_17, %get3A_18] : memref<8x128xf32, #tpu.memory_space<vmem>>, vector<1x128xf32>
    %add3A_20 = vector.broadcast %get3A_19 : vector<1x128xf32> to vector<2000x128xf32>
    %add3A_21 = arith.addf %dot_general3A_16, %add3A_20 : vector<2000x128xf32>
    %max3A = arith.constant 0.000000e+00 : f32
    %max3A_22 = vector.broadcast %max3A : f32 to vector<2000x128xf32>
    %max3A_23 = arith.maximumf %add3A_21, %max3A_22 : vector<2000x128xf32>
    %get3A_24 = arith.constant 0 : index
    %get3A_25 = arith.constant 0 : index
    %get3A_26 = vector.load %arg5[%get3A_24, %get3A_25] : memref<128x128xf32, #tpu.memory_space<vmem>>, vector<128x128xf32>
    %dot_general3A_27 = arith.constant dense<0.000000e+00> : vector<2000x128xf32>
    %dot_general3A_28 = tpu.matmul %max3A_23, %get3A_26, %dot_general3A_27 {dimension_numbers = #tpu.dot_dimension_numbers<[1], [0], [0], [1], [0, 0, 1, 1], [], []>, transpose_lhs_hint = false} : vector<2000x128xf32>, vector<128x128xf32>, vector<2000x128xf32> -> vector<2000x128xf32>
    %get3A_29 = arith.constant 1 : index
    %get3A_30 = arith.constant 0 : index
    %get3A_31 = vector.load %arg6[%get3A_29, %get3A_30] : memref<8x128xf32, #tpu.memory_space<vmem>>, vector<1x128xf32>
    %add3A_32 = vector.broadcast %get3A_31 : vector<1x128xf32> to vector<2000x128xf32>
    %add3A_33 = arith.addf %dot_general3A_28, %add3A_32 : vector<2000x128xf32>
    %max3A_34 = arith.constant 0.000000e+00 : f32
    %max3A_35 = vector.broadcast %max3A_34 : f32 to vector<2000x128xf32>
    %max3A_36 = arith.maximumf %add3A_33, %max3A_35 : vector<2000x128xf32>
    %add3A_37 = arith.addf %max3A_36, %get3A_1 : vector<2000x128xf32>
    %reduce_sum3A = arith.constant dense<0.000000e+00> : vector<2000xf32>
    %reduce_sum3A_38 = vector.multi_reduction <add>, %add3A_37, %reduce_sum3A [1] : vector<2000x128xf32> to vector<2000xf32>
    %broadcast_in_dim3A = vector.shape_cast %reduce_sum3A_38 : vector<2000xf32> to vector<2000x1xf32>
    %div3A = arith.constant 1.280000e+02 : f32
    %div3A_39 = vector.broadcast %div3A : f32 to vector<2000x1xf32>
    %div3A_40 = arith.divf %broadcast_in_dim3A, %div3A_39 : vector<2000x1xf32>
    %sub3A = vector.broadcast %div3A_40 : vector<2000x1xf32> to vector<2000x128xf32>
    %sub3A_41 = arith.subf %add3A_37, %sub3A : vector<2000x128xf32>
    %mul3A = arith.mulf %sub3A_41, %sub3A_41 : vector<2000x128xf32>
    %reduce_sum3A_42 = arith.constant dense<0.000000e+00> : vector<2000xf32>
    %reduce_sum3A_43 = vector.multi_reduction <add>, %mul3A, %reduce_sum3A_42 [1] : vector<2000x128xf32> to vector<2000xf32>
    %broadcast_in_dim3A_44 = vector.shape_cast %reduce_sum3A_43 : vector<2000xf32> to vector<2000x1xf32>
    %div3A_45 = arith.constant 1.280000e+02 : f32
    %div3A_46 = vector.broadcast %div3A_45 : f32 to vector<2000x1xf32>
    %div3A_47 = arith.divf %broadcast_in_dim3A_44, %div3A_46 : vector<2000x1xf32>
    %add3A_48 = arith.constant 9.99999974E-6 : f32
    %add3A_49 = vector.broadcast %add3A_48 : f32 to vector<2000x1xf32>
    %add3A_50 = arith.addf %div3A_47, %add3A_49 : vector<2000x1xf32>
    %rsqrt3A = math.rsqrt %add3A_50 : vector<2000x1xf32>
    %mul3A_51 = vector.broadcast %rsqrt3A : vector<2000x1xf32> to vector<2000x128xf32>
    %mul3A_52 = arith.mulf %sub3A_41, %mul3A_51 : vector<2000x128xf32>
    %get3A_53 = arith.constant 2 : index
    %get3A_54 = arith.constant 0 : index
    %get3A_55 = vector.load %arg6[%get3A_53, %get3A_54] : memref<8x128xf32, #tpu.memory_space<vmem>>, vector<1x128xf32>
    %mul3A_56 = vector.broadcast %get3A_55 : vector<1x128xf32> to vector<2000x128xf32>
    %mul3A_57 = arith.mulf %mul3A_52, %mul3A_56 : vector<2000x128xf32>
    %get3A_58 = arith.constant 3 : index
    %get3A_59 = arith.constant 0 : index
    %get3A_60 = vector.load %arg6[%get3A_58, %get3A_59] : memref<8x128xf32, #tpu.memory_space<vmem>>, vector<1x128xf32>
    %add3A_61 = vector.broadcast %get3A_60 : vector<1x128xf32> to vector<2000x128xf32>
    %add3A_62 = arith.addf %mul3A_57, %add3A_61 : vector<2000x128xf32>
    %swap3A = arith.constant 0 : index
    %swap3A_63 = arith.constant 0 : index
    %swap3A_64 = vector.load %arg7[%swap3A, %swap3A_63] : memref<2000x128xf32, #tpu.memory_space<vmem>>, vector<2000x128xf32>
    tpu.vector_store %arg7[%swap3A, %swap3A_63], %add3A_62 {strides = array<i32>} : memref<2000x128xf32, #tpu.memory_space<vmem>>, vector<2000x128xf32>,
    return
  }
  func.func @transform_0(%arg0: i32) -> (i32, i32) {
    %c0_i32 = arith.constant 0 : i32
    %c0_i32_0 = arith.constant 0 : i32
    return %arg0, %c0_i32 : i32, i32
  }
  func.func @transform_1(%arg0: i32) -> (i32, i32, i32) {
    %c0_i32 = arith.constant 0 : i32
    %c0_i32_0 = arith.constant 0 : i32
    %c0_i32_1 = arith.constant 0 : i32
    return %c0_i32, %arg0, %c0_i32_0 : i32, i32, i32
  }
  func.func @transform_2(%arg0: i32) -> (i32, i32, i32) {
    %c1_i32 = arith.constant 1 : i32
    %c0_i32 = arith.constant 0 : i32
    %c0_i32_0 = arith.constant 0 : i32
    return %c1_i32, %arg0, %c0_i32 : i32, i32, i32
  }
  func.func @transform_3(%arg0: i32) -> (i32, i32) {
    %c0_i32 = arith.constant 0 : i32
    %c0_i32_0 = arith.constant 0 : i32
    %c0_i32_1 = arith.constant 0 : i32
    return %c0_i32, %c0_i32_0 : i32, i32
  }
  func.func @transform_4(%arg0: i32) -> (i32, i32) {
    %c0_i32 = arith.constant 0 : i32
    %c0_i32_0 = arith.constant 0 : i32
    %c0_i32_1 = arith.constant 0 : i32
    return %c0_i32, %c0_i32_0 : i32, i32
  }
  func.func @transform_5(%arg0: i32) -> (i32, i32) {
    %c0_i32 = arith.constant 0 : i32
    %c0_i32_0 = arith.constant 0 : i32
    %c0_i32_1 = arith.constant 0 : i32
    return %c0_i32, %c0_i32_0 : i32, i32
  }
  func.func @transform_6(%arg0: i32) -> (i32, i32) {
    %c0_i32 = arith.constant 0 : i32
    %c0_i32_0 = arith.constant 0 : i32
    return %arg0, %c0_i32 : i32, i32
  }
}

module attributes {stable_mosaic.version = 14 : i64} {
  func.func @_pool_body(%arg0: i32, %arg1: memref<2000x128xf32, #tpu.memory_space<vmem>>, %arg2: memref<1x1x2000xi32, #tpu.memory_space<vmem>>, %arg3: memref<128x128xf32, #tpu.memory_space<vmem>>, %arg4: memref<128x128xf32, #tpu.memory_space<vmem>>, %arg5: memref<8x128xf32, #tpu.memory_space<vmem>>, %arg6: memref<64x1xf32, #tpu.memory_space<vmem>>, %arg7: memref<64x128xf32, #tpu.memory_space<vmem>>, %arg8: memref<64x128xf32, #tpu.memory_space<vmem>>) attributes {dimension_semantics = [#tpu.dimension_semantics<arbitrary>], iteration_bounds = array<i64: 5>, scalar_prefetch = 0 : i64, scratch_operands = 2 : i64, tpu.core_type = #tpu.core_type<tc>, window_params = [{transform_indices = @transform_0, window_bounds = array<i64: 2000, 128>}, {transform_indices = @transform_1, window_bounds = array<i64: 1, 1, 2000>}, {pipeline_mode = #tpu.pipeline_mode<synchronous>, transform_indices = @transform_2, window_bounds = array<i64: 128, 128>}, {pipeline_mode = #tpu.pipeline_mode<synchronous>, transform_indices = @transform_3, window_bounds = array<i64: 128, 128>}, {pipeline_mode = #tpu.pipeline_mode<synchronous>, transform_indices = @transform_4, window_bounds = array<i64: 8, 128>}, {pipeline_mode = #tpu.pipeline_mode<synchronous>, transform_indices = @transform_5, window_bounds = array<i64: 64, 1>}]} {
    %eq3A = arith.constant 0 : i32
    %eq3A_0 = arith.cmpi eq, %arg0, %eq3A : i32
    %convert_element_type3A = arith.extui %eq3A_0 : i1 to i32
    %cond3A = arith.constant 0 : i32
    %cond3A_1 = arith.cmpi ne, %convert_element_type3A, %cond3A : i32
    scf.if %cond3A_1 {
      %broadcast_in_dim3A_32 = arith.constant 0.000000e+00 : f32
      %broadcast_in_dim3A_33 = vector.broadcast %broadcast_in_dim3A_32 : f32 to vector<64x128xf32>
      %swap3A_34 = arith.constant 0 : index
      %swap3A_35 = arith.constant 0 : index
      %swap3A_36 = vector.load %arg7[%swap3A_34, %swap3A_35] : memref<64x128xf32, #tpu.memory_space<vmem>>, vector<64x128xf32>
      tpu.vector_store %arg7[%swap3A_34, %swap3A_35], %broadcast_in_dim3A_33 {strides = array<i32>} : memref<64x128xf32, #tpu.memory_space<vmem>>, vector<64x128xf32>,
      %broadcast_in_dim3A_37 = arith.constant 0.000000e+00 : f32
      %broadcast_in_dim3A_38 = vector.broadcast %broadcast_in_dim3A_37 : f32 to vector<64x128xf32>
      %swap3A_39 = arith.constant 0 : index
      %swap3A_40 = arith.constant 0 : index
      %swap3A_41 = vector.load %arg8[%swap3A_39, %swap3A_40] : memref<64x128xf32, #tpu.memory_space<vmem>>, vector<64x128xf32>
      tpu.vector_store %arg8[%swap3A_39, %swap3A_40], %broadcast_in_dim3A_38 {strides = array<i32>} : memref<64x128xf32, #tpu.memory_space<vmem>>, vector<64x128xf32>,
    } else {
    }
    %iota3A = tpu.iota {dimensions = array<i32: 0>} : vector<64x2000xi32>
    %get3A = arith.constant 0 : index
    %get3A_2 = arith.constant 0 : index
    %get3A_3 = arith.constant 0 : index
    %get3A_4 = vector.load %arg2[%get3A, %get3A_2, %get3A_3] : memref<1x1x2000xi32, #tpu.memory_space<vmem>>, vector<1x1x2000xi32>
    %reshape3A = vector.shape_cast %get3A_4 : vector<1x1x2000xi32> to vector<1x2000xi32>
    %eq3A_5 = vector.broadcast %reshape3A : vector<1x2000xi32> to vector<64x2000xi32>
    %eq3A_6 = arith.cmpi eq, %iota3A, %eq3A_5 : vector<64x2000xi32>
    %convert_element_type3A_7 = arith.extui %eq3A_6 : vector<64x2000xi1> to vector<64x2000xi32>
    %convert_element_type3A_8 = arith.sitofp %convert_element_type3A_7 : vector<64x2000xi32> to vector<64x2000xf32>
    %get3A_9 = arith.constant 0 : index
    %get3A_10 = arith.constant 0 : index
    %get3A_11 = vector.load %arg7[%get3A_9, %get3A_10] : memref<64x128xf32, #tpu.memory_space<vmem>>, vector<64x128xf32>
    %get3A_12 = arith.constant 0 : index
    %get3A_13 = arith.constant 0 : index
    %get3A_14 = vector.load %arg1[%get3A_12, %get3A_13] : memref<2000x128xf32, #tpu.memory_space<vmem>>, vector<2000x128xf32>
    %dot_general3A = arith.constant dense<0.000000e+00> : vector<64x128xf32>
    %dot_general3A_15 = tpu.matmul %convert_element_type3A_8, %get3A_14, %dot_general3A {dimension_numbers = #tpu.dot_dimension_numbers<[1], [0], [0], [1], [0, 0, 1, 1], [], []>, transpose_lhs_hint = false} : vector<64x2000xf32>, vector<2000x128xf32>, vector<64x128xf32> -> vector<64x128xf32>
    %add3A = arith.addf %get3A_11, %dot_general3A_15 : vector<64x128xf32>
    %swap3A = arith.constant 0 : index
    %swap3A_16 = arith.constant 0 : index
    %swap3A_17 = vector.load %arg7[%swap3A, %swap3A_16] : memref<64x128xf32, #tpu.memory_space<vmem>>, vector<64x128xf32>
    tpu.vector_store %arg7[%swap3A, %swap3A_16], %add3A {strides = array<i32>} : memref<64x128xf32, #tpu.memory_space<vmem>>, vector<64x128xf32>,
    %get3A_18 = arith.constant 0 : index
    %get3A_19 = arith.constant 0 : index
    %get3A_20 = vector.load %arg8[%get3A_18, %get3A_19] : memref<64x128xf32, #tpu.memory_space<vmem>>, vector<64x128xf32>
    %reduce_sum3A = arith.constant dense<0.000000e+00> : vector<64xf32>
    %reduce_sum3A_21 = vector.multi_reduction <add>, %convert_element_type3A_8, %reduce_sum3A [1] : vector<64x2000xf32> to vector<64xf32>
    %broadcast_in_dim3A = vector.shape_cast %reduce_sum3A_21 : vector<64xf32> to vector<64x1xf32>
    %add3A_22 = vector.broadcast %broadcast_in_dim3A : vector<64x1xf32> to vector<64x128xf32>
    %add3A_23 = arith.addf %get3A_20, %add3A_22 : vector<64x128xf32>
    %swap3A_24 = arith.constant 0 : index
    %swap3A_25 = arith.constant 0 : index
    %swap3A_26 = vector.load %arg8[%swap3A_24, %swap3A_25] : memref<64x128xf32, #tpu.memory_space<vmem>>, vector<64x128xf32>
    tpu.vector_store %arg8[%swap3A_24, %swap3A_25], %add3A_23 {strides = array<i32>} : memref<64x128xf32, #tpu.memory_space<vmem>>, vector<64x128xf32>,
    %eq3A_27 = arith.constant 4 : i32
    %eq3A_28 = arith.cmpi eq, %arg0, %eq3A_27 : i32
    %convert_element_type3A_29 = arith.extui %eq3A_28 : i1 to i32
    %cond3A_30 = arith.constant 0 : i32
    %cond3A_31 = arith.cmpi ne, %convert_element_type3A_29, %cond3A_30 : i32
    scf.if %cond3A_31 {
      %get3A_32 = arith.constant 0 : index
      %get3A_33 = arith.constant 0 : index
      %get3A_34 = vector.load %arg7[%get3A_32, %get3A_33] : memref<64x128xf32, #tpu.memory_space<vmem>>, vector<64x128xf32>
      %get3A_35 = arith.constant 0 : index
      %get3A_36 = arith.constant 0 : index
      %get3A_37 = vector.load %arg8[%get3A_35, %get3A_36] : memref<64x128xf32, #tpu.memory_space<vmem>>, vector<64x128xf32>
      %max3A = arith.constant 1.000000e+00 : f32
      %max3A_38 = vector.broadcast %max3A : f32 to vector<64x128xf32>
      %max3A_39 = arith.maximumf %get3A_37, %max3A_38 : vector<64x128xf32>
      %div3A = arith.divf %get3A_34, %max3A_39 : vector<64x128xf32>
      %get3A_40 = arith.constant 0 : index
      %get3A_41 = arith.constant 0 : index
      %get3A_42 = vector.load %arg3[%get3A_40, %get3A_41] : memref<128x128xf32, #tpu.memory_space<vmem>>, vector<128x128xf32>
      %dot_general3A_43 = arith.constant dense<0.000000e+00> : vector<64x128xf32>
      %dot_general3A_44 = tpu.matmul %div3A, %get3A_42, %dot_general3A_43 {dimension_numbers = #tpu.dot_dimension_numbers<[1], [0], [0], [1], [0, 0, 1, 1], [], []>, transpose_lhs_hint = false} : vector<64x128xf32>, vector<128x128xf32>, vector<64x128xf32> -> vector<64x128xf32>
      %get3A_45 = arith.constant 0 : index
      %get3A_46 = arith.constant 0 : index
      %get3A_47 = vector.load %arg5[%get3A_45, %get3A_46] : memref<8x128xf32, #tpu.memory_space<vmem>>, vector<1x128xf32>
      %add3A_48 = vector.broadcast %get3A_47 : vector<1x128xf32> to vector<64x128xf32>
      %add3A_49 = arith.addf %dot_general3A_44, %add3A_48 : vector<64x128xf32>
      %max3A_50 = arith.constant 0.000000e+00 : f32
      %max3A_51 = vector.broadcast %max3A_50 : f32 to vector<64x128xf32>
      %max3A_52 = arith.maximumf %add3A_49, %max3A_51 : vector<64x128xf32>
      %get3A_53 = arith.constant 0 : index
      %get3A_54 = arith.constant 0 : index
      %get3A_55 = vector.load %arg4[%get3A_53, %get3A_54] : memref<128x128xf32, #tpu.memory_space<vmem>>, vector<128x128xf32>
      %dot_general3A_56 = arith.constant dense<0.000000e+00> : vector<64x128xf32>
      %dot_general3A_57 = tpu.matmul %max3A_52, %get3A_55, %dot_general3A_56 {dimension_numbers = #tpu.dot_dimension_numbers<[1], [0], [0], [1], [0, 0, 1, 1], [], []>, transpose_lhs_hint = false} : vector<64x128xf32>, vector<128x128xf32>, vector<64x128xf32> -> vector<64x128xf32>
      %get3A_58 = arith.constant 1 : index
      %get3A_59 = arith.constant 0 : index
      %get3A_60 = vector.load %arg5[%get3A_58, %get3A_59] : memref<8x128xf32, #tpu.memory_space<vmem>>, vector<1x128xf32>
      %add3A_61 = vector.broadcast %get3A_60 : vector<1x128xf32> to vector<64x128xf32>
      %add3A_62 = arith.addf %dot_general3A_57, %add3A_61 : vector<64x128xf32>
      %slice3A = vector.extract_strided_slice %add3A_62 {offsets = [0, 0], sizes = [64, 1], strides = [1, 1]} : vector<64x128xf32> to vector<64x1xf32>
      %swap3A_63 = arith.constant 0 : index
      %swap3A_64 = arith.constant 0 : index
      %swap3A_65 = vector.load %arg6[%swap3A_63, %swap3A_64] : memref<64x1xf32, #tpu.memory_space<vmem>>, vector<64x1xf32>
      tpu.vector_store %arg6[%swap3A_63, %swap3A_64], %slice3A {strides = array<i32>} : memref<64x1xf32, #tpu.memory_space<vmem>>, vector<64x1xf32>,
    } else {
    }
    return
  }
  func.func @transform_0(%arg0: i32) -> (i32, i32) {
    %c0_i32 = arith.constant 0 : i32
    %c0_i32_0 = arith.constant 0 : i32
    return %arg0, %c0_i32 : i32, i32
  }
  func.func @transform_1(%arg0: i32) -> (i32, i32, i32) {
    %c0_i32 = arith.constant 0 : i32
    %c0_i32_0 = arith.constant 0 : i32
    %c0_i32_1 = arith.constant 0 : i32
    return %arg0, %c0_i32, %c0_i32_0 : i32, i32, i32
  }
  func.func @transform_2(%arg0: i32) -> (i32, i32) {
    %c0_i32 = arith.constant 0 : i32
    %c0_i32_0 = arith.constant 0 : i32
    %c0_i32_1 = arith.constant 0 : i32
    return %c0_i32, %c0_i32_0 : i32, i32
  }
  func.func @transform_3(%arg0: i32) -> (i32, i32) {
    %c0_i32 = arith.constant 0 : i32
    %c0_i32_0 = arith.constant 0 : i32
    %c0_i32_1 = arith.constant 0 : i32
    return %c0_i32, %c0_i32_0 : i32, i32
  }
  func.func @transform_4(%arg0: i32) -> (i32, i32) {
    %c0_i32 = arith.constant 0 : i32
    %c0_i32_0 = arith.constant 0 : i32
    %c0_i32_1 = arith.constant 0 : i32
    return %c0_i32, %c0_i32_0 : i32, i32
  }
  func.func @transform_5(%arg0: i32) -> (i32, i32) {
    %c0_i32 = arith.constant 0 : i32
    %c0_i32_0 = arith.constant 0 : i32
    %c0_i32_1 = arith.constant 0 : i32
    return %c0_i32, %c0_i32_0 : i32, i32
  }
}

</mosaic_0001>

<sc_bundles>
// kernel: kernel.10.cloned.1.call-start
scs
__scs_entry_jumppad:
0x0: {  	(pc) =	sbr.rel $0x88, $3  }
0x1: {  	(tag) =	ssettag $0x0;
	lr =	simm.s32 $0x1  }
0x2: {  	[smem:$0x3F91] =	sst lr;
	_ =	strace $0xD0000000  }
0x3: {  	_ = 	snop  }
0x4: {  	_ = 	snop  }
0x5: {  	_ = 	snop  }
0x6: {  	_ = 	snop  }
0x7: {  	_ = 	snop  }
__scs_overlays_trampoline_lowered:
0x8: {  	[smem:$0x3FA0] =	sst s0  }
0x9: {  	[smem:$0x3FA1] =	sst s1  }
0xa: {  	[smem:$0x3FA2] =	sst s2  }
0xb: {  	[smem:$0x3FA3] =	sst s3  }
0xc: {  	[smem:$0x3FA4] =	sst s4  }
0xd: {  	[smem:$0x3FA5] =	sst s5  }
0xe: {  	[smem:$0x3FA6] =	sst s6  }
0xf: {  	[smem:$0x3FA7] =	sst s7  }
0x10: {  	[smem:$0x3FA8] =	sst s8  }
0x11: {  	[smem:$0x3FA9] =	sst s9;
	s0 =	simm.s32 @!p0 $0x0  }
0x12: {  	s1 =	sld [smem:$0x3F8F];
	s0 =	simm.s32 @p0 $0x1  }
0x13: {  	[smem:$0x3FAA] =	sst s0;
	s0 =	simm.s32 @!p1 $0x0  }
0x14: {  	s2 =	sld [smem:$0x3F8E];
	s0 =	simm.s32 @p1 $0x1  }
0x15: {  	[smem:$0x3FAB] =	sst s0;
	s0 =	simm.s32 @!p2 $0x0  }
0x16: {  	s3 =	sld [smem:$0x3FDB];
	s0 =	simm.s32 @p2 $0x1  }
0x17: {  	s4 =	simm.s32 $0x1BF5;
	[smem:$0x3FAD] =	sst s0  }
0x18: {  	s0 =	sld [smem:$0x3F90];
	_ =	swait.ge [sflag:s4], $0x0  }
0x19: {  	s7 =	sld [smem:$0x3F91]  }
0x1a: {  	s8 =	sadd.s32 $0xFFFFE003, lr  }
0x1b: {  	s9 =	sadd.s32 $0xFFFFFEF7, lr;
	s5 =	simm.s32 $0xFFFFFFFF;
	p2 =	slt.u32 s8, $0xFFFFF086  }
0x1c: {  	p1 =	slt.u32 s9, $0xF7A;
	s5 =	simm.s32 @!p2 $0x0  }
0x1d: {  	s5 =	simm.s32 @p1 $0x1;
	p0 =	seq.s32 s7, s2  }
0x1e: {  	s7 =	smul.u32 @!p0 $0xF7A, s2;
	p2 =	seq.s32 @!p0 s5, $0x0  }
0x1f: {  	s9 =	smul.u32 $0xF7A, s1;
	s8 =	simm.s32 @!p0 $0x1BF5;
	p2 =	por !p2, p0  }
0x20: {  	[sflag:s8] =	ssyncset.s32 @!p0 $0xFFFFF086;
	s6 =	sadd.s32 @!p0 s3, s7;
	s7 =	simm.s32 @!p0 $0x108  }
0x21: {  	s3 =	sadd.s32 s3, s9;
	s6 =	sadd.s32 @!p0 $0x88, s6;
	s7 =	simm.s32 @p2 $0x1082  }
0x22: {  	[simem:s7], [sflag:s8] =	dma.local @!p0 [hbm:s6], $0xF7A  }
0x23: {  	s9 =	sor.u32 $0xD0000000, s2;
	s6 =	simm.s32 $0x108;
	_ =	swait.ge @!p0 [sflag:s8], $0x0  }
0x24: {  	s3 =	sadd.s32 $0x88, s3;
	s6 =	simm.s32 @!p1 $0x1082;
	[sflag:s4] =	ssyncset.s32 $0xFFFFF086  }
0x25: {  	[simem:s6], [sflag:s4] =	dma.local [hbm:s3], $0xF7A  }
0x26: {  	[smem:$0x3F91] =	sst s1;
	(tag) =	ssettag s2;
	_ =	strace s9  }
0x27: {  	s1 =	sld [smem:$0x3FA1]  }
0x28: {  	s2 =	sld [smem:$0x3FA2]  }
0x29: {  	s4 =	sld [smem:$0x3FA4]  }
0x2a: {  	p0 =	seq.s32 s5, $0x0;
	s5 =	sld [smem:$0x3FA5]  }
0x2b: {  	s6 =	sld [smem:$0x3FA6]  }
0x2c: {  	s7 =	sld [smem:$0x3FA7]  }
0x2d: {  	s3 =	simm.s32 $0x108;
	s8 =	sld [smem:$0x3FA8]  }
0x2e: {  	s3 =	simm.s32 @!p0 $0x1082;
	s9 =	sld [smem:$0x3FA9]  }
0x2f: {  	lr =	sadd.s32 s0, s3;
	s0 =	sld [smem:$0x3FA0]  }
0x30: {  	s3 =	sld [smem:$0x3FA3]  }
0x31: {  	[smem:$0x3FAC] =	sst s10  }
0x32: {  	s10 =	sld [smem:$0x3FAA];
	_ =	sdelay $0x3  }
0x33: {  	p0 =	seq.s32 s10, $0x1;
	s10 =	sld [smem:$0x3FAC];
	_ =	sdelay $0x3  }
0x34: {  	[smem:$0x3FAC] =	sst s10  }
0x35: {  	s10 =	sld [smem:$0x3FAB];
	_ =	sdelay $0x3  }
0x36: {  	p1 =	seq.s32 s10, $0x1;
	s10 =	sld [smem:$0x3FAC];
	_ =	sdelay $0x3  }
0x37: {  	[smem:$0x3FAC] =	sst s10  }
0x38: {  	s10 =	sld [smem:$0x3FAD]  }
0x39: {  	_ = 	snop;
	(pc) =	sbr.ind lr, $3  }
0x3a: {  	_ = 	snop  }
0x3b: {  	_ = 	snop  }
0x3c: {  	p2 =	seq.s32 s10, $0x1;
	s10 =	sld [smem:$0x3FAC]  }
0x3d: {  	_ =	shalt  }
0x3e: {  	_ =	shalt  }
0x3f: {  	_ =	shalt  }
0x40: {  	_ =	shalt  }
0x41: {  	_ =	shalt  }
0x42: {  	_ =	shalt  }
0x43: {  	_ =	shalt  }
0x44: {  	_ =	shalt  }
0x45: {  	_ =	shalt  }
0x46: {  	_ =	shalt  }
0x47: {  	_ =	shalt  }
0x48: {  	_ =	shalt  }
0x49: {  	_ =	shalt  }
0x4a: {  	_ =	shalt  }
0x4b: {  	_ =	shalt  }
0x4c: {  	_ =	shalt  }
0x4d: {  	_ =	shalt  }
0x4e: {  	_ =	shalt  }
0x4f: {  	_ =	shalt  }
0x50: {  	_ =	shalt  }
0x51: {  	_ =	shalt  }
0x52: {  	_ =	shalt  }
0x53: {  	_ =	shalt  }
0x54: {  	_ =	shalt  }
0x55: {  	_ =	shalt  }
0x56: {  	_ =	shalt  }
0x57: {  	_ =	shalt  }
0x58: {  	_ =	shalt  }
0x59: {  	_ =	shalt  }
0x5a: {  	_ =	shalt  }
0x5b: {  	_ =	shalt  }
0x5c: {  	_ =	shalt  }
0x5d: {  	_ =	shalt  }
0x5e: {  	_ =	shalt  }
0x5f: {  	_ =	shalt  }
0x60: {  	_ =	shalt  }
0x61: {  	_ =	shalt  }
0x62: {  	_ =	shalt  }
0x63: {  	_ =	shalt  }
0x64: {  	_ =	shalt  }
0x65: {  	_ =	shalt  }
0x66: {  	_ =	shalt  }
0x67: {  	_ =	shalt  }
0x68: {  	_ =	shalt  }
0x69: {  	_ =	shalt  }
0x6a: {  	_ =	shalt  }
0x6b: {  	_ =	shalt  }
0x6c: {  	_ =	shalt  }
0x6d: {  	_ =	shalt  }
0x6e: {  	_ =	shalt  }
0x6f: {  	_ =	shalt  }
0x70: {  	_ =	shalt  }
0x71: {  	_ =	shalt  }
0x72: {  	_ =	shalt  }
0x73: {  	_ =	shalt  }
0x74: {  	_ =	shalt  }
0x75: {  	_ =	shalt  }
0x76: {  	_ =	shalt  }
0x77: {  	_ =	shalt  }
0x78: {  	_ =	shalt  }
0x79: {  	_ =	shalt  }
0x7a: {  	_ =	shalt  }
0x7b: {  	_ =	shalt  }
0x7c: {  	_ =	shalt  }
0x7d: {  	_ =	shalt  }
0x7e: {  	_ =	shalt  }
0x7f: {  	_ =	shalt  }
0x80: {  	_ =	shalt  }
0x81: {  	_ =	shalt  }
0x82: {  	_ =	shalt  }
0x83: {  	_ =	shalt  }
0x84: {  	_ =	shalt  }
0x85: {  	_ =	shalt  }
0x86: {  	_ =	shalt  }
0x87: {  	_ =	shalt  }
.Lfunc_end0:
.L_simem_size_0:
called_computation_lowered:
.L_overlay_start_0:
0x88: {  	s2 =	sld [smem:$0x3FD9]  }
0x89: {  	s3 =	sld [smem:$0x3FFE];
	_ =	sdelay $0x1  }
0x8a: {  	s1 =	srdreg.scid  }
0x8b: {  	s0 =	sand.u32 $0x1, s1  }
0x8c: {  	s17 =	sshll.u32 s0, $0xA;
	s2 =	sadd.s32 s3, s2  }
0x8d: {  	s2 =	sadd.s32 s2, s17  }
0x8e: {  	[smem:$0x3FB8] =	sst s2  }
0x8f: {  	_ = 	snop  }
0x90: {  	s2 =	sld [smem:$0x3FC9];
	(tm) =	ssettm $0x1  }
0x91: {  	s18 =	sld [smem:$0x3FFB];
	_ =	sdelay $0x3  }
0x92: {  	_ =	strace s18  }
0x93: {  	s3 =	sld [smem:$0x3FFC];
	_ =	sdelay $0x3  }
0x94: {  	_ =	strace s3  }
0x95: {  	s3 =	sld [smem:$0x3FFD];
	_ =	sdelay $0x3  }
0x96: {  	_ =	strace s3  }
0x97: {  	_ =	strace $0x8FFFFFFF  }
0x98: {  	s19 =	sld [smem:$0x3FDB];
	_ =	sdelay $0x1  }
0x99: {  	s4 =	simm.s32 $_scs_section_size  }
0x9a: {  	s5 =	simm.s32 $_size__tile_overlayer_lowered;
	s6 =	simm.s32 $_tile_overlayer_lowered  }
0x9b: {  	s22 =	simm.s32 $0x1BFF;
	s21 =	sshll.u32 s6, $0x1;
	s3 =	sadd.s32 s4, s19  }
0x9c: {  	s7 =	simm.s32 $0x0;
	s20 =	sshll.u32 s5, $0x1;
	s5 =	sadd.s32 s21, s3  }
0x9d: {  	[timem:s7], [sflag:s22] =	dma.local [hbm:s5], s20  }
0x9e: {  	_ =	swait.ge [sflag:s22], s20  }
0x9f: {  	s4 =	ssub.s32 $0x0, s20;
	[sflag:s22] =	ssyncset.done $0x0  }
0xa0: {  	[sflag:s22] =	ssyncadd.s32 s4;
	_ =	sdelay $0x1  }
0xa1: {  	s23 =	simm.s32 $0x1B8B  }
0xa2: {  	_ =	swait.ge [sflag:s23], $0x1  }
0xa3: {  	[sflag:s23] =	ssyncset.done $0x0  }
0xa4: {  	s25 =	simm.s32 $0x1B8E;
	s24 =	sld [smem:$0x3FFE];
	[sflag:s23] =	ssyncadd.s32 $0xFFFFFFFF  }
0xa5: {  	s26 =	simm.s32 $execute0_lowered;
	[smem:$0x3FD2] =	sst s25  }
0xa6: {  	s5 =	sshll.u32 s26, $0x1;
	_ =	strace $0x80000046;
	[dreg:$0x1] =	wrdreg $0xFFFFFFFF  }
0xa7: {  	s28 =	simm.s32 $_size_execute0_lowered;
	s3 =	sadd.s32 s3, s5;
	[dreg:$0x0] =	wrdreg $0x0  }
0xa8: {  	s5 =	sshll.u32 s28, $0x1;
	[dreg:$0x2] =	wrdreg s3  }
0xa9: {  	[dreg:$0x3] =	wrdreg s5  }
0xaa: {  	[dreg:$0x4] =	wrdreg $0xC0  }
0xab: {  	_ =	task [dreg:s7], $0x5FFFF  }
0xac: {  	[dreg:$0x1] =	wrdreg $0xFFFFFFFF  }
0xad: {  	[dreg:$0x0] =	wrdreg $0x60  }
0xae: {  	[dreg:$0x2] =	wrdreg s2  }
0xaf: {  	[dreg:$0x3] =	wrdreg s24  }
0xb0: {  	[dreg:$0x4] =	wrdreg $0x81000  }
0xb1: {  	[dreg:$0x5] =	wrdreg $0x9  }
0xb2: {  	_ =	task.clear_ibuf [dreg:s7], $0x6FFFF;
	_ =	strace $0x90000046  }
0xb3: {  	s29 =	simm.s32 $0x9;
	_ =	strace $0x80000048  }
0xb4: {  	_ =	swait.ge [sflag:s29], $0x1  }
0xb5: {  	[sflag:s29] =	ssyncadd.s32 $0xFFFFFFFF  }
0xb6: {  	_ =	strace $0x90000048  }
0xb7: {  	_ =	sfence  }
0xb8: {  	s30 =	sld [smem:$0x0];
	_ =	sdelay $0x2  }
0xb9: {  	s31 =	sshll.u32 s1, $0xD;
	s1 =	sshrl.u32 s1, $0x2  }
0xba: {  	s3 =	sand.u32 $0x4000, s31;
	s1 =	sadd.s32 s1, s30  }
0xbb: {  	s0 =	sor.u32 s3, s0;
	s1 =	sshll.u32 s1, $0x11  }
0xbc: {  	s0 =	sor.u32 s1, s0  }
0xbd: {  	s0 =	sadd.s32 $0x8F2B, s0  }
0xbe: {  	[sflag:s0] =	ssyncadd.remote.s32 $0x1  }
0xbf: {  	_ =	sfence.sel $0xFFFF  }
0xc0: {  	[dreg:$0x0] =	wrdreg $0xFFFFFFFF;
	(pc) =	sbr.abs _section_cstart, $3  }
0xc1: {  	[dreg:$0x1] =	wrdreg $0xFFFFFFFF  }
0xc2: {  	_ =	task.clear_ibuf [dreg:s7], $0x2FFFF;
	_ =	strace $0x9FFFFFFF  }
0xc3: {  	(tm) =	ssettm $0x7FFFFFFF  }
tec
execute0_lowered:
.L_overlay_start_1:
0x0: {  	(tag) =	ssettag $0x1  }
0x1: {  	s1 =	rddreg [dreg:$0x0]  }
0x2: {  	s0 =	rddreg [dreg:$0x1]  }
0x3: {  	s2 =	rddreg [dreg:$0x2];
	s3 =	simm.s32 $0x0;
	s4 =	srdreg.scid  }
0x4: {  	s12 =	stileid.u32;
	s24 =	simm.s32 $0x100;
	s25 =	simm.s32 $0x1  }
0x5: {  	s26 =	simm.s32 $0x80;
	s28 =	simm.s32 $0x4100;
	s29 =	simm.s32 $0x0  }
0x6: {  	s30 =	simm.s32 $0x0;
	[smem:$0x7FF] =	sst s3;
	s5 =	sadd.s32 $0x4C00, s0  }
0x7: {  	s4 =	sand.u32 $0x1, s4;
	s6 =	sadd.s32 $0xEC00, s0;
	s9 =	smul.u32 $0x50000, s12  }
0x8: {  	s7 =	sadd.s32 $0x9E6C00, s0;
	s0 =	sadd.s32 $0x18C00, s0;
	s20 =	smul.u32 $0x14000, s12  }
0x9: {  	_ =	strace $0x80000047;
	s8 =	sshll.u32 s4, $0x4;
	s10 =	ssub.s32 $0x2, s4  }
0xa: {  	s4 =	smul.u32 $0x140000, s4;
	s8 =	sor.u32 s12, s8;
	s11 =	sshrl.u32 s10, $0x1  }
0xb: {  	s9 =	sshrl.u32 s9, $0x2;
	s16 =	sadd.s32 $0x4000, s20;
	s18 =	sadd.s32 $0x8000, s20  }
0xc: {  	s21 =	sadd.s32 $0xC000, s20;
	s23 =	sadd.s32 $0x10000, s20;
	s8 =	smul.u32 $0x50, s8  }
0xd: {  	s10 =	ssub.s32 s10, s11;
	s9 =	sadd.s32 s9, s2;
	s15 =	sadd.s32 s4, s20  }
0xe: {  	s17 =	sadd.s32 s4, s16;
	s16 =	sadd.s32 s16, s2;
	s19 =	sadd.s32 s4, s18  }
0xf: {  	s18 =	sadd.s32 s18, s2;
	s22 =	sadd.s32 s4, s21;
	s20 =	sadd.s32 s21, s2  }
0x10: {  	s4 =	sadd.s32 s4, s23;
	s10 =	smax.u32 s10, $0x1;
	s11 =	sadd.s32 $0x4000, s9  }
0x11: {  	s12 =	sadd.s32 $0x8000, s9;
	s13 =	sadd.s32 $0xC000, s9;
	s14 =	sadd.s32 $0x10000, s9  }
0x12: {  	s15 =	sshrl.u32 s15, $0x3;
	s17 =	sshrl.u32 s17, $0x3;
	s19 =	sshrl.u32 s19, $0x3  }
0x13: {  	s31 =	sshrl.u32 s22, $0x3;
	s22 =	sadd.s32 s23, s2;
	s4 =	sshrl.u32 s4, $0x3  }
0x14: {  	[dreg:$0x4] =	wrdreg s10;
	s15 =	sadd.s32 s0, s15;
	s17 =	sadd.s32 s0, s17  }
0x15: {  	v0 =	vimm.f32 $0.0e+00;
	s19 =	sadd.s32 s0, s19;
	s21 =	sadd.s32 s0, s31;
	s23 =	sadd.s32 s0, s4  }
.LBB2_1:
0x16: {  	s0 =	simm.s32 $0x0;
	s4 =	simm.s32 $0x200  }
.LBB2_2:
0x17: {  	p0 =	sne.s32 s4, $0xFE00;
	[tilespmem:s0+$0x170] =	vst v0  }
0x18: {  	[tilespmem:s0+$0x100] =	vst v0  }
0x19: {  	[tilespmem:s0+$0x110] =	vst v0  }
.Ltmp0:
0x1a: {  	[tilespmem:s0+$0x120] =	vst v0;
	(pc) =	sbr.rel @p0 .LBB2_2-.Ltmp0, $4  }
0x1b: {  	[tilespmem:s0+$0x130] =	vst v0  }
0x1c: {  	[tilespmem:s0+$0x140] =	vst v0  }
0x1d: {  	[tilespmem:s0+$0x150] =	vst v0  }
0x1e: {  	[tilespmem:s0+$0x160] =	vst v0;
	s0 =	sshra.s32 s4, $0x2;
	s4 =	sadd.s32 $0x200, s4  }
0x1f: {  	[tilespmem:s0+$0x170] =	vst v0  }
0x20: {  	[tilespmem:s0+$0x100] =	vst v0  }
0x21: {  	[tilespmem:s0+$0x110] =	vst v0  }
0x22: {  	[tilespmem:s0+$0x120] =	vst v0  }
0x23: {  	[tilespmem:s0+$0x130] =	vst v0  }
0x24: {  	[tilespmem:s0+$0x140] =	vst v0  }
0x25: {  	[tilespmem:s0+$0x150] =	vst v0  }
0x26: {  	[tilespmem:s0+$0x160] =	vst v0  }
0x27: {  	[spmem:s9] =	stream.linear.scatter [tilespmem:s24], [sflag:$0x1], $0x4000, $0x38;
	[tilespmem:$0x1C100] =	vst v63  }
0x28: {  	_ =	swait.ge [sflag:s25], $0x4000  }
0x29: {  	[sflag:s25] =	ssyncset.done $0x0  }
0x2a: {  	[sflag:s25] =	ssyncadd.s32 $0xFFFFC000  }
0x2b: {  	[spmem:s11] =	stream.linear.scatter [tilespmem:s24], [sflag:$0x1], $0x4000, $0x38;
	[tilespmem:$0x1C100] =	vst v63  }
0x2c: {  	_ =	swait.ge [sflag:s25], $0x4000  }
0x2d: {  	[sflag:s25] =	ssyncset.done $0x0  }
0x2e: {  	[sflag:s25] =	ssyncadd.s32 $0xFFFFC000  }
0x2f: {  	[spmem:s12] =	stream.linear.scatter [tilespmem:s24], [sflag:$0x1], $0x4000, $0x38;
	[tilespmem:$0x1C100] =	vst v63  }
0x30: {  	_ =	swait.ge [sflag:s25], $0x4000  }
0x31: {  	[sflag:s25] =	ssyncset.done $0x0  }
0x32: {  	[sflag:s25] =	ssyncadd.s32 $0xFFFFC000  }
0x33: {  	[spmem:s13] =	stream.linear.scatter [tilespmem:s24], [sflag:$0x1], $0x4000, $0x38;
	[tilespmem:$0x1C100] =	vst v63  }
0x34: {  	_ =	swait.ge [sflag:s25], $0x4000  }
0x35: {  	[sflag:s25] =	ssyncset.done $0x0  }
0x36: {  	[sflag:s25] =	ssyncadd.s32 $0xFFFFC000  }
0x37: {  	[spmem:s14] =	stream.linear.scatter [tilespmem:s24], [sflag:$0x1], $0x4000, $0x38;
	[tilespmem:$0x1C100] =	vst v63  }
0x38: {  	_ =	swait.ge [sflag:s25], $0x4000  }
0x39: {  	[sflag:s25] =	ssyncset.done $0x0  }
0x3a: {  	[sflag:s25] =	ssyncadd.s32 $0xFFFFC000  }
0x3b: {  	s31 =	simm.s32 $0x0;
	[bflag:$0x0] =	sbarrier.arrive $0xFFFF  }
.LBB2_4:
0x3c: {  	s0 =	sadd.s32 s8, s31  }
0x3d: {  	s4 =	sshll.u32 s0, $0x4  }
0x3e: {  	s10 =	sadd.s32 s5, s4  }
0x3f: {  	[tilespmem:s30], [sflag:$0x1] =	stream.linear.gather [hbm4b:s10+s30], $0x80, $0x38;
	[tilespmem:$0x1C100] =	vst v63  }
0x40: {  	_ =	swait.ge [sflag:s25], $0x80  }
0x41: {  	[sflag:s25] =	ssyncset.done $0x0  }
0x42: {  	s4 =	sadd.s32 s6, s4;
	[sflag:s25] =	ssyncadd.s32 $0xFFFFFF80  }
0x43: {  	[tilespmem:s26], [sflag:$0x1] =	stream.linear.gather [hbm4b:s4+s30], $0x80, $0x38;
	[tilespmem:$0x1C100] =	vst v63  }
0x44: {  	_ =	swait.ge [sflag:s25], $0x80  }
0x45: {  	[sflag:s25] =	ssyncset.done $0x0  }
0x46: {  	[sflag:s25] =	ssyncadd.s32 $0xFFFFFF80  }
0x47: {  	[tilespmem:s24], [sflag:$0x1] =	stream.indirect.gather [hbm4b:s1+s26], $0x80, s30, s26, $0xb8;
	[tilespmem:$0x1C100] =	vst v63  }
0x48: {  	_ =	swait.ge [sflag:s25], $0x4000  }
0x49: {  	s0 =	sshll.u32 s0, $0xB;
	[sflag:s25] =	ssyncset.done $0x0  }
0x4a: {  	s0 =	sadd.s32 s7, s0;
	[sflag:s25] =	ssyncadd.s32 $0xFFFFC000  }
0x4b: {  	[tilespmem:s28], [sflag:$0x1] =	stream.linear.gather [hbm4b:s0+s30], $0x4000, $0x38;
	[tilespmem:$0x1C100] =	vst v63  }
0x4c: {  	_ =	swait.ge [sflag:s25], $0x4000  }
0x4d: {  	[sflag:s25] =	ssyncset.done $0x0  }
0x4e: {  	s0 =	simm.s32 $0x0;
	[sflag:s25] =	ssyncadd.s32 $0xFFFFC000  }
0x4f: {  	v7 =	vld [tilespmem:s0+$0x4100]  }
0x50: {  	v12 =	vld [tilespmem:s0+$0x4110]  }
0x51: {  	v6 =	vld [tilespmem:s0+$0x4120]  }
0x52: {  	v5 =	vld [tilespmem:s0+$0x4130]  }
0x53: {  	v4 =	vld [tilespmem:s0+$0x4140]  }
0x54: {  	v3 =	vld [tilespmem:s0+$0x4150]  }
0x55: {  	v2 =	vld [tilespmem:s0+$0x4160]  }
0x56: {  	v1 =	vld [tilespmem:s0+$0x4170]  }
0x57: {  	v13 =	vld [tilespmem:s0+$0x100]  }
0x58: {  	v14 =	vld [tilespmem:s0+$0x110]  }
0x59: {  	v11 =	vld [tilespmem:s0+$0x120]  }
0x5a: {  	v10 =	vld [tilespmem:s0+$0x130]  }
0x5b: {  	v9 =	vld [tilespmem:s0+$0x140]  }
0x5c: {  	v8 =	vld [tilespmem:s0+$0x150];
	v13 =	vadd.f32 v7, v13  }
0x5d: {  	s4 =	simm.s32 $0x200;
	v12 =	vadd.f32 v12, v14;
	v7 =	vld [tilespmem:s0+$0x160]  }
.LBB2_5:
0x5e: {  	s10 =	sshra.s32 s4, $0x2;
	p0 =	sne.s32 s4, $0xFE00;
	v13 =	vmax.f32 v13, $0.0e+00;
	v6 =	vadd.f32 v6, v11;
	v11 =	vld [tilespmem:s0+$0x170]  }
0x5f: {  	v14 =	vld [tilespmem:s10+$0x4100];
	[tilespmem:s0+$0x100] =	vst v13;
	v12 =	vmax.f32 v12, $0.0e+00;
	v5 =	vadd.f32 v5, v10  }
0x60: {  	v15 =	vld [tilespmem:s10+$0x4110];
	[tilespmem:s0+$0x110] =	vst v12;
	v10 =	vmax.f32 v6, $0.0e+00;
	v4 =	vadd.f32 v4, v9  }
0x61: {  	v6 =	vld [tilespmem:s10+$0x4120];
	[tilespmem:s0+$0x120] =	vst v10;
	v9 =	vmax.f32 v5, $0.0e+00;
	v3 =	vadd.f32 v3, v8  }
0x62: {  	v5 =	vld [tilespmem:s10+$0x4130];
	[tilespmem:s0+$0x130] =	vst v9;
	v8 =	vmax.f32 v4, $0.0e+00;
	v2 =	vadd.f32 v2, v7  }
0x63: {  	v4 =	vld [tilespmem:s10+$0x4140];
	[tilespmem:s0+$0x140] =	vst v8;
	v7 =	vmax.f32 v3, $0.0e+00;
	v1 =	vadd.f32 v1, v11  }
0x64: {  	v3 =	vld [tilespmem:s10+$0x4150];
	[tilespmem:s0+$0x150] =	vst v7;
	v7 =	vmax.f32 v2, $0.0e+00  }
0x65: {  	v2 =	vld [tilespmem:s10+$0x4160];
	[tilespmem:s0+$0x160] =	vst v7;
	v7 =	vmax.f32 v1, $0.0e+00  }
0x66: {  	v1 =	vld [tilespmem:s10+$0x4170];
	[tilespmem:s0+$0x170] =	vst v7;
	s0 =	smov.u32 s10  }
0x67: {  	v7 =	vld [tilespmem:s0+$0x100]  }
0x68: {  	v12 =	vld [tilespmem:s0+$0x110]  }
.Ltmp1:
0x69: {  	v11 =	vld [tilespmem:s0+$0x120];
	(pc) =	sbr.rel @p0 .LBB2_5-.Ltmp1, $4  }
0x6a: {  	v10 =	vld [tilespmem:s0+$0x130]  }
0x6b: {  	v9 =	vld [tilespmem:s0+$0x140]  }
0x6c: {  	v13 =	vadd.f32 v14, v7;
	v8 =	vld [tilespmem:s0+$0x150]  }
0x6d: {  	s4 =	sadd.s32 $0x200, s4;
	v12 =	vadd.f32 v15, v12;
	v7 =	vld [tilespmem:s0+$0x160]  }
0x6e: {  	v13 =	vmax.f32 v13, $0.0e+00;
	v6 =	vadd.f32 v6, v11;
	v63 =	vld [tilespmem:s0+$0x170]  }
0x6f: {  	[tilespmem:s0+$0x100] =	vst v13;
	v12 =	vmax.f32 v12, $0.0e+00;
	v5 =	vadd.f32 v5, v10  }
0x70: {  	[tilespmem:s0+$0x110] =	vst v12;
	v6 =	vmax.f32 v6, $0.0e+00;
	v4 =	vadd.f32 v4, v9  }
0x71: {  	[tilespmem:s0+$0x120] =	vst v6;
	v5 =	vmax.f32 v5, $0.0e+00;
	v3 =	vadd.f32 v3, v8  }
0x72: {  	[tilespmem:s0+$0x130] =	vst v5;
	v4 =	vmax.f32 v4, $0.0e+00;
	v2 =	vadd.f32 v2, v7  }
0x73: {  	[tilespmem:s0+$0x140] =	vst v4;
	v3 =	vmax.f32 v3, $0.0e+00;
	v1 =	vadd.f32 v1, v63  }
0x74: {  	s31 =	sadd.s32 $0x1, s31;
	[tilespmem:s0+$0x150] =	vst v3;
	v2 =	vmax.f32 v2, $0.0e+00  }
0x75: {  	p0 =	sne.s32 s31, $0x50;
	[tilespmem:s0+$0x160] =	vst v2;
	v1 =	vmax.f32 v1, $0.0e+00  }
.Ltmp2:
0x76: {  	[tilespmem:s0+$0x170] =	vst v1;
	(pc) =	sbr.rel @p0 .LBB2_4-.Ltmp2, $4  }
0x77: {  	[spmem:s2] =	stream.indirect.scatter.add.f32 [tilespmem:s24], [sflag:$0x1], $0x80, s26, s26, $0xb8;
	[tilespmem:$0x1C100] =	vst v63  }
0x78: {  	_ =	swait.ge [sflag:s25], $0x4000  }
0x79: {  	[sflag:s25] =	ssyncset.done $0x0  }
0x7a: {  	[sflag:s25] =	ssyncadd.s32 $0xFFFFC000  }
0x7b: {  	[bflag:$0x0] =	sbarrier.arrive $0xFFFF  }
0x7c: {  	[tilespmem:s24], [sflag:$0x1] =	stream.linear.gather [spmem:s9], $0x4000, $0x38;
	[tilespmem:$0x1C100] =	vst v63  }
0x7d: {  	_ =	swait.ge [sflag:s25], $0x4000  }
0x7e: {  	[sflag:s25] =	ssyncset.done $0x0  }
0x7f: {  	[sflag:s25] =	ssyncadd.s32 $0xFFFFC000  }
0x80: {  	[hbm4b:s15+s3] =	stream.linear.scatter [tilespmem:s24], [sflag:$0x1], $0x4000, $0x38;
	[tilespmem:$0x1C100] =	vst v63  }
0x81: {  	_ =	swait.ge [sflag:s25], $0x4000  }
0x82: {  	[sflag:s25] =	ssyncset.done $0x0  }
0x83: {  	[sflag:s25] =	ssyncadd.s32 $0xFFFFC000  }
0x84: {  	[tilespmem:s24], [sflag:$0x1] =	stream.linear.gather [spmem:s16], $0x4000, $0x38;
	[tilespmem:$0x1C100] =	vst v63  }
0x85: {  	_ =	swait.ge [sflag:s25], $0x4000  }
0x86: {  	[sflag:s25] =	ssyncset.done $0x0  }
0x87: {  	[sflag:s25] =	ssyncadd.s32 $0xFFFFC000  }
0x88: {  	[hbm4b:s17+s3] =	stream.linear.scatter [tilespmem:s24], [sflag:$0x1], $0x4000, $0x38;
	[tilespmem:$0x1C100] =	vst v63  }
0x89: {  	_ =	swait.ge [sflag:s25], $0x4000  }
0x8a: {  	[sflag:s25] =	ssyncset.done $0x0  }
0x8b: {  	[sflag:s25] =	ssyncadd.s32 $0xFFFFC000  }
0x8c: {  	[tilespmem:s24], [sflag:$0x1] =	stream.linear.gather [spmem:s18], $0x4000, $0x38;
	[tilespmem:$0x1C100] =	vst v63  }
0x8d: {  	_ =	swait.ge [sflag:s25], $0x4000  }
0x8e: {  	[sflag:s25] =	ssyncset.done $0x0  }
0x8f: {  	[sflag:s25] =	ssyncadd.s32 $0xFFFFC000  }
0x90: {  	[hbm4b:s19+s3] =	stream.linear.scatter [tilespmem:s24], [sflag:$0x1], $0x4000, $0x38;
	[tilespmem:$0x1C100] =	vst v63  }
0x91: {  	_ =	swait.ge [sflag:s25], $0x4000  }
0x92: {  	[sflag:s25] =	ssyncset.done $0x0  }
0x93: {  	[sflag:s25] =	ssyncadd.s32 $0xFFFFC000  }
0x94: {  	[tilespmem:s24], [sflag:$0x1] =	stream.linear.gather [spmem:s20], $0x4000, $0x38;
	[tilespmem:$0x1C100] =	vst v63  }
0x95: {  	_ =	swait.ge [sflag:s25], $0x4000  }
0x96: {  	[sflag:s25] =	ssyncset.done $0x0  }
0x97: {  	[sflag:s25] =	ssyncadd.s32 $0xFFFFC000  }
0x98: {  	[hbm4b:s21+s3] =	stream.linear.scatter [tilespmem:s24], [sflag:$0x1], $0x4000, $0x38;
	[tilespmem:$0x1C100] =	vst v63  }
0x99: {  	_ =	swait.ge [sflag:s25], $0x4000  }
0x9a: {  	[sflag:s25] =	ssyncset.done $0x0  }
0x9b: {  	[sflag:s25] =	ssyncadd.s32 $0xFFFFC000  }
0x9c: {  	[tilespmem:s24], [sflag:$0x1] =	stream.linear.gather [spmem:s22], $0x4000, $0x38;
	[tilespmem:$0x1C100] =	vst v63  }
0x9d: {  	_ =	swait.ge [sflag:s25], $0x4000  }
0x9e: {  	[sflag:s25] =	ssyncset.done $0x0  }
0x9f: {  	[sflag:s25] =	ssyncadd.s32 $0xFFFFC000  }
0xa0: {  	[hbm4b:s23+s3] =	stream.linear.scatter [tilespmem:s24], [sflag:$0x1], $0x4000, $0x38;
	[tilespmem:$0x1C100] =	vst v63  }
0xa1: {  	_ =	swait.ge [sflag:s25], $0x4000  }
0xa2: {  	s29 =	sadd.s32 $0x1, s29;
	s0 =	rddreg [dreg:$0x4]  }
0xa3: {  	p0 =	sne.s32 s29, s0  }
.Ltmp3:
0xa4: {  	_ = 	snop;
	(pc) =	sbr.rel @p0 .LBB2_1-.Ltmp3, $3  }
0xa5: {  	_ =	sdelay $0x1  }
0xa6: {  	[sflag:s25] =	ssyncset.done $0x0  }
0xa7: {  	[sflag:s25] =	ssyncadd.s32 $0xFFFFC000  }
0xa8: {  	_ =	sfence.sel $0x180000  }
0xa9: {  	[bflag:$0x0] =	sbarrier.arrive $0xFFFF  }
0xaa: {  	_ =	strace $0x90000047  }
0xab: {  	s0 =	stileid.u32;
	[bflag:$0x2] =	sbarrier.arrive $0xFFFF  }
0xac: {  	p0 =	sne.s32 s0, $0x0;
	s0 =	rddreg [dreg:$0x3]  }
0xad: {  	s0 =	sadd.s32 @!p0 $0x100000, s0  }
0xae: {  	[sflag:s0] =	ssyncadd.tile.s32 @!p0 $0x1;
	_ =	shalt  }
.Lfunc_end2:
_tile_overlayer_lowered:
.L_overlay_start_2:
0xaf: {  	(tag) =	ssettag $0x2  }
0xb0: {  	s0 =	rddreg [dreg:$0x0];
	s2 =	stileid.u32  }
0xb1: {  	s1 =	rddreg [dreg:$0x1];
	p0 =	sne.s32 s2, $0x0  }
0xb2: {  	s3 =	rddreg [dreg:$0x2];
	[bflag:$0x3] =	sbarrier.arrive $0xFFFF;
	s2 =	simm.s32 @!p0 $0x1C01  }
0xb3: {  	[timem:s3], [sflag:s2] =	dma.local @!p0 [hbm:s0], s1  }
0xb4: {  	s0 =	simm.s32 @!p0 $0x1  }
0xb5: {  	_ =	swait.ge @!p0 [sflag:s0], s1  }
0xb6: {  	s1 =	ssub.s32 @!p0 $0x0, s1;
	[sflag:s0] =	ssyncset.done @!p0 $0x0  }
0xb7: {  	[sflag:s0] =	ssyncadd.s32 @!p0 s1  }
0xb8: {  	[bflag:$0x3] =	sbarrier.arrive $0xFFFF  }
0xb9: {  	_ =	shalt  }

// kernel: kernel.13.cloned.1.call-start
scs
__scs_entry_jumppad:
0x0: {  	(pc) =	sbr.rel $0x88, $3  }
0x1: {  	(tag) =	ssettag $0x0;
	lr =	simm.s32 $0x1  }
0x2: {  	[smem:$0x3F91] =	sst lr;
	_ =	strace $0xD0000000  }
0x3: {  	_ = 	snop  }
0x4: {  	_ = 	snop  }
0x5: {  	_ = 	snop  }
0x6: {  	_ = 	snop  }
0x7: {  	_ = 	snop  }
__scs_overlays_trampoline_lowered:
0x8: {  	[smem:$0x3FA0] =	sst s0  }
0x9: {  	[smem:$0x3FA1] =	sst s1  }
0xa: {  	[smem:$0x3FA2] =	sst s2  }
0xb: {  	[smem:$0x3FA3] =	sst s3  }
0xc: {  	[smem:$0x3FA4] =	sst s4  }
0xd: {  	[smem:$0x3FA5] =	sst s5  }
0xe: {  	[smem:$0x3FA6] =	sst s6  }
0xf: {  	[smem:$0x3FA7] =	sst s7  }
0x10: {  	[smem:$0x3FA8] =	sst s8  }
0x11: {  	[smem:$0x3FA9] =	sst s9;
	s0 =	simm.s32 @!p0 $0x0  }
0x12: {  	s1 =	sld [smem:$0x3F8F];
	s0 =	simm.s32 @p0 $0x1  }
0x13: {  	[smem:$0x3FAA] =	sst s0;
	s0 =	simm.s32 @!p1 $0x0  }
0x14: {  	s2 =	sld [smem:$0x3F8E];
	s0 =	simm.s32 @p1 $0x1  }
0x15: {  	[smem:$0x3FAB] =	sst s0;
	s0 =	simm.s32 @!p2 $0x0  }
0x16: {  	s3 =	sld [smem:$0x3FDB];
	s0 =	simm.s32 @p2 $0x1  }
0x17: {  	s4 =	simm.s32 $0x1BF5;
	[smem:$0x3FAD] =	sst s0  }
0x18: {  	s0 =	sld [smem:$0x3F90];
	_ =	swait.ge [sflag:s4], $0x0  }
0x19: {  	s7 =	sld [smem:$0x3F91]  }
0x1a: {  	s8 =	sadd.s32 $0xFFFFE003, lr  }
0x1b: {  	s9 =	sadd.s32 $0xFFFFFEF7, lr;
	s5 =	simm.s32 $0xFFFFFFFF;
	p2 =	slt.u32 s8, $0xFFFFF086  }
0x1c: {  	p1 =	slt.u32 s9, $0xF7A;
	s5 =	simm.s32 @!p2 $0x0  }
0x1d: {  	s5 =	simm.s32 @p1 $0x1;
	p0 =	seq.s32 s7, s2  }
0x1e: {  	s7 =	smul.u32 @!p0 $0xF7A, s2;
	p2 =	seq.s32 @!p0 s5, $0x0  }
0x1f: {  	s9 =	smul.u32 $0xF7A, s1;
	s8 =	simm.s32 @!p0 $0x1BF5;
	p2 =	por !p2, p0  }
0x20: {  	[sflag:s8] =	ssyncset.s32 @!p0 $0xFFFFF086;
	s6 =	sadd.s32 @!p0 s3, s7;
	s7 =	simm.s32 @!p0 $0x108  }
0x21: {  	s3 =	sadd.s32 s3, s9;
	s6 =	sadd.s32 @!p0 $0x88, s6;
	s7 =	simm.s32 @p2 $0x1082  }
0x22: {  	[simem:s7], [sflag:s8] =	dma.local @!p0 [hbm:s6], $0xF7A  }
0x23: {  	s9 =	sor.u32 $0xD0000000, s2;
	s6 =	simm.s32 $0x108;
	_ =	swait.ge @!p0 [sflag:s8], $0x0  }
0x24: {  	s3 =	sadd.s32 $0x88, s3;
	s6 =	simm.s32 @!p1 $0x1082;
	[sflag:s4] =	ssyncset.s32 $0xFFFFF086  }
0x25: {  	[simem:s6], [sflag:s4] =	dma.local [hbm:s3], $0xF7A  }
0x26: {  	[smem:$0x3F91] =	sst s1;
	(tag) =	ssettag s2;
	_ =	strace s9  }
0x27: {  	s1 =	sld [smem:$0x3FA1]  }
0x28: {  	s2 =	sld [smem:$0x3FA2]  }
0x29: {  	s4 =	sld [smem:$0x3FA4]  }
0x2a: {  	p0 =	seq.s32 s5, $0x0;
	s5 =	sld [smem:$0x3FA5]  }
0x2b: {  	s6 =	sld [smem:$0x3FA6]  }
0x2c: {  	s7 =	sld [smem:$0x3FA7]  }
0x2d: {  	s3 =	simm.s32 $0x108;
	s8 =	sld [smem:$0x3FA8]  }
0x2e: {  	s3 =	simm.s32 @!p0 $0x1082;
	s9 =	sld [smem:$0x3FA9]  }
0x2f: {  	lr =	sadd.s32 s0, s3;
	s0 =	sld [smem:$0x3FA0]  }
0x30: {  	s3 =	sld [smem:$0x3FA3]  }
0x31: {  	[smem:$0x3FAC] =	sst s10  }
0x32: {  	s10 =	sld [smem:$0x3FAA];
	_ =	sdelay $0x3  }
0x33: {  	p0 =	seq.s32 s10, $0x1;
	s10 =	sld [smem:$0x3FAC];
	_ =	sdelay $0x3  }
0x34: {  	[smem:$0x3FAC] =	sst s10  }
0x35: {  	s10 =	sld [smem:$0x3FAB];
	_ =	sdelay $0x3  }
0x36: {  	p1 =	seq.s32 s10, $0x1;
	s10 =	sld [smem:$0x3FAC];
	_ =	sdelay $0x3  }
0x37: {  	[smem:$0x3FAC] =	sst s10  }
0x38: {  	s10 =	sld [smem:$0x3FAD]  }
0x39: {  	_ = 	snop;
	(pc) =	sbr.ind lr, $3  }
0x3a: {  	_ = 	snop  }
0x3b: {  	_ = 	snop  }
0x3c: {  	p2 =	seq.s32 s10, $0x1;
	s10 =	sld [smem:$0x3FAC]  }
0x3d: {  	_ =	shalt  }
0x3e: {  	_ =	shalt  }
0x3f: {  	_ =	shalt  }
0x40: {  	_ =	shalt  }
0x41: {  	_ =	shalt  }
0x42: {  	_ =	shalt  }
0x43: {  	_ =	shalt  }
0x44: {  	_ =	shalt  }
0x45: {  	_ =	shalt  }
0x46: {  	_ =	shalt  }
0x47: {  	_ =	shalt  }
0x48: {  	_ =	shalt  }
0x49: {  	_ =	shalt  }
0x4a: {  	_ =	shalt  }
0x4b: {  	_ =	shalt  }
0x4c: {  	_ =	shalt  }
0x4d: {  	_ =	shalt  }
0x4e: {  	_ =	shalt  }
0x4f: {  	_ =	shalt  }
0x50: {  	_ =	shalt  }
0x51: {  	_ =	shalt  }
0x52: {  	_ =	shalt  }
0x53: {  	_ =	shalt  }
0x54: {  	_ =	shalt  }
0x55: {  	_ =	shalt  }
0x56: {  	_ =	shalt  }
0x57: {  	_ =	shalt  }
0x58: {  	_ =	shalt  }
0x59: {  	_ =	shalt  }
0x5a: {  	_ =	shalt  }
0x5b: {  	_ =	shalt  }
0x5c: {  	_ =	shalt  }
0x5d: {  	_ =	shalt  }
0x5e: {  	_ =	shalt  }
0x5f: {  	_ =	shalt  }
0x60: {  	_ =	shalt  }
0x61: {  	_ =	shalt  }
0x62: {  	_ =	shalt  }
0x63: {  	_ =	shalt  }
0x64: {  	_ =	shalt  }
0x65: {  	_ =	shalt  }
0x66: {  	_ =	shalt  }
0x67: {  	_ =	shalt  }
0x68: {  	_ =	shalt  }
0x69: {  	_ =	shalt  }
0x6a: {  	_ =	shalt  }
0x6b: {  	_ =	shalt  }
0x6c: {  	_ =	shalt  }
0x6d: {  	_ =	shalt  }
0x6e: {  	_ =	shalt  }
0x6f: {  	_ =	shalt  }
0x70: {  	_ =	shalt  }
0x71: {  	_ =	shalt  }
0x72: {  	_ =	shalt  }
0x73: {  	_ =	shalt  }
0x74: {  	_ =	shalt  }
0x75: {  	_ =	shalt  }
0x76: {  	_ =	shalt  }
0x77: {  	_ =	shalt  }
0x78: {  	_ =	shalt  }
0x79: {  	_ =	shalt  }
0x7a: {  	_ =	shalt  }
0x7b: {  	_ =	shalt  }
0x7c: {  	_ =	shalt  }
0x7d: {  	_ =	shalt  }
0x7e: {  	_ =	shalt  }
0x7f: {  	_ =	shalt  }
0x80: {  	_ =	shalt  }
0x81: {  	_ =	shalt  }
0x82: {  	_ =	shalt  }
0x83: {  	_ =	shalt  }
0x84: {  	_ =	shalt  }
0x85: {  	_ =	shalt  }
0x86: {  	_ =	shalt  }
0x87: {  	_ =	shalt  }
.Lfunc_end0:
.L_simem_size_0:
called_computation.1_lowered:
.L_overlay_start_0:
0x88: {  	s2 =	sld [smem:$0x3FD9]  }
0x89: {  	s3 =	sld [smem:$0x3FFE];
	_ =	sdelay $0x1  }
0x8a: {  	s1 =	srdreg.scid  }
0x8b: {  	s0 =	sand.u32 $0x1, s1  }
0x8c: {  	s16 =	sshll.u32 s0, $0xA;
	s2 =	sadd.s32 s3, s2  }
0x8d: {  	s2 =	sadd.s32 s2, s16  }
0x8e: {  	[smem:$0x3FB8] =	sst s2  }
0x8f: {  	_ = 	snop  }
0x90: {  	(tm) =	ssettm $0x1  }
0x91: {  	s17 =	sld [smem:$0x3FFB];
	_ =	sdelay $0x3  }
0x92: {  	_ =	strace s17  }
0x93: {  	s2 =	sld [smem:$0x3FFC];
	_ =	sdelay $0x3  }
0x94: {  	_ =	strace s2  }
0x95: {  	s2 =	sld [smem:$0x3FFD];
	_ =	sdelay $0x3  }
0x96: {  	_ =	strace s2  }
0x97: {  	_ =	strace $0x8FFFFFFF  }
0x98: {  	s18 =	sld [smem:$0x3FDB];
	_ =	sdelay $0x1  }
0x99: {  	s19 =	simm.s32 $_scs_section_size  }
0x9a: {  	s4 =	simm.s32 $_size__tile_overlayer_lowered;
	s5 =	simm.s32 $_tile_overlayer_lowered  }
0x9b: {  	s22 =	simm.s32 $0x1BFF;
	s21 =	sshll.u32 s5, $0x1;
	s2 =	sadd.s32 s19, s18  }
0x9c: {  	s6 =	simm.s32 $0x0;
	s20 =	sshll.u32 s4, $0x1;
	s4 =	sadd.s32 s21, s2  }
0x9d: {  	[timem:s6], [sflag:s22] =	dma.local [hbm:s4], s20  }
0x9e: {  	_ =	swait.ge [sflag:s22], s20  }
0x9f: {  	s3 =	ssub.s32 $0x0, s20;
	[sflag:s22] =	ssyncset.done $0x0  }
0xa0: {  	[sflag:s22] =	ssyncadd.s32 s3;
	_ =	sdelay $0x1  }
0xa1: {  	s23 =	simm.s32 $0x1B8B  }
0xa2: {  	_ =	swait.ge [sflag:s23], $0x1  }
0xa3: {  	[sflag:s23] =	ssyncset.done $0x0  }
0xa4: {  	s25 =	simm.s32 $0x1B8E;
	s24 =	sld [smem:$0x3FFE];
	[sflag:s23] =	ssyncadd.s32 $0xFFFFFFFF  }
0xa5: {  	s26 =	simm.s32 $execute0_lowered;
	[smem:$0x3FD2] =	sst s25  }
0xa6: {  	s4 =	sshll.u32 s26, $0x1;
	_ =	strace $0x80000049;
	[dreg:$0x1] =	wrdreg $0xFFFFFFFF  }
0xa7: {  	s28 =	simm.s32 $_size_execute0_lowered;
	s2 =	sadd.s32 s2, s4;
	[dreg:$0x0] =	wrdreg $0x0  }
0xa8: {  	s4 =	sshll.u32 s28, $0x1;
	[dreg:$0x2] =	wrdreg s2  }
0xa9: {  	[dreg:$0x3] =	wrdreg s4  }
0xaa: {  	[dreg:$0x4] =	wrdreg $0xC0  }
0xab: {  	_ =	task [dreg:s6], $0x5FFFF  }
0xac: {  	[dreg:$0x1] =	wrdreg $0xFFFFFFFF  }
0xad: {  	[dreg:$0x0] =	wrdreg $0x60  }
0xae: {  	[dreg:$0x2] =	wrdreg s24  }
0xaf: {  	[dreg:$0x3] =	wrdreg $0x81000  }
0xb0: {  	[dreg:$0x4] =	wrdreg $0x9  }
0xb1: {  	_ =	task.clear_ibuf [dreg:s6], $0x5FFFF;
	_ =	strace $0x90000049  }
0xb2: {  	s29 =	simm.s32 $0x9;
	_ =	strace $0x8000004B  }
0xb3: {  	_ =	swait.ge [sflag:s29], $0x1  }
0xb4: {  	[sflag:s29] =	ssyncadd.s32 $0xFFFFFFFF  }
0xb5: {  	_ =	strace $0x9000004B  }
0xb6: {  	_ =	sfence  }
0xb7: {  	s30 =	sld [smem:$0x0];
	_ =	sdelay $0x2  }
0xb8: {  	s31 =	sshll.u32 s1, $0xD;
	s1 =	sshrl.u32 s1, $0x2  }
0xb9: {  	s3 =	sand.u32 $0x4000, s31;
	s1 =	sadd.s32 s1, s30  }
0xba: {  	s0 =	sor.u32 s3, s0;
	s1 =	sshll.u32 s1, $0x11  }
0xbb: {  	s0 =	sor.u32 s1, s0  }
0xbc: {  	s0 =	sadd.s32 $0x8F2B, s0  }
0xbd: {  	[sflag:s0] =	ssyncadd.remote.s32 $0x1  }
0xbe: {  	_ =	sfence.sel $0xFFFF  }
0xbf: {  	[dreg:$0x0] =	wrdreg $0xFFFFFFFF;
	(pc) =	sbr.abs _section_cstart, $3  }
0xc0: {  	[dreg:$0x1] =	wrdreg $0xFFFFFFFF  }
0xc1: {  	_ =	task.clear_ibuf [dreg:s6], $0x2FFFF;
	_ =	strace $0x9FFFFFFF  }
0xc2: {  	(tm) =	ssettm $0x7FFFFFFF  }
0xc3: {  	_ =	shalt  }
tec
execute0_lowered:
.L_overlay_start_1:
0x0: {  	(tag) =	ssettag $0x1  }
0x1: {  	s0 =	rddreg [dreg:$0x0]  }
0x2: {  	s1 =	rddreg [dreg:$0x1]  }
0x3: {  	s2 =	simm.s32 $0x0;
	s3 =	srdreg.scid;
	s12 =	stileid.u32  }
0x4: {  	s24 =	simm.s32 $0x100;
	s25 =	simm.s32 $0x1;
	s26 =	simm.s32 $0x80  }
0x5: {  	s28 =	simm.s32 $0x4100;
	s29 =	simm.s32 $0x0;
	s30 =	simm.s32 $0x0  }
0x6: {  	[smem:$0x7FF] =	sst s2;
	s4 =	sadd.s32 $0x18C00, s0;
	s5 =	sadd.s32 $0x4C00, s0  }
0x7: {  	s3 =	sand.u32 $0x1, s3;
	s6 =	sadd.s32 $0xEC00, s0;
	s9 =	smul.u32 $0x50000, s12  }
0x8: {  	s7 =	sadd.s32 $0xEE6C00, s0;
	s0 =	sadd.s32 $0x6BC00, s0;
	s20 =	smul.u32 $0x14000, s12  }
0x9: {  	_ =	strace $0x8000004A;
	s8 =	sshll.u32 s3, $0x4;
	s10 =	ssub.s32 $0x2, s3  }
0xa: {  	s3 =	smul.u32 $0x140000, s3;
	s8 =	sor.u32 s12, s8;
	s11 =	sshrl.u32 s10, $0x1  }
0xb: {  	s9 =	sshrl.u32 s9, $0x2;
	s16 =	sadd.s32 $0x4000, s20;
	s18 =	sadd.s32 $0x8000, s20  }
0xc: {  	s21 =	sadd.s32 $0xC000, s20;
	s23 =	sadd.s32 $0x10000, s20;
	s8 =	smul.u32 $0x50, s8  }
0xd: {  	s10 =	ssub.s32 s10, s11;
	s9 =	sadd.s32 s9, s1;
	s15 =	sadd.s32 s3, s20  }
0xe: {  	s17 =	sadd.s32 s3, s16;
	s16 =	sadd.s32 s16, s1;
	s19 =	sadd.s32 s3, s18  }
0xf: {  	s18 =	sadd.s32 s18, s1;
	s22 =	sadd.s32 s3, s21;
	s20 =	sadd.s32 s21, s1  }
0x10: {  	s3 =	sadd.s32 s3, s23;
	s10 =	smax.u32 s10, $0x1;
	s11 =	sadd.s32 $0x4000, s9  }
0x11: {  	s12 =	sadd.s32 $0x8000, s9;
	s13 =	sadd.s32 $0xC000, s9;
	s14 =	sadd.s32 $0x10000, s9  }
0x12: {  	s15 =	sshrl.u32 s15, $0x3;
	s17 =	sshrl.u32 s17, $0x3;
	s19 =	sshrl.u32 s19, $0x3  }
0x13: {  	s31 =	sshrl.u32 s22, $0x3;
	s22 =	sadd.s32 s23, s1;
	s3 =	sshrl.u32 s3, $0x3  }
0x14: {  	[dreg:$0x3] =	wrdreg s10;
	s15 =	sadd.s32 s0, s15;
	s17 =	sadd.s32 s0, s17  }
0x15: {  	v0 =	vimm.f32 $0.0e+00;
	s19 =	sadd.s32 s0, s19;
	s21 =	sadd.s32 s0, s31;
	s23 =	sadd.s32 s0, s3  }
.LBB2_1:
0x16: {  	s0 =	simm.s32 $0x0;
	s3 =	simm.s32 $0x200  }
.LBB2_2:
0x17: {  	p0 =	sne.s32 s3, $0xFE00;
	[tilespmem:s0+$0x170] =	vst v0  }
0x18: {  	[tilespmem:s0+$0x100] =	vst v0  }
0x19: {  	[tilespmem:s0+$0x110] =	vst v0  }
.Ltmp0:
0x1a: {  	[tilespmem:s0+$0x120] =	vst v0;
	(pc) =	sbr.rel @p0 .LBB2_2-.Ltmp0, $4  }
0x1b: {  	[tilespmem:s0+$0x130] =	vst v0  }
0x1c: {  	[tilespmem:s0+$0x140] =	vst v0  }
0x1d: {  	[tilespmem:s0+$0x150] =	vst v0  }
0x1e: {  	[tilespmem:s0+$0x160] =	vst v0;
	s0 =	sshra.s32 s3, $0x2;
	s3 =	sadd.s32 $0x200, s3  }
0x1f: {  	[tilespmem:s0+$0x170] =	vst v0  }
0x20: {  	[tilespmem:s0+$0x100] =	vst v0  }
0x21: {  	[tilespmem:s0+$0x110] =	vst v0  }
0x22: {  	[tilespmem:s0+$0x120] =	vst v0  }
0x23: {  	[tilespmem:s0+$0x130] =	vst v0  }
0x24: {  	[tilespmem:s0+$0x140] =	vst v0  }
0x25: {  	[tilespmem:s0+$0x150] =	vst v0  }
0x26: {  	[tilespmem:s0+$0x160] =	vst v0  }
0x27: {  	[spmem:s9] =	stream.linear.scatter [tilespmem:s24], [sflag:$0x1], $0x4000, $0x38;
	[tilespmem:$0x1C100] =	vst v63  }
0x28: {  	_ =	swait.ge [sflag:s25], $0x4000  }
0x29: {  	[sflag:s25] =	ssyncset.done $0x0  }
0x2a: {  	[sflag:s25] =	ssyncadd.s32 $0xFFFFC000  }
0x2b: {  	[spmem:s11] =	stream.linear.scatter [tilespmem:s24], [sflag:$0x1], $0x4000, $0x38;
	[tilespmem:$0x1C100] =	vst v63  }
0x2c: {  	_ =	swait.ge [sflag:s25], $0x4000  }
0x2d: {  	[sflag:s25] =	ssyncset.done $0x0  }
0x2e: {  	[sflag:s25] =	ssyncadd.s32 $0xFFFFC000  }
0x2f: {  	[spmem:s12] =	stream.linear.scatter [tilespmem:s24], [sflag:$0x1], $0x4000, $0x38;
	[tilespmem:$0x1C100] =	vst v63  }
0x30: {  	_ =	swait.ge [sflag:s25], $0x4000  }
0x31: {  	[sflag:s25] =	ssyncset.done $0x0  }
0x32: {  	[sflag:s25] =	ssyncadd.s32 $0xFFFFC000  }
0x33: {  	[spmem:s13] =	stream.linear.scatter [tilespmem:s24], [sflag:$0x1], $0x4000, $0x38;
	[tilespmem:$0x1C100] =	vst v63  }
0x34: {  	_ =	swait.ge [sflag:s25], $0x4000  }
0x35: {  	[sflag:s25] =	ssyncset.done $0x0  }
0x36: {  	[sflag:s25] =	ssyncadd.s32 $0xFFFFC000  }
0x37: {  	[spmem:s14] =	stream.linear.scatter [tilespmem:s24], [sflag:$0x1], $0x4000, $0x38;
	[tilespmem:$0x1C100] =	vst v63  }
0x38: {  	_ =	swait.ge [sflag:s25], $0x4000  }
0x39: {  	[sflag:s25] =	ssyncset.done $0x0  }
0x3a: {  	[sflag:s25] =	ssyncadd.s32 $0xFFFFC000  }
0x3b: {  	s31 =	simm.s32 $0x0;
	[bflag:$0x0] =	sbarrier.arrive $0xFFFF  }
.LBB2_4:
0x3c: {  	s0 =	sadd.s32 s8, s31  }
0x3d: {  	s3 =	sshll.u32 s0, $0x4  }
0x3e: {  	s10 =	sadd.s32 s5, s3  }
0x3f: {  	[tilespmem:s30], [sflag:$0x1] =	stream.linear.gather [hbm4b:s10+s30], $0x80, $0x38;
	[tilespmem:$0x1C100] =	vst v63  }
0x40: {  	_ =	swait.ge [sflag:s25], $0x80  }
0x41: {  	[sflag:s25] =	ssyncset.done $0x0  }
0x42: {  	s3 =	sadd.s32 s6, s3;
	[sflag:s25] =	ssyncadd.s32 $0xFFFFFF80  }
0x43: {  	[tilespmem:s26], [sflag:$0x1] =	stream.linear.gather [hbm4b:s3+s30], $0x80, $0x38;
	[tilespmem:$0x1C100] =	vst v63  }
0x44: {  	_ =	swait.ge [sflag:s25], $0x80  }
0x45: {  	[sflag:s25] =	ssyncset.done $0x0  }
0x46: {  	[sflag:s25] =	ssyncadd.s32 $0xFFFFFF80  }
0x47: {  	[tilespmem:s24], [sflag:$0x1] =	stream.indirect.gather [hbm4b:s4+s26], $0x80, s30, s26, $0xb8;
	[tilespmem:$0x1C100] =	vst v63  }
0x48: {  	_ =	swait.ge [sflag:s25], $0x4000  }
0x49: {  	s0 =	sshll.u32 s0, $0xB;
	[sflag:s25] =	ssyncset.done $0x0  }
0x4a: {  	s0 =	sadd.s32 s7, s0;
	[sflag:s25] =	ssyncadd.s32 $0xFFFFC000  }
0x4b: {  	[tilespmem:s28], [sflag:$0x1] =	stream.linear.gather [hbm4b:s0+s30], $0x4000, $0x38;
	[tilespmem:$0x1C100] =	vst v63  }
0x4c: {  	_ =	swait.ge [sflag:s25], $0x4000  }
0x4d: {  	[sflag:s25] =	ssyncset.done $0x0  }
0x4e: {  	s0 =	simm.s32 $0x0;
	[sflag:s25] =	ssyncadd.s32 $0xFFFFC000  }
0x4f: {  	v7 =	vld [tilespmem:s0+$0x4100]  }
0x50: {  	v12 =	vld [tilespmem:s0+$0x4110]  }
0x51: {  	v6 =	vld [tilespmem:s0+$0x4120]  }
0x52: {  	v5 =	vld [tilespmem:s0+$0x4130]  }
0x53: {  	v4 =	vld [tilespmem:s0+$0x4140]  }
0x54: {  	v3 =	vld [tilespmem:s0+$0x4150]  }
0x55: {  	v2 =	vld [tilespmem:s0+$0x4160]  }
0x56: {  	v1 =	vld [tilespmem:s0+$0x4170]  }
0x57: {  	v13 =	vld [tilespmem:s0+$0x100]  }
0x58: {  	v14 =	vld [tilespmem:s0+$0x110]  }
0x59: {  	v11 =	vld [tilespmem:s0+$0x120]  }
0x5a: {  	v10 =	vld [tilespmem:s0+$0x130]  }
0x5b: {  	v9 =	vld [tilespmem:s0+$0x140]  }
0x5c: {  	v8 =	vld [tilespmem:s0+$0x150];
	v13 =	vadd.f32 v7, v13  }
0x5d: {  	s3 =	simm.s32 $0x200;
	v12 =	vadd.f32 v12, v14;
	v7 =	vld [tilespmem:s0+$0x160]  }
.LBB2_5:
0x5e: {  	s10 =	sshra.s32 s3, $0x2;
	p0 =	sne.s32 s3, $0xFE00;
	v13 =	vmax.f32 v13, $0.0e+00;
	v6 =	vadd.f32 v6, v11;
	v11 =	vld [tilespmem:s0+$0x170]  }
0x5f: {  	v14 =	vld [tilespmem:s10+$0x4100];
	[tilespmem:s0+$0x100] =	vst v13;
	v12 =	vmax.f32 v12, $0.0e+00;
	v5 =	vadd.f32 v5, v10  }
0x60: {  	v15 =	vld [tilespmem:s10+$0x4110];
	[tilespmem:s0+$0x110] =	vst v12;
	v10 =	vmax.f32 v6, $0.0e+00;
	v4 =	vadd.f32 v4, v9  }
0x61: {  	v6 =	vld [tilespmem:s10+$0x4120];
	[tilespmem:s0+$0x120] =	vst v10;
	v9 =	vmax.f32 v5, $0.0e+00;
	v3 =	vadd.f32 v3, v8  }
0x62: {  	v5 =	vld [tilespmem:s10+$0x4130];
	[tilespmem:s0+$0x130] =	vst v9;
	v8 =	vmax.f32 v4, $0.0e+00;
	v2 =	vadd.f32 v2, v7  }
0x63: {  	v4 =	vld [tilespmem:s10+$0x4140];
	[tilespmem:s0+$0x140] =	vst v8;
	v7 =	vmax.f32 v3, $0.0e+00;
	v1 =	vadd.f32 v1, v11  }
0x64: {  	v3 =	vld [tilespmem:s10+$0x4150];
	[tilespmem:s0+$0x150] =	vst v7;
	v7 =	vmax.f32 v2, $0.0e+00  }
0x65: {  	v2 =	vld [tilespmem:s10+$0x4160];
	[tilespmem:s0+$0x160] =	vst v7;
	v7 =	vmax.f32 v1, $0.0e+00  }
0x66: {  	v1 =	vld [tilespmem:s10+$0x4170];
	[tilespmem:s0+$0x170] =	vst v7;
	s0 =	smov.u32 s10  }
0x67: {  	v7 =	vld [tilespmem:s0+$0x100]  }
0x68: {  	v12 =	vld [tilespmem:s0+$0x110]  }
.Ltmp1:
0x69: {  	v11 =	vld [tilespmem:s0+$0x120];
	(pc) =	sbr.rel @p0 .LBB2_5-.Ltmp1, $4  }
0x6a: {  	v10 =	vld [tilespmem:s0+$0x130]  }
0x6b: {  	v9 =	vld [tilespmem:s0+$0x140]  }
0x6c: {  	v13 =	vadd.f32 v14, v7;
	v8 =	vld [tilespmem:s0+$0x150]  }
0x6d: {  	s3 =	sadd.s32 $0x200, s3;
	v12 =	vadd.f32 v15, v12;
	v7 =	vld [tilespmem:s0+$0x160]  }
0x6e: {  	v13 =	vmax.f32 v13, $0.0e+00;
	v6 =	vadd.f32 v6, v11;
	v63 =	vld [tilespmem:s0+$0x170]  }
0x6f: {  	[tilespmem:s0+$0x100] =	vst v13;
	v12 =	vmax.f32 v12, $0.0e+00;
	v5 =	vadd.f32 v5, v10  }
0x70: {  	[tilespmem:s0+$0x110] =	vst v12;
	v6 =	vmax.f32 v6, $0.0e+00;
	v4 =	vadd.f32 v4, v9  }
0x71: {  	[tilespmem:s0+$0x120] =	vst v6;
	v5 =	vmax.f32 v5, $0.0e+00;
	v3 =	vadd.f32 v3, v8  }
0x72: {  	[tilespmem:s0+$0x130] =	vst v5;
	v4 =	vmax.f32 v4, $0.0e+00;
	v2 =	vadd.f32 v2, v7  }
0x73: {  	[tilespmem:s0+$0x140] =	vst v4;
	v3 =	vmax.f32 v3, $0.0e+00;
	v1 =	vadd.f32 v1, v63  }
0x74: {  	s31 =	sadd.s32 $0x1, s31;
	[tilespmem:s0+$0x150] =	vst v3;
	v2 =	vmax.f32 v2, $0.0e+00  }
0x75: {  	p0 =	sne.s32 s31, $0x50;
	[tilespmem:s0+$0x160] =	vst v2;
	v1 =	vmax.f32 v1, $0.0e+00  }
.Ltmp2:
0x76: {  	[tilespmem:s0+$0x170] =	vst v1;
	(pc) =	sbr.rel @p0 .LBB2_4-.Ltmp2, $4  }
0x77: {  	[spmem:s1] =	stream.indirect.scatter.add.f32 [tilespmem:s24], [sflag:$0x1], $0x80, s26, s26, $0xb8;
	[tilespmem:$0x1C100] =	vst v63  }
0x78: {  	_ =	swait.ge [sflag:s25], $0x4000  }
0x79: {  	[sflag:s25] =	ssyncset.done $0x0  }
0x7a: {  	[sflag:s25] =	ssyncadd.s32 $0xFFFFC000  }
0x7b: {  	[bflag:$0x0] =	sbarrier.arrive $0xFFFF  }
0x7c: {  	[tilespmem:s24], [sflag:$0x1] =	stream.linear.gather [spmem:s9], $0x4000, $0x38;
	[tilespmem:$0x1C100] =	vst v63  }
0x7d: {  	_ =	swait.ge [sflag:s25], $0x4000  }
0x7e: {  	[sflag:s25] =	ssyncset.done $0x0  }
0x7f: {  	[sflag:s25] =	ssyncadd.s32 $0xFFFFC000  }
0x80: {  	[hbm4b:s15+s2] =	stream.linear.scatter [tilespmem:s24], [sflag:$0x1], $0x4000, $0x38;
	[tilespmem:$0x1C100] =	vst v63  }
0x81: {  	_ =	swait.ge [sflag:s25], $0x4000  }
0x82: {  	[sflag:s25] =	ssyncset.done $0x0  }
0x83: {  	[sflag:s25] =	ssyncadd.s32 $0xFFFFC000  }
0x84: {  	[tilespmem:s24], [sflag:$0x1] =	stream.linear.gather [spmem:s16], $0x4000, $0x38;
	[tilespmem:$0x1C100] =	vst v63  }
0x85: {  	_ =	swait.ge [sflag:s25], $0x4000  }
0x86: {  	[sflag:s25] =	ssyncset.done $0x0  }
0x87: {  	[sflag:s25] =	ssyncadd.s32 $0xFFFFC000  }
0x88: {  	[hbm4b:s17+s2] =	stream.linear.scatter [tilespmem:s24], [sflag:$0x1], $0x4000, $0x38;
	[tilespmem:$0x1C100] =	vst v63  }
0x89: {  	_ =	swait.ge [sflag:s25], $0x4000  }
0x8a: {  	[sflag:s25] =	ssyncset.done $0x0  }
0x8b: {  	[sflag:s25] =	ssyncadd.s32 $0xFFFFC000  }
0x8c: {  	[tilespmem:s24], [sflag:$0x1] =	stream.linear.gather [spmem:s18], $0x4000, $0x38;
	[tilespmem:$0x1C100] =	vst v63  }
0x8d: {  	_ =	swait.ge [sflag:s25], $0x4000  }
0x8e: {  	[sflag:s25] =	ssyncset.done $0x0  }
0x8f: {  	[sflag:s25] =	ssyncadd.s32 $0xFFFFC000  }
0x90: {  	[hbm4b:s19+s2] =	stream.linear.scatter [tilespmem:s24], [sflag:$0x1], $0x4000, $0x38;
	[tilespmem:$0x1C100] =	vst v63  }
0x91: {  	_ =	swait.ge [sflag:s25], $0x4000  }
0x92: {  	[sflag:s25] =	ssyncset.done $0x0  }
0x93: {  	[sflag:s25] =	ssyncadd.s32 $0xFFFFC000  }
0x94: {  	[tilespmem:s24], [sflag:$0x1] =	stream.linear.gather [spmem:s20], $0x4000, $0x38;
	[tilespmem:$0x1C100] =	vst v63  }
0x95: {  	_ =	swait.ge [sflag:s25], $0x4000  }
0x96: {  	[sflag:s25] =	ssyncset.done $0x0  }
0x97: {  	[sflag:s25] =	ssyncadd.s32 $0xFFFFC000  }
0x98: {  	[hbm4b:s21+s2] =	stream.linear.scatter [tilespmem:s24], [sflag:$0x1], $0x4000, $0x38;
	[tilespmem:$0x1C100] =	vst v63  }
0x99: {  	_ =	swait.ge [sflag:s25], $0x4000  }
0x9a: {  	[sflag:s25] =	ssyncset.done $0x0  }
0x9b: {  	[sflag:s25] =	ssyncadd.s32 $0xFFFFC000  }
0x9c: {  	[tilespmem:s24], [sflag:$0x1] =	stream.linear.gather [spmem:s22], $0x4000, $0x38;
	[tilespmem:$0x1C100] =	vst v63  }
0x9d: {  	_ =	swait.ge [sflag:s25], $0x4000  }
0x9e: {  	[sflag:s25] =	ssyncset.done $0x0  }
0x9f: {  	[sflag:s25] =	ssyncadd.s32 $0xFFFFC000  }
0xa0: {  	[hbm4b:s23+s2] =	stream.linear.scatter [tilespmem:s24], [sflag:$0x1], $0x4000, $0x38;
	[tilespmem:$0x1C100] =	vst v63  }
0xa1: {  	_ =	swait.ge [sflag:s25], $0x4000  }
0xa2: {  	s29 =	sadd.s32 $0x1, s29;
	s0 =	rddreg [dreg:$0x3]  }
0xa3: {  	p0 =	sne.s32 s29, s0  }
.Ltmp3:
0xa4: {  	_ = 	snop;
	(pc) =	sbr.rel @p0 .LBB2_1-.Ltmp3, $3  }
0xa5: {  	_ =	sdelay $0x1  }
0xa6: {  	[sflag:s25] =	ssyncset.done $0x0  }
0xa7: {  	[sflag:s25] =	ssyncadd.s32 $0xFFFFC000  }
0xa8: {  	_ =	sfence.sel $0x180000  }
0xa9: {  	[bflag:$0x0] =	sbarrier.arrive $0xFFFF  }
0xaa: {  	_ =	strace $0x9000004A  }
0xab: {  	s0 =	stileid.u32;
	[bflag:$0x2] =	sbarrier.arrive $0xFFFF  }
0xac: {  	p0 =	sne.s32 s0, $0x0;
	s0 =	rddreg [dreg:$0x2]  }
0xad: {  	s0 =	sadd.s32 @!p0 $0x100000, s0  }
0xae: {  	[sflag:s0] =	ssyncadd.tile.s32 @!p0 $0x1;
	_ =	shalt  }
.Lfunc_end2:
_tile_overlayer_lowered:
.L_overlay_start_2:
0xaf: {  	(tag) =	ssettag $0x2  }
0xb0: {  	s0 =	rddreg [dreg:$0x0];
	s2 =	stileid.u32  }
0xb1: {  	s1 =	rddreg [dreg:$0x1];
	p0 =	sne.s32 s2, $0x0  }
0xb2: {  	s3 =	rddreg [dreg:$0x2];
	[bflag:$0x3] =	sbarrier.arrive $0xFFFF;
	s2 =	simm.s32 @!p0 $0x1C01  }
0xb3: {  	[timem:s3], [sflag:s2] =	dma.local @!p0 [hbm:s0], s1  }
0xb4: {  	s0 =	simm.s32 @!p0 $0x1  }
0xb5: {  	_ =	swait.ge @!p0 [sflag:s0], s1  }
0xb6: {  	s1 =	ssub.s32 @!p0 $0x0, s1;
	[sflag:s0] =	ssyncset.done @!p0 $0x0  }
0xb7: {  	[sflag:s0] =	ssyncadd.s32 @!p0 s1  }
0xb8: {  	[bflag:$0x3] =	sbarrier.arrive $0xFFFF  }
0xb9: {  	_ =	shalt  }

// kernel: kernel.16.cloned.1.call-start
scs
__scs_entry_jumppad:
0x0: {  	(pc) =	sbr.rel $0x88, $3  }
0x1: {  	(tag) =	ssettag $0x0;
	lr =	simm.s32 $0x1  }
0x2: {  	[smem:$0x3F91] =	sst lr;
	_ =	strace $0xD0000000  }
0x3: {  	_ = 	snop  }
0x4: {  	_ = 	snop  }
0x5: {  	_ = 	snop  }
0x6: {  	_ = 	snop  }
0x7: {  	_ = 	snop  }
__scs_overlays_trampoline_lowered:
0x8: {  	[smem:$0x3FA0] =	sst s0  }
0x9: {  	[smem:$0x3FA1] =	sst s1  }
0xa: {  	[smem:$0x3FA2] =	sst s2  }
0xb: {  	[smem:$0x3FA3] =	sst s3  }
0xc: {  	[smem:$0x3FA4] =	sst s4  }
0xd: {  	[smem:$0x3FA5] =	sst s5  }
0xe: {  	[smem:$0x3FA6] =	sst s6  }
0xf: {  	[smem:$0x3FA7] =	sst s7  }
0x10: {  	[smem:$0x3FA8] =	sst s8  }
0x11: {  	[smem:$0x3FA9] =	sst s9;
	s0 =	simm.s32 @!p0 $0x0  }
0x12: {  	s1 =	sld [smem:$0x3F8F];
	s0 =	simm.s32 @p0 $0x1  }
0x13: {  	[smem:$0x3FAA] =	sst s0;
	s0 =	simm.s32 @!p1 $0x0  }
0x14: {  	s2 =	sld [smem:$0x3F8E];
	s0 =	simm.s32 @p1 $0x1  }
0x15: {  	[smem:$0x3FAB] =	sst s0;
	s0 =	simm.s32 @!p2 $0x0  }
0x16: {  	s3 =	sld [smem:$0x3FDB];
	s0 =	simm.s32 @p2 $0x1  }
0x17: {  	s4 =	simm.s32 $0x1BF5;
	[smem:$0x3FAD] =	sst s0  }
0x18: {  	s0 =	sld [smem:$0x3F90];
	_ =	swait.ge [sflag:s4], $0x0  }
0x19: {  	s7 =	sld [smem:$0x3F91]  }
0x1a: {  	s8 =	sadd.s32 $0xFFFFE003, lr  }
0x1b: {  	s9 =	sadd.s32 $0xFFFFFEF7, lr;
	s5 =	simm.s32 $0xFFFFFFFF;
	p2 =	slt.u32 s8, $0xFFFFF086  }
0x1c: {  	p1 =	slt.u32 s9, $0xF7A;
	s5 =	simm.s32 @!p2 $0x0  }
0x1d: {  	s5 =	simm.s32 @p1 $0x1;
	p0 =	seq.s32 s7, s2  }
0x1e: {  	s7 =	smul.u32 @!p0 $0xF7A, s2;
	p2 =	seq.s32 @!p0 s5, $0x0  }
0x1f: {  	s9 =	smul.u32 $0xF7A, s1;
	s8 =	simm.s32 @!p0 $0x1BF5;
	p2 =	por !p2, p0  }
0x20: {  	[sflag:s8] =	ssyncset.s32 @!p0 $0xFFFFF086;
	s6 =	sadd.s32 @!p0 s3, s7;
	s7 =	simm.s32 @!p0 $0x108  }
0x21: {  	s3 =	sadd.s32 s3, s9;
	s6 =	sadd.s32 @!p0 $0x88, s6;
	s7 =	simm.s32 @p2 $0x1082  }
0x22: {  	[simem:s7], [sflag:s8] =	dma.local @!p0 [hbm:s6], $0xF7A  }
0x23: {  	s9 =	sor.u32 $0xD0000000, s2;
	s6 =	simm.s32 $0x108;
	_ =	swait.ge @!p0 [sflag:s8], $0x0  }
0x24: {  	s3 =	sadd.s32 $0x88, s3;
	s6 =	simm.s32 @!p1 $0x1082;
	[sflag:s4] =	ssyncset.s32 $0xFFFFF086  }
0x25: {  	[simem:s6], [sflag:s4] =	dma.local [hbm:s3], $0xF7A  }
0x26: {  	[smem:$0x3F91] =	sst s1;
	(tag) =	ssettag s2;
	_ =	strace s9  }
0x27: {  	s1 =	sld [smem:$0x3FA1]  }
0x28: {  	s2 =	sld [smem:$0x3FA2]  }
0x29: {  	s4 =	sld [smem:$0x3FA4]  }
0x2a: {  	p0 =	seq.s32 s5, $0x0;
	s5 =	sld [smem:$0x3FA5]  }
0x2b: {  	s6 =	sld [smem:$0x3FA6]  }
0x2c: {  	s7 =	sld [smem:$0x3FA7]  }
0x2d: {  	s3 =	simm.s32 $0x108;
	s8 =	sld [smem:$0x3FA8]  }
0x2e: {  	s3 =	simm.s32 @!p0 $0x1082;
	s9 =	sld [smem:$0x3FA9]  }
0x2f: {  	lr =	sadd.s32 s0, s3;
	s0 =	sld [smem:$0x3FA0]  }
0x30: {  	s3 =	sld [smem:$0x3FA3]  }
0x31: {  	[smem:$0x3FAC] =	sst s10  }
0x32: {  	s10 =	sld [smem:$0x3FAA];
	_ =	sdelay $0x3  }
0x33: {  	p0 =	seq.s32 s10, $0x1;
	s10 =	sld [smem:$0x3FAC];
	_ =	sdelay $0x3  }
0x34: {  	[smem:$0x3FAC] =	sst s10  }
0x35: {  	s10 =	sld [smem:$0x3FAB];
	_ =	sdelay $0x3  }
0x36: {  	p1 =	seq.s32 s10, $0x1;
	s10 =	sld [smem:$0x3FAC];
	_ =	sdelay $0x3  }
0x37: {  	[smem:$0x3FAC] =	sst s10  }
0x38: {  	s10 =	sld [smem:$0x3FAD]  }
0x39: {  	_ = 	snop;
	(pc) =	sbr.ind lr, $3  }
0x3a: {  	_ = 	snop  }
0x3b: {  	_ = 	snop  }
0x3c: {  	p2 =	seq.s32 s10, $0x1;
	s10 =	sld [smem:$0x3FAC]  }
0x3d: {  	_ =	shalt  }
0x3e: {  	_ =	shalt  }
0x3f: {  	_ =	shalt  }
0x40: {  	_ =	shalt  }
0x41: {  	_ =	shalt  }
0x42: {  	_ =	shalt  }
0x43: {  	_ =	shalt  }
0x44: {  	_ =	shalt  }
0x45: {  	_ =	shalt  }
0x46: {  	_ =	shalt  }
0x47: {  	_ =	shalt  }
0x48: {  	_ =	shalt  }
0x49: {  	_ =	shalt  }
0x4a: {  	_ =	shalt  }
0x4b: {  	_ =	shalt  }
0x4c: {  	_ =	shalt  }
0x4d: {  	_ =	shalt  }
0x4e: {  	_ =	shalt  }
0x4f: {  	_ =	shalt  }
0x50: {  	_ =	shalt  }
0x51: {  	_ =	shalt  }
0x52: {  	_ =	shalt  }
0x53: {  	_ =	shalt  }
0x54: {  	_ =	shalt  }
0x55: {  	_ =	shalt  }
0x56: {  	_ =	shalt  }
0x57: {  	_ =	shalt  }
0x58: {  	_ =	shalt  }
0x59: {  	_ =	shalt  }
0x5a: {  	_ =	shalt  }
0x5b: {  	_ =	shalt  }
0x5c: {  	_ =	shalt  }
0x5d: {  	_ =	shalt  }
0x5e: {  	_ =	shalt  }
0x5f: {  	_ =	shalt  }
0x60: {  	_ =	shalt  }
0x61: {  	_ =	shalt  }
0x62: {  	_ =	shalt  }
0x63: {  	_ =	shalt  }
0x64: {  	_ =	shalt  }
0x65: {  	_ =	shalt  }
0x66: {  	_ =	shalt  }
0x67: {  	_ =	shalt  }
0x68: {  	_ =	shalt  }
0x69: {  	_ =	shalt  }
0x6a: {  	_ =	shalt  }
0x6b: {  	_ =	shalt  }
0x6c: {  	_ =	shalt  }
0x6d: {  	_ =	shalt  }
0x6e: {  	_ =	shalt  }
0x6f: {  	_ =	shalt  }
0x70: {  	_ =	shalt  }
0x71: {  	_ =	shalt  }
0x72: {  	_ =	shalt  }
0x73: {  	_ =	shalt  }
0x74: {  	_ =	shalt  }
0x75: {  	_ =	shalt  }
0x76: {  	_ =	shalt  }
0x77: {  	_ =	shalt  }
0x78: {  	_ =	shalt  }
0x79: {  	_ =	shalt  }
0x7a: {  	_ =	shalt  }
0x7b: {  	_ =	shalt  }
0x7c: {  	_ =	shalt  }
0x7d: {  	_ =	shalt  }
0x7e: {  	_ =	shalt  }
0x7f: {  	_ =	shalt  }
0x80: {  	_ =	shalt  }
0x81: {  	_ =	shalt  }
0x82: {  	_ =	shalt  }
0x83: {  	_ =	shalt  }
0x84: {  	_ =	shalt  }
0x85: {  	_ =	shalt  }
0x86: {  	_ =	shalt  }
0x87: {  	_ =	shalt  }
.Lfunc_end0:
.L_simem_size_0:
called_computation.2_lowered:
.L_overlay_start_0:
0x88: {  	s2 =	sld [smem:$0x3FD9]  }
0x89: {  	s3 =	sld [smem:$0x3FFE];
	_ =	sdelay $0x1  }
0x8a: {  	s1 =	srdreg.scid  }
0x8b: {  	s0 =	sand.u32 $0x1, s1  }
0x8c: {  	s16 =	sshll.u32 s0, $0xA;
	s2 =	sadd.s32 s3, s2  }
0x8d: {  	s2 =	sadd.s32 s2, s16  }
0x8e: {  	[smem:$0x3FB8] =	sst s2  }
0x8f: {  	_ = 	snop  }
0x90: {  	(tm) =	ssettm $0x1  }
0x91: {  	s17 =	sld [smem:$0x3FFB];
	_ =	sdelay $0x3  }
0x92: {  	_ =	strace s17  }
0x93: {  	s2 =	sld [smem:$0x3FFC];
	_ =	sdelay $0x3  }
0x94: {  	_ =	strace s2  }
0x95: {  	s2 =	sld [smem:$0x3FFD];
	_ =	sdelay $0x3  }
0x96: {  	_ =	strace s2  }
0x97: {  	_ =	strace $0x8FFFFFFF  }
0x98: {  	s18 =	sld [smem:$0x3FDB];
	_ =	sdelay $0x1  }
0x99: {  	s19 =	simm.s32 $_scs_section_size  }
0x9a: {  	s4 =	simm.s32 $_size__tile_overlayer_lowered;
	s5 =	simm.s32 $_tile_overlayer_lowered  }
0x9b: {  	s22 =	simm.s32 $0x1BFF;
	s21 =	sshll.u32 s5, $0x1;
	s2 =	sadd.s32 s19, s18  }
0x9c: {  	s6 =	simm.s32 $0x0;
	s20 =	sshll.u32 s4, $0x1;
	s4 =	sadd.s32 s21, s2  }
0x9d: {  	[timem:s6], [sflag:s22] =	dma.local [hbm:s4], s20  }
0x9e: {  	_ =	swait.ge [sflag:s22], s20  }
0x9f: {  	s3 =	ssub.s32 $0x0, s20;
	[sflag:s22] =	ssyncset.done $0x0  }
0xa0: {  	[sflag:s22] =	ssyncadd.s32 s3;
	_ =	sdelay $0x1  }
0xa1: {  	s23 =	simm.s32 $0x1B8B  }
0xa2: {  	_ =	swait.ge [sflag:s23], $0x1  }
0xa3: {  	[sflag:s23] =	ssyncset.done $0x0  }
0xa4: {  	s25 =	simm.s32 $0x1B8E;
	s24 =	sld [smem:$0x3FFE];
	[sflag:s23] =	ssyncadd.s32 $0xFFFFFFFF  }
0xa5: {  	s26 =	simm.s32 $execute0_lowered;
	[smem:$0x3FD2] =	sst s25  }
0xa6: {  	s4 =	sshll.u32 s26, $0x1;
	_ =	strace $0x8000004C;
	[dreg:$0x1] =	wrdreg $0xFFFFFFFF  }
0xa7: {  	s28 =	simm.s32 $_size_execute0_lowered;
	s2 =	sadd.s32 s2, s4;
	[dreg:$0x0] =	wrdreg $0x0  }
0xa8: {  	s4 =	sshll.u32 s28, $0x1;
	[dreg:$0x2] =	wrdreg s2  }
0xa9: {  	[dreg:$0x3] =	wrdreg s4  }
0xaa: {  	[dreg:$0x4] =	wrdreg $0xC0  }
0xab: {  	_ =	task [dreg:s6], $0x5FFFF  }
0xac: {  	[dreg:$0x1] =	wrdreg $0xFFFFFFFF  }
0xad: {  	[dreg:$0x0] =	wrdreg $0x60  }
0xae: {  	[dreg:$0x2] =	wrdreg s24  }
0xaf: {  	[dreg:$0x3] =	wrdreg $0x81000  }
0xb0: {  	[dreg:$0x4] =	wrdreg $0x9  }
0xb1: {  	_ =	task.clear_ibuf [dreg:s6], $0x5FFFF;
	_ =	strace $0x9000004C  }
0xb2: {  	s29 =	simm.s32 $0x9;
	_ =	strace $0x8000004E  }
0xb3: {  	_ =	swait.ge [sflag:s29], $0x1  }
0xb4: {  	[sflag:s29] =	ssyncadd.s32 $0xFFFFFFFF  }
0xb5: {  	_ =	strace $0x9000004E  }
0xb6: {  	_ =	sfence  }
0xb7: {  	s30 =	sld [smem:$0x0];
	_ =	sdelay $0x2  }
0xb8: {  	s31 =	sshll.u32 s1, $0xD;
	s1 =	sshrl.u32 s1, $0x2  }
0xb9: {  	s3 =	sand.u32 $0x4000, s31;
	s1 =	sadd.s32 s1, s30  }
0xba: {  	s0 =	sor.u32 s3, s0;
	s1 =	sshll.u32 s1, $0x11  }
0xbb: {  	s0 =	sor.u32 s1, s0  }
0xbc: {  	s0 =	sadd.s32 $0x8F2B, s0  }
0xbd: {  	[sflag:s0] =	ssyncadd.remote.s32 $0x1  }
0xbe: {  	_ =	sfence.sel $0xFFFF  }
0xbf: {  	[dreg:$0x0] =	wrdreg $0xFFFFFFFF;
	(pc) =	sbr.abs _section_cstart, $3  }
0xc0: {  	[dreg:$0x1] =	wrdreg $0xFFFFFFFF  }
0xc1: {  	_ =	task.clear_ibuf [dreg:s6], $0x2FFFF;
	_ =	strace $0x9FFFFFFF  }
0xc2: {  	(tm) =	ssettm $0x7FFFFFFF  }
0xc3: {  	_ =	shalt  }
tec
execute0_lowered:
.L_overlay_start_1:
0x0: {  	(tag) =	ssettag $0x1  }
0x1: {  	s0 =	rddreg [dreg:$0x0]  }
0x2: {  	s1 =	rddreg [dreg:$0x1]  }
0x3: {  	s2 =	simm.s32 $0x0;
	s3 =	srdreg.scid;
	s12 =	stileid.u32  }
0x4: {  	s24 =	simm.s32 $0x100;
	s25 =	simm.s32 $0x1;
	s26 =	simm.s32 $0x80  }
0x5: {  	s28 =	simm.s32 $0x4100;
	s29 =	simm.s32 $0x0;
	s30 =	simm.s32 $0x0  }
0x6: {  	[smem:$0x7FF] =	sst s2;
	s4 =	sadd.s32 $0x18C00, s0;
	s5 =	sadd.s32 $0x4C00, s0  }
0x7: {  	s3 =	sand.u32 $0x1, s3;
	s6 =	sadd.s32 $0xEC00, s0;
	s9 =	smul.u32 $0x50000, s12  }
0x8: {  	s7 =	sadd.s32 $0x13E6C00, s0;
	s0 =	sadd.s32 $0x6BC00, s0;
	s20 =	smul.u32 $0x14000, s12  }
0x9: {  	_ =	strace $0x8000004D;
	s8 =	sshll.u32 s3, $0x4;
	s10 =	ssub.s32 $0x2, s3  }
0xa: {  	s3 =	smul.u32 $0x140000, s3;
	s8 =	sor.u32 s12, s8;
	s11 =	sshrl.u32 s10, $0x1  }
0xb: {  	s9 =	sshrl.u32 s9, $0x2;
	s16 =	sadd.s32 $0x4000, s20;
	s18 =	sadd.s32 $0x8000, s20  }
0xc: {  	s21 =	sadd.s32 $0xC000, s20;
	s23 =	sadd.s32 $0x10000, s20;
	s8 =	smul.u32 $0x50, s8  }
0xd: {  	s10 =	ssub.s32 s10, s11;
	s9 =	sadd.s32 s9, s1;
	s15 =	sadd.s32 s3, s20  }
0xe: {  	s17 =	sadd.s32 s3, s16;
	s16 =	sadd.s32 s16, s1;
	s19 =	sadd.s32 s3, s18  }
0xf: {  	s18 =	sadd.s32 s18, s1;
	s22 =	sadd.s32 s3, s21;
	s20 =	sadd.s32 s21, s1  }
0x10: {  	s3 =	sadd.s32 s3, s23;
	s10 =	smax.u32 s10, $0x1;
	s11 =	sadd.s32 $0x4000, s9  }
0x11: {  	s12 =	sadd.s32 $0x8000, s9;
	s13 =	sadd.s32 $0xC000, s9;
	s14 =	sadd.s32 $0x10000, s9  }
0x12: {  	s15 =	sshrl.u32 s15, $0x3;
	s17 =	sshrl.u32 s17, $0x3;
	s19 =	sshrl.u32 s19, $0x3  }
0x13: {  	s31 =	sshrl.u32 s22, $0x3;
	s22 =	sadd.s32 s23, s1;
	s3 =	sshrl.u32 s3, $0x3  }
0x14: {  	[dreg:$0x3] =	wrdreg s10;
	s15 =	sadd.s32 s0, s15;
	s17 =	sadd.s32 s0, s17  }
0x15: {  	v0 =	vimm.f32 $0.0e+00;
	s19 =	sadd.s32 s0, s19;
	s21 =	sadd.s32 s0, s31;
	s23 =	sadd.s32 s0, s3  }
.LBB2_1:
0x16: {  	s0 =	simm.s32 $0x0;
	s3 =	simm.s32 $0x200  }
.LBB2_2:
0x17: {  	p0 =	sne.s32 s3, $0xFE00;
	[tilespmem:s0+$0x170] =	vst v0  }
0x18: {  	[tilespmem:s0+$0x100] =	vst v0  }
0x19: {  	[tilespmem:s0+$0x110] =	vst v0  }
.Ltmp0:
0x1a: {  	[tilespmem:s0+$0x120] =	vst v0;
	(pc) =	sbr.rel @p0 .LBB2_2-.Ltmp0, $4  }
0x1b: {  	[tilespmem:s0+$0x130] =	vst v0  }
0x1c: {  	[tilespmem:s0+$0x140] =	vst v0  }
0x1d: {  	[tilespmem:s0+$0x150] =	vst v0  }
0x1e: {  	[tilespmem:s0+$0x160] =	vst v0;
	s0 =	sshra.s32 s3, $0x2;
	s3 =	sadd.s32 $0x200, s3  }
0x1f: {  	[tilespmem:s0+$0x170] =	vst v0  }
0x20: {  	[tilespmem:s0+$0x100] =	vst v0  }
0x21: {  	[tilespmem:s0+$0x110] =	vst v0  }
0x22: {  	[tilespmem:s0+$0x120] =	vst v0  }
0x23: {  	[tilespmem:s0+$0x130] =	vst v0  }
0x24: {  	[tilespmem:s0+$0x140] =	vst v0  }
0x25: {  	[tilespmem:s0+$0x150] =	vst v0  }
0x26: {  	[tilespmem:s0+$0x160] =	vst v0  }
0x27: {  	[spmem:s9] =	stream.linear.scatter [tilespmem:s24], [sflag:$0x1], $0x4000, $0x38;
	[tilespmem:$0x1C100] =	vst v63  }
0x28: {  	_ =	swait.ge [sflag:s25], $0x4000  }
0x29: {  	[sflag:s25] =	ssyncset.done $0x0  }
0x2a: {  	[sflag:s25] =	ssyncadd.s32 $0xFFFFC000  }
0x2b: {  	[spmem:s11] =	stream.linear.scatter [tilespmem:s24], [sflag:$0x1], $0x4000, $0x38;
	[tilespmem:$0x1C100] =	vst v63  }
0x2c: {  	_ =	swait.ge [sflag:s25], $0x4000  }
0x2d: {  	[sflag:s25] =	ssyncset.done $0x0  }
0x2e: {  	[sflag:s25] =	ssyncadd.s32 $0xFFFFC000  }
0x2f: {  	[spmem:s12] =	stream.linear.scatter [tilespmem:s24], [sflag:$0x1], $0x4000, $0x38;
	[tilespmem:$0x1C100] =	vst v63  }
0x30: {  	_ =	swait.ge [sflag:s25], $0x4000  }
0x31: {  	[sflag:s25] =	ssyncset.done $0x0  }
0x32: {  	[sflag:s25] =	ssyncadd.s32 $0xFFFFC000  }
0x33: {  	[spmem:s13] =	stream.linear.scatter [tilespmem:s24], [sflag:$0x1], $0x4000, $0x38;
	[tilespmem:$0x1C100] =	vst v63  }
0x34: {  	_ =	swait.ge [sflag:s25], $0x4000  }
0x35: {  	[sflag:s25] =	ssyncset.done $0x0  }
0x36: {  	[sflag:s25] =	ssyncadd.s32 $0xFFFFC000  }
0x37: {  	[spmem:s14] =	stream.linear.scatter [tilespmem:s24], [sflag:$0x1], $0x4000, $0x38;
	[tilespmem:$0x1C100] =	vst v63  }
0x38: {  	_ =	swait.ge [sflag:s25], $0x4000  }
0x39: {  	[sflag:s25] =	ssyncset.done $0x0  }
0x3a: {  	[sflag:s25] =	ssyncadd.s32 $0xFFFFC000  }
0x3b: {  	s31 =	simm.s32 $0x0;
	[bflag:$0x0] =	sbarrier.arrive $0xFFFF  }
.LBB2_4:
0x3c: {  	s0 =	sadd.s32 s8, s31  }
0x3d: {  	s3 =	sshll.u32 s0, $0x4  }
0x3e: {  	s10 =	sadd.s32 s5, s3  }
0x3f: {  	[tilespmem:s30], [sflag:$0x1] =	stream.linear.gather [hbm4b:s10+s30], $0x80, $0x38;
	[tilespmem:$0x1C100] =	vst v63  }
0x40: {  	_ =	swait.ge [sflag:s25], $0x80  }
0x41: {  	[sflag:s25] =	ssyncset.done $0x0  }
0x42: {  	s3 =	sadd.s32 s6, s3;
	[sflag:s25] =	ssyncadd.s32 $0xFFFFFF80  }
0x43: {  	[tilespmem:s26], [sflag:$0x1] =	stream.linear.gather [hbm4b:s3+s30], $0x80, $0x38;
	[tilespmem:$0x1C100] =	vst v63  }
0x44: {  	_ =	swait.ge [sflag:s25], $0x80  }
0x45: {  	[sflag:s25] =	ssyncset.done $0x0  }
0x46: {  	[sflag:s25] =	ssyncadd.s32 $0xFFFFFF80  }
0x47: {  	[tilespmem:s24], [sflag:$0x1] =	stream.indirect.gather [hbm4b:s4+s26], $0x80, s30, s26, $0xb8;
	[tilespmem:$0x1C100] =	vst v63  }
0x48: {  	_ =	swait.ge [sflag:s25], $0x4000  }
0x49: {  	s0 =	sshll.u32 s0, $0xB;
	[sflag:s25] =	ssyncset.done $0x0  }
0x4a: {  	s0 =	sadd.s32 s7, s0;
	[sflag:s25] =	ssyncadd.s32 $0xFFFFC000  }
0x4b: {  	[tilespmem:s28], [sflag:$0x1] =	stream.linear.gather [hbm4b:s0+s30], $0x4000, $0x38;
	[tilespmem:$0x1C100] =	vst v63  }
0x4c: {  	_ =	swait.ge [sflag:s25], $0x4000  }
0x4d: {  	[sflag:s25] =	ssyncset.done $0x0  }
0x4e: {  	s0 =	simm.s32 $0x0;
	[sflag:s25] =	ssyncadd.s32 $0xFFFFC000  }
0x4f: {  	v7 =	vld [tilespmem:s0+$0x4100]  }
0x50: {  	v12 =	vld [tilespmem:s0+$0x4110]  }
0x51: {  	v6 =	vld [tilespmem:s0+$0x4120]  }
0x52: {  	v5 =	vld [tilespmem:s0+$0x4130]  }
0x53: {  	v4 =	vld [tilespmem:s0+$0x4140]  }
0x54: {  	v3 =	vld [tilespmem:s0+$0x4150]  }
0x55: {  	v2 =	vld [tilespmem:s0+$0x4160]  }
0x56: {  	v1 =	vld [tilespmem:s0+$0x4170]  }
0x57: {  	v13 =	vld [tilespmem:s0+$0x100]  }
0x58: {  	v14 =	vld [tilespmem:s0+$0x110]  }
0x59: {  	v11 =	vld [tilespmem:s0+$0x120]  }
0x5a: {  	v10 =	vld [tilespmem:s0+$0x130]  }
0x5b: {  	v9 =	vld [tilespmem:s0+$0x140]  }
0x5c: {  	v8 =	vld [tilespmem:s0+$0x150];
	v13 =	vadd.f32 v7, v13  }
0x5d: {  	s3 =	simm.s32 $0x200;
	v12 =	vadd.f32 v12, v14;
	v7 =	vld [tilespmem:s0+$0x160]  }
.LBB2_5:
0x5e: {  	s10 =	sshra.s32 s3, $0x2;
	p0 =	sne.s32 s3, $0xFE00;
	v13 =	vmax.f32 v13, $0.0e+00;
	v6 =	vadd.f32 v6, v11;
	v11 =	vld [tilespmem:s0+$0x170]  }
0x5f: {  	v14 =	vld [tilespmem:s10+$0x4100];
	[tilespmem:s0+$0x100] =	vst v13;
	v12 =	vmax.f32 v12, $0.0e+00;
	v5 =	vadd.f32 v5, v10  }
0x60: {  	v15 =	vld [tilespmem:s10+$0x4110];
	[tilespmem:s0+$0x110] =	vst v12;
	v10 =	vmax.f32 v6, $0.0e+00;
	v4 =	vadd.f32 v4, v9  }
0x61: {  	v6 =	vld [tilespmem:s10+$0x4120];
	[tilespmem:s0+$0x120] =	vst v10;
	v9 =	vmax.f32 v5, $0.0e+00;
	v3 =	vadd.f32 v3, v8  }
0x62: {  	v5 =	vld [tilespmem:s10+$0x4130];
	[tilespmem:s0+$0x130] =	vst v9;
	v8 =	vmax.f32 v4, $0.0e+00;
	v2 =	vadd.f32 v2, v7  }
0x63: {  	v4 =	vld [tilespmem:s10+$0x4140];
	[tilespmem:s0+$0x140] =	vst v8;
	v7 =	vmax.f32 v3, $0.0e+00;
	v1 =	vadd.f32 v1, v11  }
0x64: {  	v3 =	vld [tilespmem:s10+$0x4150];
	[tilespmem:s0+$0x150] =	vst v7;
	v7 =	vmax.f32 v2, $0.0e+00  }
0x65: {  	v2 =	vld [tilespmem:s10+$0x4160];
	[tilespmem:s0+$0x160] =	vst v7;
	v7 =	vmax.f32 v1, $0.0e+00  }
0x66: {  	v1 =	vld [tilespmem:s10+$0x4170];
	[tilespmem:s0+$0x170] =	vst v7;
	s0 =	smov.u32 s10  }
0x67: {  	v7 =	vld [tilespmem:s0+$0x100]  }
0x68: {  	v12 =	vld [tilespmem:s0+$0x110]  }
.Ltmp1:
0x69: {  	v11 =	vld [tilespmem:s0+$0x120];
	(pc) =	sbr.rel @p0 .LBB2_5-.Ltmp1, $4  }
0x6a: {  	v10 =	vld [tilespmem:s0+$0x130]  }
0x6b: {  	v9 =	vld [tilespmem:s0+$0x140]  }
0x6c: {  	v13 =	vadd.f32 v14, v7;
	v8 =	vld [tilespmem:s0+$0x150]  }
0x6d: {  	s3 =	sadd.s32 $0x200, s3;
	v12 =	vadd.f32 v15, v12;
	v7 =	vld [tilespmem:s0+$0x160]  }
0x6e: {  	v13 =	vmax.f32 v13, $0.0e+00;
	v6 =	vadd.f32 v6, v11;
	v63 =	vld [tilespmem:s0+$0x170]  }
0x6f: {  	[tilespmem:s0+$0x100] =	vst v13;
	v12 =	vmax.f32 v12, $0.0e+00;
	v5 =	vadd.f32 v5, v10  }
0x70: {  	[tilespmem:s0+$0x110] =	vst v12;
	v6 =	vmax.f32 v6, $0.0e+00;
	v4 =	vadd.f32 v4, v9  }
0x71: {  	[tilespmem:s0+$0x120] =	vst v6;
	v5 =	vmax.f32 v5, $0.0e+00;
	v3 =	vadd.f32 v3, v8  }
0x72: {  	[tilespmem:s0+$0x130] =	vst v5;
	v4 =	vmax.f32 v4, $0.0e+00;
	v2 =	vadd.f32 v2, v7  }
0x73: {  	[tilespmem:s0+$0x140] =	vst v4;
	v3 =	vmax.f32 v3, $0.0e+00;
	v1 =	vadd.f32 v1, v63  }
0x74: {  	s31 =	sadd.s32 $0x1, s31;
	[tilespmem:s0+$0x150] =	vst v3;
	v2 =	vmax.f32 v2, $0.0e+00  }
0x75: {  	p0 =	sne.s32 s31, $0x50;
	[tilespmem:s0+$0x160] =	vst v2;
	v1 =	vmax.f32 v1, $0.0e+00  }
.Ltmp2:
0x76: {  	[tilespmem:s0+$0x170] =	vst v1;
	(pc) =	sbr.rel @p0 .LBB2_4-.Ltmp2, $4  }
0x77: {  	[spmem:s1] =	stream.indirect.scatter.add.f32 [tilespmem:s24], [sflag:$0x1], $0x80, s26, s26, $0xb8;
	[tilespmem:$0x1C100] =	vst v63  }
0x78: {  	_ =	swait.ge [sflag:s25], $0x4000  }
0x79: {  	[sflag:s25] =	ssyncset.done $0x0  }
0x7a: {  	[sflag:s25] =	ssyncadd.s32 $0xFFFFC000  }
0x7b: {  	[bflag:$0x0] =	sbarrier.arrive $0xFFFF  }
0x7c: {  	[tilespmem:s24], [sflag:$0x1] =	stream.linear.gather [spmem:s9], $0x4000, $0x38;
	[tilespmem:$0x1C100] =	vst v63  }
0x7d: {  	_ =	swait.ge [sflag:s25], $0x4000  }
0x7e: {  	[sflag:s25] =	ssyncset.done $0x0  }
0x7f: {  	[sflag:s25] =	ssyncadd.s32 $0xFFFFC000  }
0x80: {  	[hbm4b:s15+s2] =	stream.linear.scatter [tilespmem:s24], [sflag:$0x1], $0x4000, $0x38;
	[tilespmem:$0x1C100] =	vst v63  }
0x81: {  	_ =	swait.ge [sflag:s25], $0x4000  }
0x82: {  	[sflag:s25] =	ssyncset.done $0x0  }
0x83: {  	[sflag:s25] =	ssyncadd.s32 $0xFFFFC000  }
0x84: {  	[tilespmem:s24], [sflag:$0x1] =	stream.linear.gather [spmem:s16], $0x4000, $0x38;
	[tilespmem:$0x1C100] =	vst v63  }
0x85: {  	_ =	swait.ge [sflag:s25], $0x4000  }
0x86: {  	[sflag:s25] =	ssyncset.done $0x0  }
0x87: {  	[sflag:s25] =	ssyncadd.s32 $0xFFFFC000  }
0x88: {  	[hbm4b:s17+s2] =	stream.linear.scatter [tilespmem:s24], [sflag:$0x1], $0x4000, $0x38;
	[tilespmem:$0x1C100] =	vst v63  }
0x89: {  	_ =	swait.ge [sflag:s25], $0x4000  }
0x8a: {  	[sflag:s25] =	ssyncset.done $0x0  }
0x8b: {  	[sflag:s25] =	ssyncadd.s32 $0xFFFFC000  }
0x8c: {  	[tilespmem:s24], [sflag:$0x1] =	stream.linear.gather [spmem:s18], $0x4000, $0x38;
	[tilespmem:$0x1C100] =	vst v63  }
0x8d: {  	_ =	swait.ge [sflag:s25], $0x4000  }
0x8e: {  	[sflag:s25] =	ssyncset.done $0x0  }
0x8f: {  	[sflag:s25] =	ssyncadd.s32 $0xFFFFC000  }
0x90: {  	[hbm4b:s19+s2] =	stream.linear.scatter [tilespmem:s24], [sflag:$0x1], $0x4000, $0x38;
	[tilespmem:$0x1C100] =	vst v63  }
0x91: {  	_ =	swait.ge [sflag:s25], $0x4000  }
0x92: {  	[sflag:s25] =	ssyncset.done $0x0  }
0x93: {  	[sflag:s25] =	ssyncadd.s32 $0xFFFFC000  }
0x94: {  	[tilespmem:s24], [sflag:$0x1] =	stream.linear.gather [spmem:s20], $0x4000, $0x38;
	[tilespmem:$0x1C100] =	vst v63  }
0x95: {  	_ =	swait.ge [sflag:s25], $0x4000  }
0x96: {  	[sflag:s25] =	ssyncset.done $0x0  }
0x97: {  	[sflag:s25] =	ssyncadd.s32 $0xFFFFC000  }
0x98: {  	[hbm4b:s21+s2] =	stream.linear.scatter [tilespmem:s24], [sflag:$0x1], $0x4000, $0x38;
	[tilespmem:$0x1C100] =	vst v63  }
0x99: {  	_ =	swait.ge [sflag:s25], $0x4000  }
0x9a: {  	[sflag:s25] =	ssyncset.done $0x0  }
0x9b: {  	[sflag:s25] =	ssyncadd.s32 $0xFFFFC000  }
0x9c: {  	[tilespmem:s24], [sflag:$0x1] =	stream.linear.gather [spmem:s22], $0x4000, $0x38;
	[tilespmem:$0x1C100] =	vst v63  }
0x9d: {  	_ =	swait.ge [sflag:s25], $0x4000  }
0x9e: {  	[sflag:s25] =	ssyncset.done $0x0  }
0x9f: {  	[sflag:s25] =	ssyncadd.s32 $0xFFFFC000  }
0xa0: {  	[hbm4b:s23+s2] =	stream.linear.scatter [tilespmem:s24], [sflag:$0x1], $0x4000, $0x38;
	[tilespmem:$0x1C100] =	vst v63  }
0xa1: {  	_ =	swait.ge [sflag:s25], $0x4000  }
0xa2: {  	s29 =	sadd.s32 $0x1, s29;
	s0 =	rddreg [dreg:$0x3]  }
0xa3: {  	p0 =	sne.s32 s29, s0  }
.Ltmp3:
0xa4: {  	_ = 	snop;
	(pc) =	sbr.rel @p0 .LBB2_1-.Ltmp3, $3  }
0xa5: {  	_ =	sdelay $0x1  }
0xa6: {  	[sflag:s25] =	ssyncset.done $0x0  }
0xa7: {  	[sflag:s25] =	ssyncadd.s32 $0xFFFFC000  }
0xa8: {  	_ =	sfence.sel $0x180000  }
0xa9: {  	[bflag:$0x0] =	sbarrier.arrive $0xFFFF  }
0xaa: {  	_ =	strace $0x9000004D  }
0xab: {  	s0 =	stileid.u32;
	[bflag:$0x2] =	sbarrier.arrive $0xFFFF  }
0xac: {  	p0 =	sne.s32 s0, $0x0;
	s0 =	rddreg [dreg:$0x2]  }
0xad: {  	s0 =	sadd.s32 @!p0 $0x100000, s0  }
0xae: {  	[sflag:s0] =	ssyncadd.tile.s32 @!p0 $0x1;
	_ =	shalt  }
.Lfunc_end2:
_tile_overlayer_lowered:
.L_overlay_start_2:
0xaf: {  	(tag) =	ssettag $0x2  }
0xb0: {  	s0 =	rddreg [dreg:$0x0];
	s2 =	stileid.u32  }
0xb1: {  	s1 =	rddreg [dreg:$0x1];
	p0 =	sne.s32 s2, $0x0  }
0xb2: {  	s3 =	rddreg [dreg:$0x2];
	[bflag:$0x3] =	sbarrier.arrive $0xFFFF;
	s2 =	simm.s32 @!p0 $0x1C01  }
0xb3: {  	[timem:s3], [sflag:s2] =	dma.local @!p0 [hbm:s0], s1  }
0xb4: {  	s0 =	simm.s32 @!p0 $0x1  }
0xb5: {  	_ =	swait.ge @!p0 [sflag:s0], s1  }
0xb6: {  	s1 =	ssub.s32 @!p0 $0x0, s1;
	[sflag:s0] =	ssyncset.done @!p0 $0x0  }
0xb7: {  	[sflag:s0] =	ssyncadd.s32 @!p0 s1  }
0xb8: {  	[bflag:$0x3] =	sbarrier.arrive $0xFFFF  }
0xb9: {  	_ =	shalt  }

</sc_bundles>
